<compile_context>
chip_gen: v7x
topology: tpu7x:2x2x1
jax: 0.10.2.dev20260603
libtpu: 0.0.44.dev20260713+nightly
codegen_flags: <defaults>
</compile_context>

<pallas_src>
import functools

import jax
import jax.numpy as jnp
from jax import lax
from jax.experimental import pallas as pl
from jax.experimental.pallas import tpu as pltpu
from jax.experimental.pallas import tpu_sc as plsc

VOCAB = 1000
VPAD = 1024
LPR = VPAD // 128
T = 20
B = 4096
NG = 4
TG = T // NG
NC = 2
NS = 16
NW = NC * NS


def _make_gather(g):
    ktok = 16
    kr = ktok * LPR
    b_per_w = B // NW
    cpt = b_per_w // ktok
    nchunk = TG * cpt
    assert nchunk % 2 == 0 and nchunk >= 4
    g_off = g * TG * B * LPR
    mesh = plsc.VectorSubcoreMesh(core_axis_name="c", subcore_axis_name="s")

    @functools.partial(
        pl.kernel,
        out_type=jax.ShapeDtypeStruct((B * TG * LPR, 128), jnp.float32),
        mesh=mesh,
        scratch_types=[
            pltpu.VMEM((TG * b_per_w * LPR,), jnp.int32),
            pltpu.VMEM((2, kr, 128), jnp.float32),
            pltpu.SemaphoreType.DMA,
            pltpu.SemaphoreType.DMA,
        ],
        compiler_params=pltpu.CompilerParams(use_tc_tiling_on_sc=True),
    )
    def gather_kernel(tview_hbm, idx_hbm, out_hbm, idx_v, rows_v, sem0, sem1):
        wid = lax.axis_index("s") * NC + lax.axis_index("c")
        sems = (sem0, sem1)
        for t in range(TG):
            pltpu.sync_copy(
                idx_hbm.at[pl.ds(g_off + t * (B * LPR) + wid * (b_per_w * LPR),
                                 b_per_w * LPR)],
                idx_v.at[pl.ds(t * (b_per_w * LPR), b_per_w * LPR)],
            )

        def gather_dma(c, slot):
            return pltpu.make_async_copy(
                tview_hbm.at[idx_v.at[pl.ds(c * kr, kr)]],
                rows_v.at[slot],
                sems[slot],
            )

        def out_copy(c, slot):
            off = ((c // cpt) * (B * LPR) + wid * (b_per_w * LPR)
                   + (c % cpt) * kr)
            pltpu.sync_copy(rows_v.at[slot], out_hbm.at[pl.ds(off, kr)])

        gather_dma(0, 0).start()

        def body(c2, carry):
            c = 2 * c2
            gather_dma(c + 1, 1).start()
            gather_dma(c, 0).wait()
            out_copy(c, 0)
            gather_dma(c + 2, 0).start()
            gather_dma(c + 1, 1).wait()
            out_copy(c + 1, 1)
            return carry

        lax.fori_loop(0, nchunk // 2 - 1, body, 0)
        c = nchunk - 2
        gather_dma(c + 1, 1).start()
        gather_dma(c, 0).wait()
        out_copy(c, 0)
        gather_dma(c + 1, 1).wait()
        out_copy(c + 1, 1)

    return gather_kernel


BJ = 512


def _transpose_first_body(x_ref, o_ref):
    x = x_ref[...]
    xr = x.reshape(BJ, LPR, 128)
    y = jnp.transpose(xr, (1, 0, 2))
    z = jnp.transpose(y, (0, 2, 1))
    o_ref[0] = z.reshape(VPAD, BJ)[:VOCAB]


def _transpose_chain_body(acc_ref, x_ref, o_ref):
    del acc_ref
    _transpose_first_body(x_ref, o_ref)


def _mid_spec():
    return pl.BlockSpec((BJ * LPR, 128), lambda t, j: (t * (B // BJ) + j, 0))


def _make_transpose(g):
    out_spec = pl.BlockSpec((1, VOCAB, BJ), lambda t, j: (g * TG + t, 0, j))
    out_shape = jax.ShapeDtypeStruct((T, VOCAB, B), jnp.float32)
    if g == 0:
        return pl.pallas_call(
            _transpose_first_body,
            grid=(TG, B // BJ),
            in_specs=[_mid_spec()],
            out_specs=out_spec,
            out_shape=out_shape,
        )
    return pl.pallas_call(
        _transpose_chain_body,
        grid=(TG, B // BJ),
        in_specs=[pl.BlockSpec(memory_space=pltpu.MemorySpace.HBM), _mid_spec()],
        out_specs=out_spec,
        out_shape=out_shape,
        input_output_aliases={0: 0},
    )


_gathers = [_make_gather(g) for g in range(NG)]
_transposes = [_make_transpose(g) for g in range(NG)]


@jax.jit
def kernel(idx, token_embedding_table):
    idx_t = jnp.transpose(idx)
    idx8 = (idx_t.reshape(-1)[:, None] * LPR
            + jnp.arange(LPR, dtype=jnp.int32)).reshape(-1)
    table_p = jnp.pad(token_embedding_table, ((0, 0), (0, VPAD - VOCAB)))
    tview = table_p.reshape(VOCAB * LPR, 128)
    mids = [_gathers[g](tview, idx8) for g in range(NG)]
    out_t = _transposes[0](mids[0])
    for g in range(1, NG):
        out_t = _transposes[g](out_t, mids[g])
    return jnp.transpose(out_t, (2, 0, 1))

# --- scband reference (transcript-rebuilt; emitter-appended) ---
"""Pipeline reference for scband-bigram-language-model-31920196943964 (READ-ONLY COPY).

The authoritative reference and input builder live on the scoring server;
editing this copy changes nothing except your own understanding.
"""

import jax, jax.numpy as jnp
import numpy as np

VOCAB = 1000
B = 4096
T = 20


def setup_inputs(seed: int = 0) -> dict:
    key = jax.random.key(seed)
    k_idx, k_tab = jax.random.split(key)
    idx = jax.random.randint(k_idx, (B, T), 0, VOCAB, dtype=jnp.int32)
    token_embedding_table = jax.random.normal(k_tab, (VOCAB, VOCAB), dtype=jnp.float32)
    return {"idx": idx, "token_embedding_table": token_embedding_table}


def reference(idx, token_embedding_table):
    # BigramLanguageModel.forward with targets=None:
    # logits = self.token_embedding_table(idx) -> [B, T, C] gather, C == vocab_size
    logits = jnp.take(token_embedding_table, idx, axis=0)
    return logits

if __name__ == "__main__":
    import jax
    _d = setup_inputs()
    print(jax.jit(kernel)(*tuple(_d.values())))

</pallas_src>

<mosaic_0001>
#map = affine_map<(d0, d1) -> (0, 0)>
#map1 = affine_map<(d0, d1) -> (0)>
module attributes {stable_mosaic.version = 14 : i64} {
  func.func @gather_kernel(%arg0: i32, %arg1: i32, %arg2: memref<8000x128xf32, #tpu.memory_space<hbm>>, %arg3: memref<655360xi32, #tpu.memory_space<hbm>>, %arg4: memref<163840x128xf32, #tpu.memory_space<hbm>>, %arg5: memref<5120xi32, #tpu.memory_space<vmem>>, %arg6: memref<2x128x128xf32, #tpu.memory_space<vmem>>, %arg7: memref<!tpu.dma_semaphore, #tpu.memory_space<semaphore_mem>>, %arg8: memref<!tpu.dma_semaphore, #tpu.memory_space<semaphore_mem>>) attributes {dimension_semantics = [#tpu.dimension_semantics<core_parallel>, #tpu.dimension_semantics<subcore_parallel>], iteration_bounds = array<i64: 2, 16>, scalar_prefetch = 0 : i64, scratch_operands = 4 : i64, tpu.core_type = #tpu.core_type<sc_vector_subcore>, window_params = [{transform_indices = #map}, {transform_indices = #map1}, {transform_indices = #map}]} {
    %mul3A = arith.constant 2 : i32
    %mul3A_0 = arith.muli %arg1, %mul3A : i32
    %add3A = arith.addi %mul3A_0, %arg0 : i32
    %mul3A_1 = arith.constant 1024 : i32
    %mul3A_2 = arith.muli %add3A, %mul3A_1 : i32
    %add3A_3 = arith.constant 0 : i32
    %add3A_4 = arith.addi %add3A_3, %mul3A_2 : i32
    "tpu.region"() ({
      %run_scoped3A_77 = tpu.sem_alloc : memref<!tpu.dma_semaphore, #tpu.memory_space<semaphore_mem>>
      %dma_start3A_78 = arith.constant 0 : i32
      %dma_start3A_79 = tpu.memref_slice %arg5[%dma_start3A_78] : memref<5120xi32, #tpu.memory_space<vmem>> -> memref<1024xi32, #tpu.memory_space<vmem>>
      %dma_start3A_80 = tpu.memref_slice %arg3[%add3A_4] : memref<655360xi32, #tpu.memory_space<hbm>> -> memref<1024xi32, #tpu.memory_space<hbm>>
      %dma_start3A_81 = arith.constant 0 : i32
      %dma_start3A_82 = tpu.memref_slice %arg5[%dma_start3A_81] : memref<5120xi32, #tpu.memory_space<vmem>> -> memref<1024xi32, #tpu.memory_space<vmem>>
      %dma_start3A_83 = tpu.memref_slice %arg3[%add3A_4] : memref<655360xi32, #tpu.memory_space<hbm>> -> memref<1024xi32, #tpu.memory_space<hbm>>
      tpu.enqueue_dma source(%dma_start3A_83 : memref<1024xi32, #tpu.memory_space<hbm>>) target(%dma_start3A_82 : memref<1024xi32, #tpu.memory_space<vmem>>) target_semaphore(%run_scoped3A_77 : memref<!tpu.dma_semaphore, #tpu.memory_space<semaphore_mem>>)
      %dma_wait3A_84 = arith.constant 0 : i32
      %dma_wait3A_85 = tpu.memref_slice %arg5[%dma_wait3A_84] : memref<5120xi32, #tpu.memory_space<vmem>> -> memref<1024xi32, #tpu.memory_space<vmem>>
      %dma_wait3A_86 = tpu.memref_slice %arg3[%add3A_4] : memref<655360xi32, #tpu.memory_space<hbm>> -> memref<1024xi32, #tpu.memory_space<hbm>>
      %dma_wait3A_87 = arith.constant 0 : i32
      %dma_wait3A_88 = tpu.memref_slice %arg5[%dma_wait3A_87] : memref<5120xi32, #tpu.memory_space<vmem>> -> memref<1024xi32, #tpu.memory_space<vmem>>
      %dma_wait3A_89 = tpu.memref_slice %arg3[%add3A_4] : memref<655360xi32, #tpu.memory_space<hbm>> -> memref<1024xi32, #tpu.memory_space<hbm>>
      tpu.wait_dma2 semaphore(%run_scoped3A_77 : memref<!tpu.dma_semaphore, #tpu.memory_space<semaphore_mem>>) src(%dma_wait3A_89 : memref<1024xi32, #tpu.memory_space<hbm>>) dst(%dma_wait3A_88 : memref<1024xi32, #tpu.memory_space<vmem>>)
      tpu.yield
    }) : () -> ()
    %mul3A_5 = arith.constant 1024 : i32
    %mul3A_6 = arith.muli %add3A, %mul3A_5 : i32
    %add3A_7 = arith.constant 32768 : i32
    %add3A_8 = arith.addi %add3A_7, %mul3A_6 : i32
    "tpu.region"() ({
      %run_scoped3A_77 = tpu.sem_alloc : memref<!tpu.dma_semaphore, #tpu.memory_space<semaphore_mem>>
      %dma_start3A_78 = arith.constant 1024 : i32
      %dma_start3A_79 = tpu.memref_slice %arg5[%dma_start3A_78] : memref<5120xi32, #tpu.memory_space<vmem>> -> memref<1024xi32, #tpu.memory_space<vmem>>
      %dma_start3A_80 = tpu.memref_slice %arg3[%add3A_8] : memref<655360xi32, #tpu.memory_space<hbm>> -> memref<1024xi32, #tpu.memory_space<hbm>>
      %dma_start3A_81 = arith.constant 1024 : i32
      %dma_start3A_82 = tpu.memref_slice %arg5[%dma_start3A_81] : memref<5120xi32, #tpu.memory_space<vmem>> -> memref<1024xi32, #tpu.memory_space<vmem>>
      %dma_start3A_83 = tpu.memref_slice %arg3[%add3A_8] : memref<655360xi32, #tpu.memory_space<hbm>> -> memref<1024xi32, #tpu.memory_space<hbm>>
      tpu.enqueue_dma source(%dma_start3A_83 : memref<1024xi32, #tpu.memory_space<hbm>>) target(%dma_start3A_82 : memref<1024xi32, #tpu.memory_space<vmem>>) target_semaphore(%run_scoped3A_77 : memref<!tpu.dma_semaphore, #tpu.memory_space<semaphore_mem>>)
      %dma_wait3A_84 = arith.constant 1024 : i32
      %dma_wait3A_85 = tpu.memref_slice %arg5[%dma_wait3A_84] : memref<5120xi32, #tpu.memory_space<vmem>> -> memref<1024xi32, #tpu.memory_space<vmem>>
      %dma_wait3A_86 = tpu.memref_slice %arg3[%add3A_8] : memref<655360xi32, #tpu.memory_space<hbm>> -> memref<1024xi32, #tpu.memory_space<hbm>>
      %dma_wait3A_87 = arith.constant 1024 : i32
      %dma_wait3A_88 = tpu.memref_slice %arg5[%dma_wait3A_87] : memref<5120xi32, #tpu.memory_space<vmem>> -> memref<1024xi32, #tpu.memory_space<vmem>>
      %dma_wait3A_89 = tpu.memref_slice %arg3[%add3A_8] : memref<655360xi32, #tpu.memory_space<hbm>> -> memref<1024xi32, #tpu.memory_space<hbm>>
      tpu.wait_dma2 semaphore(%run_scoped3A_77 : memref<!tpu.dma_semaphore, #tpu.memory_space<semaphore_mem>>) src(%dma_wait3A_89 : memref<1024xi32, #tpu.memory_space<hbm>>) dst(%dma_wait3A_88 : memref<1024xi32, #tpu.memory_space<vmem>>)
      tpu.yield
    }) : () -> ()
    %mul3A_9 = arith.constant 1024 : i32
    %mul3A_10 = arith.muli %add3A, %mul3A_9 : i32
    %add3A_11 = arith.constant 65536 : i32
    %add3A_12 = arith.addi %add3A_11, %mul3A_10 : i32
    "tpu.region"() ({
      %run_scoped3A_77 = tpu.sem_alloc : memref<!tpu.dma_semaphore, #tpu.memory_space<semaphore_mem>>
      %dma_start3A_78 = arith.constant 2048 : i32
      %dma_start3A_79 = tpu.memref_slice %arg5[%dma_start3A_78] : memref<5120xi32, #tpu.memory_space<vmem>> -> memref<1024xi32, #tpu.memory_space<vmem>>
      %dma_start3A_80 = tpu.memref_slice %arg3[%add3A_12] : memref<655360xi32, #tpu.memory_space<hbm>> -> memref<1024xi32, #tpu.memory_space<hbm>>
      %dma_start3A_81 = arith.constant 2048 : i32
      %dma_start3A_82 = tpu.memref_slice %arg5[%dma_start3A_81] : memref<5120xi32, #tpu.memory_space<vmem>> -> memref<1024xi32, #tpu.memory_space<vmem>>
      %dma_start3A_83 = tpu.memref_slice %arg3[%add3A_12] : memref<655360xi32, #tpu.memory_space<hbm>> -> memref<1024xi32, #tpu.memory_space<hbm>>
      tpu.enqueue_dma source(%dma_start3A_83 : memref<1024xi32, #tpu.memory_space<hbm>>) target(%dma_start3A_82 : memref<1024xi32, #tpu.memory_space<vmem>>) target_semaphore(%run_scoped3A_77 : memref<!tpu.dma_semaphore, #tpu.memory_space<semaphore_mem>>)
      %dma_wait3A_84 = arith.constant 2048 : i32
      %dma_wait3A_85 = tpu.memref_slice %arg5[%dma_wait3A_84] : memref<5120xi32, #tpu.memory_space<vmem>> -> memref<1024xi32, #tpu.memory_space<vmem>>
      %dma_wait3A_86 = tpu.memref_slice %arg3[%add3A_12] : memref<655360xi32, #tpu.memory_space<hbm>> -> memref<1024xi32, #tpu.memory_space<hbm>>
      %dma_wait3A_87 = arith.constant 2048 : i32
      %dma_wait3A_88 = tpu.memref_slice %arg5[%dma_wait3A_87] : memref<5120xi32, #tpu.memory_space<vmem>> -> memref<1024xi32, #tpu.memory_space<vmem>>
      %dma_wait3A_89 = tpu.memref_slice %arg3[%add3A_12] : memref<655360xi32, #tpu.memory_space<hbm>> -> memref<1024xi32, #tpu.memory_space<hbm>>
      tpu.wait_dma2 semaphore(%run_scoped3A_77 : memref<!tpu.dma_semaphore, #tpu.memory_space<semaphore_mem>>) src(%dma_wait3A_89 : memref<1024xi32, #tpu.memory_space<hbm>>) dst(%dma_wait3A_88 : memref<1024xi32, #tpu.memory_space<vmem>>)
      tpu.yield
    }) : () -> ()
    %mul3A_13 = arith.constant 1024 : i32
    %mul3A_14 = arith.muli %add3A, %mul3A_13 : i32
    %add3A_15 = arith.constant 98304 : i32
    %add3A_16 = arith.addi %add3A_15, %mul3A_14 : i32
    "tpu.region"() ({
      %run_scoped3A_77 = tpu.sem_alloc : memref<!tpu.dma_semaphore, #tpu.memory_space<semaphore_mem>>
      %dma_start3A_78 = arith.constant 3072 : i32
      %dma_start3A_79 = tpu.memref_slice %arg5[%dma_start3A_78] : memref<5120xi32, #tpu.memory_space<vmem>> -> memref<1024xi32, #tpu.memory_space<vmem>>
      %dma_start3A_80 = tpu.memref_slice %arg3[%add3A_16] : memref<655360xi32, #tpu.memory_space<hbm>> -> memref<1024xi32, #tpu.memory_space<hbm>>
      %dma_start3A_81 = arith.constant 3072 : i32
      %dma_start3A_82 = tpu.memref_slice %arg5[%dma_start3A_81] : memref<5120xi32, #tpu.memory_space<vmem>> -> memref<1024xi32, #tpu.memory_space<vmem>>
      %dma_start3A_83 = tpu.memref_slice %arg3[%add3A_16] : memref<655360xi32, #tpu.memory_space<hbm>> -> memref<1024xi32, #tpu.memory_space<hbm>>
      tpu.enqueue_dma source(%dma_start3A_83 : memref<1024xi32, #tpu.memory_space<hbm>>) target(%dma_start3A_82 : memref<1024xi32, #tpu.memory_space<vmem>>) target_semaphore(%run_scoped3A_77 : memref<!tpu.dma_semaphore, #tpu.memory_space<semaphore_mem>>)
      %dma_wait3A_84 = arith.constant 3072 : i32
      %dma_wait3A_85 = tpu.memref_slice %arg5[%dma_wait3A_84] : memref<5120xi32, #tpu.memory_space<vmem>> -> memref<1024xi32, #tpu.memory_space<vmem>>
      %dma_wait3A_86 = tpu.memref_slice %arg3[%add3A_16] : memref<655360xi32, #tpu.memory_space<hbm>> -> memref<1024xi32, #tpu.memory_space<hbm>>
      %dma_wait3A_87 = arith.constant 3072 : i32
      %dma_wait3A_88 = tpu.memref_slice %arg5[%dma_wait3A_87] : memref<5120xi32, #tpu.memory_space<vmem>> -> memref<1024xi32, #tpu.memory_space<vmem>>
      %dma_wait3A_89 = tpu.memref_slice %arg3[%add3A_16] : memref<655360xi32, #tpu.memory_space<hbm>> -> memref<1024xi32, #tpu.memory_space<hbm>>
      tpu.wait_dma2 semaphore(%run_scoped3A_77 : memref<!tpu.dma_semaphore, #tpu.memory_space<semaphore_mem>>) src(%dma_wait3A_89 : memref<1024xi32, #tpu.memory_space<hbm>>) dst(%dma_wait3A_88 : memref<1024xi32, #tpu.memory_space<vmem>>)
      tpu.yield
    }) : () -> ()
    %mul3A_17 = arith.constant 1024 : i32
    %mul3A_18 = arith.muli %add3A, %mul3A_17 : i32
    %add3A_19 = arith.constant 131072 : i32
    %add3A_20 = arith.addi %add3A_19, %mul3A_18 : i32
    "tpu.region"() ({
      %run_scoped3A_77 = tpu.sem_alloc : memref<!tpu.dma_semaphore, #tpu.memory_space<semaphore_mem>>
      %dma_start3A_78 = arith.constant 4096 : i32
      %dma_start3A_79 = tpu.memref_slice %arg5[%dma_start3A_78] : memref<5120xi32, #tpu.memory_space<vmem>> -> memref<1024xi32, #tpu.memory_space<vmem>>
      %dma_start3A_80 = tpu.memref_slice %arg3[%add3A_20] : memref<655360xi32, #tpu.memory_space<hbm>> -> memref<1024xi32, #tpu.memory_space<hbm>>
      %dma_start3A_81 = arith.constant 4096 : i32
      %dma_start3A_82 = tpu.memref_slice %arg5[%dma_start3A_81] : memref<5120xi32, #tpu.memory_space<vmem>> -> memref<1024xi32, #tpu.memory_space<vmem>>
      %dma_start3A_83 = tpu.memref_slice %arg3[%add3A_20] : memref<655360xi32, #tpu.memory_space<hbm>> -> memref<1024xi32, #tpu.memory_space<hbm>>
      tpu.enqueue_dma source(%dma_start3A_83 : memref<1024xi32, #tpu.memory_space<hbm>>) target(%dma_start3A_82 : memref<1024xi32, #tpu.memory_space<vmem>>) target_semaphore(%run_scoped3A_77 : memref<!tpu.dma_semaphore, #tpu.memory_space<semaphore_mem>>)
      %dma_wait3A_84 = arith.constant 4096 : i32
      %dma_wait3A_85 = tpu.memref_slice %arg5[%dma_wait3A_84] : memref<5120xi32, #tpu.memory_space<vmem>> -> memref<1024xi32, #tpu.memory_space<vmem>>
      %dma_wait3A_86 = tpu.memref_slice %arg3[%add3A_20] : memref<655360xi32, #tpu.memory_space<hbm>> -> memref<1024xi32, #tpu.memory_space<hbm>>
      %dma_wait3A_87 = arith.constant 4096 : i32
      %dma_wait3A_88 = tpu.memref_slice %arg5[%dma_wait3A_87] : memref<5120xi32, #tpu.memory_space<vmem>> -> memref<1024xi32, #tpu.memory_space<vmem>>
      %dma_wait3A_89 = tpu.memref_slice %arg3[%add3A_20] : memref<655360xi32, #tpu.memory_space<hbm>> -> memref<1024xi32, #tpu.memory_space<hbm>>
      tpu.wait_dma2 semaphore(%run_scoped3A_77 : memref<!tpu.dma_semaphore, #tpu.memory_space<semaphore_mem>>) src(%dma_wait3A_89 : memref<1024xi32, #tpu.memory_space<hbm>>) dst(%dma_wait3A_88 : memref<1024xi32, #tpu.memory_space<vmem>>)
      tpu.yield
    }) : () -> ()
    %dma_start3A = arith.constant 0 : i32
    %dma_start3A_21 = arith.constant 0 : i32
    %dma_start3A_22 = arith.constant 0 : i32
    %dma_start3A_23 = tpu.memref_slice %arg6[%dma_start3A, %dma_start3A_21, %dma_start3A_22] : memref<2x128x128xf32, #tpu.memory_space<vmem>> -> memref<1x128x128xf32, #tpu.memory_space<vmem>>
    %dma_start3A_24 = tpu.memref_squeeze %dma_start3A_23 : memref<1x128x128xf32, #tpu.memory_space<vmem>> -> memref<128x128xf32, #tpu.memory_space<vmem>>
    %dma_start3A_25 = arith.constant 0 : i32
    %dma_start3A_26 = tpu.memref_slice %arg5[%dma_start3A_25] : memref<5120xi32, #tpu.memory_space<vmem>> -> memref<128xi32, #tpu.memory_space<vmem>>
    %dma_start3A_27 = arith.constant 0 : i32
    %dma_start3A_28 = arith.constant 0 : i32
    %dma_start3A_29 = tpu.memref_slice %arg2[%dma_start3A_27, %dma_start3A_28] : memref<8000x128xf32, #tpu.memory_space<hbm>> -> memref<8000x128xf32, #tpu.memory_space<hbm>>
    tpu.enqueue_indirect_dma source(%dma_start3A_29 : memref<8000x128xf32, #tpu.memory_space<hbm>>) target(%dma_start3A_24 : memref<128x128xf32, #tpu.memory_space<vmem>>) offsets(%dma_start3A_26 : memref<128xi32, #tpu.memory_space<vmem>>) semaphore(%arg7 : memref<!tpu.dma_semaphore, #tpu.memory_space<semaphore_mem>>)
    %scan3A = arith.constant 0 : i32
    %scan3A_30 = arith.constant 0 : i32
    %scan3A_31 = arith.constant 19 : i32
    %scan3A_32 = arith.addi %scan3A_30, %scan3A_31 : i32
    %scan3A_33 = arith.constant 1 : i32
    scf.for %scan3A_77 = %scan3A_30 to %scan3A_32 step %scan3A_33  : i32 {
      %mul3A_78 = arith.constant 2 : i32
      %mul3A_79 = arith.muli %mul3A_78, %scan3A_77 : i32
      %add3A_80 = arith.constant 1 : i32
      %add3A_81 = arith.addi %mul3A_79, %add3A_80 : i32
      %mul3A_82 = arith.constant 128 : i32
      %mul3A_83 = arith.muli %add3A_81, %mul3A_82 : i32
      %dma_start3A_84 = arith.constant 1 : i32
      %dma_start3A_85 = arith.constant 0 : i32
      %dma_start3A_86 = arith.constant 0 : i32
      %dma_start3A_87 = tpu.memref_slice %arg6[%dma_start3A_84, %dma_start3A_85, %dma_start3A_86] : memref<2x128x128xf32, #tpu.memory_space<vmem>> -> memref<1x128x128xf32, #tpu.memory_space<vmem>>
      %dma_start3A_88 = tpu.memref_squeeze %dma_start3A_87 : memref<1x128x128xf32, #tpu.memory_space<vmem>> -> memref<128x128xf32, #tpu.memory_space<vmem>>
      %dma_start3A_89 = tpu.memref_slice %arg5[%mul3A_83] : memref<5120xi32, #tpu.memory_space<vmem>> -> memref<128xi32, #tpu.memory_space<vmem>>
      %dma_start3A_90 = arith.constant 0 : i32
      %dma_start3A_91 = arith.constant 0 : i32
      %dma_start3A_92 = tpu.memref_slice %arg2[%dma_start3A_90, %dma_start3A_91] : memref<8000x128xf32, #tpu.memory_space<hbm>> -> memref<8000x128xf32, #tpu.memory_space<hbm>>
      tpu.enqueue_indirect_dma source(%dma_start3A_92 : memref<8000x128xf32, #tpu.memory_space<hbm>>) target(%dma_start3A_88 : memref<128x128xf32, #tpu.memory_space<vmem>>) offsets(%dma_start3A_89 : memref<128xi32, #tpu.memory_space<vmem>>) semaphore(%arg8 : memref<!tpu.dma_semaphore, #tpu.memory_space<semaphore_mem>>)
      %mul3A_93 = arith.constant 128 : i32
      %mul3A_94 = arith.muli %mul3A_79, %mul3A_93 : i32
      %dma_wait3A_95 = arith.constant 0 : i32
      %dma_wait3A_96 = arith.constant 0 : i32
      %dma_wait3A_97 = arith.constant 0 : i32
      %dma_wait3A_98 = tpu.memref_slice %arg6[%dma_wait3A_95, %dma_wait3A_96, %dma_wait3A_97] : memref<2x128x128xf32, #tpu.memory_space<vmem>> -> memref<1x128x128xf32, #tpu.memory_space<vmem>>
      %dma_wait3A_99 = tpu.memref_squeeze %dma_wait3A_98 : memref<1x128x128xf32, #tpu.memory_space<vmem>> -> memref<128x128xf32, #tpu.memory_space<vmem>>
      %dma_wait3A_100 = tpu.memref_slice %arg5[%mul3A_94] : memref<5120xi32, #tpu.memory_space<vmem>> -> memref<128xi32, #tpu.memory_space<vmem>>
      %dma_wait3A_101 = arith.constant 0 : i32
      %dma_wait3A_102 = arith.constant 0 : i32
      %dma_wait3A_103 = tpu.memref_slice %arg2[%dma_wait3A_101, %dma_wait3A_102] : memref<8000x128xf32, #tpu.memory_space<hbm>> -> memref<8000x128xf32, #tpu.memory_space<hbm>>
      tpu.wait_indirect_dma semaphore(%arg7 : memref<!tpu.dma_semaphore, #tpu.memory_space<semaphore_mem>>) src(%dma_wait3A_103 : memref<8000x128xf32, #tpu.memory_space<hbm>>) dst(%dma_wait3A_99 : memref<128x128xf32, #tpu.memory_space<vmem>>)
      %jit3A = arith.constant 8 : i32
      %div3A = arith.divsi %mul3A_79, %jit3A : i32
      %sign3A = arith.constant 0 : i32
      %sign3A_104 = arith.cmpi sgt, %mul3A_79, %sign3A : i32
      %sign3A_105 = arith.extui %sign3A_104 : i1 to i32
      %sign3A_106 = arith.constant 0 : i32
      %sign3A_107 = arith.cmpi slt, %mul3A_79, %sign3A_106 : i32
      %sign3A_108 = arith.extui %sign3A_107 : i1 to i32
      %sign3A_109 = arith.subi %sign3A_105, %sign3A_108 : i32
      %sign3A_110 = arith.constant 0 : i32
      %sign3A_111 = arith.cmpi sgt, %jit3A, %sign3A_110 : i32
      %sign3A_112 = arith.extui %sign3A_111 : i1 to i32
      %sign3A_113 = arith.constant 0 : i32
      %sign3A_114 = arith.cmpi slt, %jit3A, %sign3A_113 : i32
      %sign3A_115 = arith.extui %sign3A_114 : i1 to i32
      %sign3A_116 = arith.subi %sign3A_112, %sign3A_115 : i32
      %ne3A = arith.cmpi ne, %sign3A_109, %sign3A_116 : i32
      %rem3A = arith.remsi %mul3A_79, %jit3A : i32
      %ne3A_117 = arith.constant 0 : i32
      %ne3A_118 = arith.cmpi ne, %rem3A, %ne3A_117 : i32
      %and3A = arith.andi %ne3A, %ne3A_118 : i1
      %sub3A = arith.constant 1 : i32
      %sub3A_119 = arith.subi %div3A, %sub3A : i32
      %select_n3A = arith.select %and3A, %sub3A_119, %div3A : i32
      %mul3A_120 = arith.constant 32768 : i32
      %mul3A_121 = arith.muli %select_n3A, %mul3A_120 : i32
      %mul3A_122 = arith.constant 1024 : i32
      %mul3A_123 = arith.muli %add3A, %mul3A_122 : i32
      %add3A_124 = arith.addi %mul3A_121, %mul3A_123 : i32
      %jit3A_125 = arith.constant 8 : i32
      %eq3A = arith.constant 0 : i32
      %eq3A_126 = arith.cmpi eq, %jit3A_125, %eq3A : i32
      %jit3A_127 = arith.constant 1 : i32
      %select_n3A_128 = arith.select %eq3A_126, %jit3A_127, %jit3A_125 : i32
      %rem3A_129 = arith.remsi %mul3A_79, %select_n3A_128 : i32
      %ne3A_130 = arith.constant 0 : i32
      %ne3A_131 = arith.cmpi ne, %rem3A_129, %ne3A_130 : i32
      %lt3A = arith.constant 0 : i32
      %lt3A_132 = arith.cmpi slt, %rem3A_129, %lt3A : i32
      %lt3A_133 = arith.constant 0 : i32
      %lt3A_134 = arith.cmpi slt, %select_n3A_128, %lt3A_133 : i32
      %ne3A_135 = arith.xori %lt3A_132, %lt3A_134 : i1
      %and3A_136 = arith.andi %ne3A_135, %ne3A_131 : i1
      %add3A_137 = arith.addi %rem3A_129, %select_n3A_128 : i32
      %select_n3A_138 = arith.select %and3A_136, %add3A_137, %rem3A_129 : i32
      %mul3A_139 = arith.constant 128 : i32
      %mul3A_140 = arith.muli %select_n3A_138, %mul3A_139 : i32
      %add3A_141 = arith.addi %add3A_124, %mul3A_140 : i32
      %run_scoped3A_142 = arith.constant 0 : i32
      "tpu.region"() ({
        %run_scoped3A_220 = tpu.sem_alloc : memref<!tpu.dma_semaphore, #tpu.memory_space<semaphore_mem>>
        %dma_start3A_221 = arith.constant 0 : i32
        %dma_start3A_222 = arith.constant 0 : i32
        %dma_start3A_223 = tpu.memref_slice %arg6[%run_scoped3A_142, %dma_start3A_221, %dma_start3A_222] : memref<2x128x128xf32, #tpu.memory_space<vmem>> -> memref<1x128x128xf32, #tpu.memory_space<vmem>>
        %dma_start3A_224 = tpu.memref_squeeze %dma_start3A_223 : memref<1x128x128xf32, #tpu.memory_space<vmem>> -> memref<128x128xf32, #tpu.memory_space<vmem>>
        %dma_start3A_225 = arith.constant 0 : i32
        %dma_start3A_226 = tpu.memref_slice %arg4[%add3A_141, %dma_start3A_225] : memref<163840x128xf32, #tpu.memory_space<hbm>> -> memref<128x128xf32, #tpu.memory_space<hbm>>
        %dma_start3A_227 = arith.constant 0 : i32
        %dma_start3A_228 = tpu.memref_slice %arg4[%add3A_141, %dma_start3A_227] : memref<163840x128xf32, #tpu.memory_space<hbm>> -> memref<128x128xf32, #tpu.memory_space<hbm>>
        %dma_start3A_229 = arith.constant 0 : i32
        %dma_start3A_230 = arith.constant 0 : i32
        %dma_start3A_231 = tpu.memref_slice %arg6[%run_scoped3A_142, %dma_start3A_229, %dma_start3A_230] : memref<2x128x128xf32, #tpu.memory_space<vmem>> -> memref<1x128x128xf32, #tpu.memory_space<vmem>>
        %dma_start3A_232 = tpu.memref_squeeze %dma_start3A_231 : memref<1x128x128xf32, #tpu.memory_space<vmem>> -> memref<128x128xf32, #tpu.memory_space<vmem>>
        tpu.enqueue_dma source(%dma_start3A_232 : memref<128x128xf32, #tpu.memory_space<vmem>>) target(%dma_start3A_228 : memref<128x128xf32, #tpu.memory_space<hbm>>) target_semaphore(%run_scoped3A_220 : memref<!tpu.dma_semaphore, #tpu.memory_space<semaphore_mem>>)
        %dma_wait3A_233 = arith.constant 0 : i32
        %dma_wait3A_234 = arith.constant 0 : i32
        %dma_wait3A_235 = tpu.memref_slice %arg6[%run_scoped3A_142, %dma_wait3A_233, %dma_wait3A_234] : memref<2x128x128xf32, #tpu.memory_space<vmem>> -> memref<1x128x128xf32, #tpu.memory_space<vmem>>
        %dma_wait3A_236 = tpu.memref_squeeze %dma_wait3A_235 : memref<1x128x128xf32, #tpu.memory_space<vmem>> -> memref<128x128xf32, #tpu.memory_space<vmem>>
        %dma_wait3A_237 = arith.constant 0 : i32
        %dma_wait3A_238 = tpu.memref_slice %arg4[%add3A_141, %dma_wait3A_237] : memref<163840x128xf32, #tpu.memory_space<hbm>> -> memref<128x128xf32, #tpu.memory_space<hbm>>
        %dma_wait3A_239 = arith.constant 0 : i32
        %dma_wait3A_240 = tpu.memref_slice %arg4[%add3A_141, %dma_wait3A_239] : memref<163840x128xf32, #tpu.memory_space<hbm>> -> memref<128x128xf32, #tpu.memory_space<hbm>>
        %dma_wait3A_241 = arith.constant 0 : i32
        %dma_wait3A_242 = arith.constant 0 : i32
        %dma_wait3A_243 = tpu.memref_slice %arg6[%run_scoped3A_142, %dma_wait3A_241, %dma_wait3A_242] : memref<2x128x128xf32, #tpu.memory_space<vmem>> -> memref<1x128x128xf32, #tpu.memory_space<vmem>>
        %dma_wait3A_244 = tpu.memref_squeeze %dma_wait3A_243 : memref<1x128x128xf32, #tpu.memory_space<vmem>> -> memref<128x128xf32, #tpu.memory_space<vmem>>
        tpu.wait_dma2 semaphore(%run_scoped3A_220 : memref<!tpu.dma_semaphore, #tpu.memory_space<semaphore_mem>>) src(%dma_wait3A_244 : memref<128x128xf32, #tpu.memory_space<vmem>>) dst(%dma_wait3A_240 : memref<128x128xf32, #tpu.memory_space<hbm>>)
        tpu.yield
      }) : () -> ()
      %add3A_143 = arith.constant 2 : i32
      %add3A_144 = arith.addi %mul3A_79, %add3A_143 : i32
      %mul3A_145 = arith.constant 128 : i32
      %mul3A_146 = arith.muli %add3A_144, %mul3A_145 : i32
      %dma_start3A_147 = arith.constant 0 : i32
      %dma_start3A_148 = arith.constant 0 : i32
      %dma_start3A_149 = arith.constant 0 : i32
      %dma_start3A_150 = tpu.memref_slice %arg6[%dma_start3A_147, %dma_start3A_148, %dma_start3A_149] : memref<2x128x128xf32, #tpu.memory_space<vmem>> -> memref<1x128x128xf32, #tpu.memory_space<vmem>>
      %dma_start3A_151 = tpu.memref_squeeze %dma_start3A_150 : memref<1x128x128xf32, #tpu.memory_space<vmem>> -> memref<128x128xf32, #tpu.memory_space<vmem>>
      %dma_start3A_152 = tpu.memref_slice %arg5[%mul3A_146] : memref<5120xi32, #tpu.memory_space<vmem>> -> memref<128xi32, #tpu.memory_space<vmem>>
      %dma_start3A_153 = arith.constant 0 : i32
      %dma_start3A_154 = arith.constant 0 : i32
      %dma_start3A_155 = tpu.memref_slice %arg2[%dma_start3A_153, %dma_start3A_154] : memref<8000x128xf32, #tpu.memory_space<hbm>> -> memref<8000x128xf32, #tpu.memory_space<hbm>>
      tpu.enqueue_indirect_dma source(%dma_start3A_155 : memref<8000x128xf32, #tpu.memory_space<hbm>>) target(%dma_start3A_151 : memref<128x128xf32, #tpu.memory_space<vmem>>) offsets(%dma_start3A_152 : memref<128xi32, #tpu.memory_space<vmem>>) semaphore(%arg7 : memref<!tpu.dma_semaphore, #tpu.memory_space<semaphore_mem>>)
      %add3A_156 = arith.constant 1 : i32
      %add3A_157 = arith.addi %mul3A_79, %add3A_156 : i32
      %mul3A_158 = arith.constant 128 : i32
      %mul3A_159 = arith.muli %add3A_157, %mul3A_158 : i32
      %dma_wait3A_160 = arith.constant 1 : i32
      %dma_wait3A_161 = arith.constant 0 : i32
      %dma_wait3A_162 = arith.constant 0 : i32
      %dma_wait3A_163 = tpu.memref_slice %arg6[%dma_wait3A_160, %dma_wait3A_161, %dma_wait3A_162] : memref<2x128x128xf32, #tpu.memory_space<vmem>> -> memref<1x128x128xf32, #tpu.memory_space<vmem>>
      %dma_wait3A_164 = tpu.memref_squeeze %dma_wait3A_163 : memref<1x128x128xf32, #tpu.memory_space<vmem>> -> memref<128x128xf32, #tpu.memory_space<vmem>>
      %dma_wait3A_165 = tpu.memref_slice %arg5[%mul3A_159] : memref<5120xi32, #tpu.memory_space<vmem>> -> memref<128xi32, #tpu.memory_space<vmem>>
      %dma_wait3A_166 = arith.constant 0 : i32
      %dma_wait3A_167 = arith.constant 0 : i32
      %dma_wait3A_168 = tpu.memref_slice %arg2[%dma_wait3A_166, %dma_wait3A_167] : memref<8000x128xf32, #tpu.memory_space<hbm>> -> memref<8000x128xf32, #tpu.memory_space<hbm>>
      tpu.wait_indirect_dma semaphore(%arg8 : memref<!tpu.dma_semaphore, #tpu.memory_space<semaphore_mem>>) src(%dma_wait3A_168 : memref<8000x128xf32, #tpu.memory_space<hbm>>) dst(%dma_wait3A_164 : memref<128x128xf32, #tpu.memory_space<vmem>>)
      %add3A_169 = arith.constant 1 : i32
      %add3A_170 = arith.addi %mul3A_79, %add3A_169 : i32
      %jit3A_171 = arith.constant 8 : i32
      %div3A_172 = arith.divsi %add3A_170, %jit3A_171 : i32
      %sign3A_173 = arith.constant 0 : i32
      %sign3A_174 = arith.cmpi sgt, %add3A_170, %sign3A_173 : i32
      %sign3A_175 = arith.extui %sign3A_174 : i1 to i32
      %sign3A_176 = arith.constant 0 : i32
      %sign3A_177 = arith.cmpi slt, %add3A_170, %sign3A_176 : i32
      %sign3A_178 = arith.extui %sign3A_177 : i1 to i32
      %sign3A_179 = arith.subi %sign3A_175, %sign3A_178 : i32
      %sign3A_180 = arith.constant 0 : i32
      %sign3A_181 = arith.cmpi sgt, %jit3A_171, %sign3A_180 : i32
      %sign3A_182 = arith.extui %sign3A_181 : i1 to i32
      %sign3A_183 = arith.constant 0 : i32
      %sign3A_184 = arith.cmpi slt, %jit3A_171, %sign3A_183 : i32
      %sign3A_185 = arith.extui %sign3A_184 : i1 to i32
      %sign3A_186 = arith.subi %sign3A_182, %sign3A_185 : i32
      %ne3A_187 = arith.cmpi ne, %sign3A_179, %sign3A_186 : i32
      %rem3A_188 = arith.remsi %add3A_170, %jit3A_171 : i32
      %ne3A_189 = arith.constant 0 : i32
      %ne3A_190 = arith.cmpi ne, %rem3A_188, %ne3A_189 : i32
      %and3A_191 = arith.andi %ne3A_187, %ne3A_190 : i1
      %sub3A_192 = arith.constant 1 : i32
      %sub3A_193 = arith.subi %div3A_172, %sub3A_192 : i32
      %select_n3A_194 = arith.select %and3A_191, %sub3A_193, %div3A_172 : i32
      %mul3A_195 = arith.constant 32768 : i32
      %mul3A_196 = arith.muli %select_n3A_194, %mul3A_195 : i32
      %mul3A_197 = arith.constant 1024 : i32
      %mul3A_198 = arith.muli %add3A, %mul3A_197 : i32
      %add3A_199 = arith.addi %mul3A_196, %mul3A_198 : i32
      %jit3A_200 = arith.constant 8 : i32
      %eq3A_201 = arith.constant 0 : i32
      %eq3A_202 = arith.cmpi eq, %jit3A_200, %eq3A_201 : i32
      %jit3A_203 = arith.constant 1 : i32
      %select_n3A_204 = arith.select %eq3A_202, %jit3A_203, %jit3A_200 : i32
      %rem3A_205 = arith.remsi %add3A_170, %select_n3A_204 : i32
      %ne3A_206 = arith.constant 0 : i32
      %ne3A_207 = arith.cmpi ne, %rem3A_205, %ne3A_206 : i32
      %lt3A_208 = arith.constant 0 : i32
      %lt3A_209 = arith.cmpi slt, %rem3A_205, %lt3A_208 : i32
      %lt3A_210 = arith.constant 0 : i32
      %lt3A_211 = arith.cmpi slt, %select_n3A_204, %lt3A_210 : i32
      %ne3A_212 = arith.xori %lt3A_209, %lt3A_211 : i1
      %and3A_213 = arith.andi %ne3A_212, %ne3A_207 : i1
      %add3A_214 = arith.addi %rem3A_205, %select_n3A_204 : i32
      %select_n3A_215 = arith.select %and3A_213, %add3A_214, %rem3A_205 : i32
      %mul3A_216 = arith.constant 128 : i32
      %mul3A_217 = arith.muli %select_n3A_215, %mul3A_216 : i32
      %add3A_218 = arith.addi %add3A_199, %mul3A_217 : i32
      %run_scoped3A_219 = arith.constant 1 : i32
      "tpu.region"() ({
        %run_scoped3A_220 = tpu.sem_alloc : memref<!tpu.dma_semaphore, #tpu.memory_space<semaphore_mem>>
        %dma_start3A_221 = arith.constant 0 : i32
        %dma_start3A_222 = arith.constant 0 : i32
        %dma_start3A_223 = tpu.memref_slice %arg6[%run_scoped3A_219, %dma_start3A_221, %dma_start3A_222] : memref<2x128x128xf32, #tpu.memory_space<vmem>> -> memref<1x128x128xf32, #tpu.memory_space<vmem>>
        %dma_start3A_224 = tpu.memref_squeeze %dma_start3A_223 : memref<1x128x128xf32, #tpu.memory_space<vmem>> -> memref<128x128xf32, #tpu.memory_space<vmem>>
        %dma_start3A_225 = arith.constant 0 : i32
        %dma_start3A_226 = tpu.memref_slice %arg4[%add3A_218, %dma_start3A_225] : memref<163840x128xf32, #tpu.memory_space<hbm>> -> memref<128x128xf32, #tpu.memory_space<hbm>>
        %dma_start3A_227 = arith.constant 0 : i32
        %dma_start3A_228 = tpu.memref_slice %arg4[%add3A_218, %dma_start3A_227] : memref<163840x128xf32, #tpu.memory_space<hbm>> -> memref<128x128xf32, #tpu.memory_space<hbm>>
        %dma_start3A_229 = arith.constant 0 : i32
        %dma_start3A_230 = arith.constant 0 : i32
        %dma_start3A_231 = tpu.memref_slice %arg6[%run_scoped3A_219, %dma_start3A_229, %dma_start3A_230] : memref<2x128x128xf32, #tpu.memory_space<vmem>> -> memref<1x128x128xf32, #tpu.memory_space<vmem>>
        %dma_start3A_232 = tpu.memref_squeeze %dma_start3A_231 : memref<1x128x128xf32, #tpu.memory_space<vmem>> -> memref<128x128xf32, #tpu.memory_space<vmem>>
        tpu.enqueue_dma source(%dma_start3A_232 : memref<128x128xf32, #tpu.memory_space<vmem>>) target(%dma_start3A_228 : memref<128x128xf32, #tpu.memory_space<hbm>>) target_semaphore(%run_scoped3A_220 : memref<!tpu.dma_semaphore, #tpu.memory_space<semaphore_mem>>)
        %dma_wait3A_233 = arith.constant 0 : i32
        %dma_wait3A_234 = arith.constant 0 : i32
        %dma_wait3A_235 = tpu.memref_slice %arg6[%run_scoped3A_219, %dma_wait3A_233, %dma_wait3A_234] : memref<2x128x128xf32, #tpu.memory_space<vmem>> -> memref<1x128x128xf32, #tpu.memory_space<vmem>>
        %dma_wait3A_236 = tpu.memref_squeeze %dma_wait3A_235 : memref<1x128x128xf32, #tpu.memory_space<vmem>> -> memref<128x128xf32, #tpu.memory_space<vmem>>
        %dma_wait3A_237 = arith.constant 0 : i32
        %dma_wait3A_238 = tpu.memref_slice %arg4[%add3A_218, %dma_wait3A_237] : memref<163840x128xf32, #tpu.memory_space<hbm>> -> memref<128x128xf32, #tpu.memory_space<hbm>>
        %dma_wait3A_239 = arith.constant 0 : i32
        %dma_wait3A_240 = tpu.memref_slice %arg4[%add3A_218, %dma_wait3A_239] : memref<163840x128xf32, #tpu.memory_space<hbm>> -> memref<128x128xf32, #tpu.memory_space<hbm>>
        %dma_wait3A_241 = arith.constant 0 : i32
        %dma_wait3A_242 = arith.constant 0 : i32
        %dma_wait3A_243 = tpu.memref_slice %arg6[%run_scoped3A_219, %dma_wait3A_241, %dma_wait3A_242] : memref<2x128x128xf32, #tpu.memory_space<vmem>> -> memref<1x128x128xf32, #tpu.memory_space<vmem>>
        %dma_wait3A_244 = tpu.memref_squeeze %dma_wait3A_243 : memref<1x128x128xf32, #tpu.memory_space<vmem>> -> memref<128x128xf32, #tpu.memory_space<vmem>>
        tpu.wait_dma2 semaphore(%run_scoped3A_220 : memref<!tpu.dma_semaphore, #tpu.memory_space<semaphore_mem>>) src(%dma_wait3A_244 : memref<128x128xf32, #tpu.memory_space<vmem>>) dst(%dma_wait3A_240 : memref<128x128xf32, #tpu.memory_space<hbm>>)
        tpu.yield
      }) : () -> ()
    }
    %scan3A_34 = arith.constant 19 : i32
    %dma_start3A_35 = arith.constant 1 : i32
    %dma_start3A_36 = arith.constant 0 : i32
    %dma_start3A_37 = arith.constant 0 : i32
    %dma_start3A_38 = tpu.memref_slice %arg6[%dma_start3A_35, %dma_start3A_36, %dma_start3A_37] : memref<2x128x128xf32, #tpu.memory_space<vmem>> -> memref<1x128x128xf32, #tpu.memory_space<vmem>>
    %dma_start3A_39 = tpu.memref_squeeze %dma_start3A_38 : memref<1x128x128xf32, #tpu.memory_space<vmem>> -> memref<128x128xf32, #tpu.memory_space<vmem>>
    %dma_start3A_40 = arith.constant 4992 : i32
    %dma_start3A_41 = tpu.memref_slice %arg5[%dma_start3A_40] : memref<5120xi32, #tpu.memory_space<vmem>> -> memref<128xi32, #tpu.memory_space<vmem>>
    %dma_start3A_42 = arith.constant 0 : i32
    %dma_start3A_43 = arith.constant 0 : i32
    %dma_start3A_44 = tpu.memref_slice %arg2[%dma_start3A_42, %dma_start3A_43] : memref<8000x128xf32, #tpu.memory_space<hbm>> -> memref<8000x128xf32, #tpu.memory_space<hbm>>
    tpu.enqueue_indirect_dma source(%dma_start3A_44 : memref<8000x128xf32, #tpu.memory_space<hbm>>) target(%dma_start3A_39 : memref<128x128xf32, #tpu.memory_space<vmem>>) offsets(%dma_start3A_41 : memref<128xi32, #tpu.memory_space<vmem>>) semaphore(%arg8 : memref<!tpu.dma_semaphore, #tpu.memory_space<semaphore_mem>>)
    %dma_wait3A = arith.constant 0 : i32
    %dma_wait3A_45 = arith.constant 0 : i32
    %dma_wait3A_46 = arith.constant 0 : i32
    %dma_wait3A_47 = tpu.memref_slice %arg6[%dma_wait3A, %dma_wait3A_45, %dma_wait3A_46] : memref<2x128x128xf32, #tpu.memory_space<vmem>> -> memref<1x128x128xf32, #tpu.memory_space<vmem>>
    %dma_wait3A_48 = tpu.memref_squeeze %dma_wait3A_47 : memref<1x128x128xf32, #tpu.memory_space<vmem>> -> memref<128x128xf32, #tpu.memory_space<vmem>>
    %dma_wait3A_49 = arith.constant 4864 : i32
    %dma_wait3A_50 = tpu.memref_slice %arg5[%dma_wait3A_49] : memref<5120xi32, #tpu.memory_space<vmem>> -> memref<128xi32, #tpu.memory_space<vmem>>
    %dma_wait3A_51 = arith.constant 0 : i32
    %dma_wait3A_52 = arith.constant 0 : i32
    %dma_wait3A_53 = tpu.memref_slice %arg2[%dma_wait3A_51, %dma_wait3A_52] : memref<8000x128xf32, #tpu.memory_space<hbm>> -> memref<8000x128xf32, #tpu.memory_space<hbm>>
    tpu.wait_indirect_dma semaphore(%arg7 : memref<!tpu.dma_semaphore, #tpu.memory_space<semaphore_mem>>) src(%dma_wait3A_53 : memref<8000x128xf32, #tpu.memory_space<hbm>>) dst(%dma_wait3A_48 : memref<128x128xf32, #tpu.memory_space<vmem>>)
    %mul3A_54 = arith.constant 1024 : i32
    %mul3A_55 = arith.muli %add3A, %mul3A_54 : i32
    %add3A_56 = arith.constant 131072 : i32
    %add3A_57 = arith.addi %add3A_56, %mul3A_55 : i32
    %add3A_58 = arith.constant 768 : i32
    %add3A_59 = arith.addi %add3A_57, %add3A_58 : i32
    %run_scoped3A = arith.constant 0 : i32
    "tpu.region"() ({
      %run_scoped3A_77 = tpu.sem_alloc : memref<!tpu.dma_semaphore, #tpu.memory_space<semaphore_mem>>
      %dma_start3A_78 = arith.constant 0 : i32
      %dma_start3A_79 = arith.constant 0 : i32
      %dma_start3A_80 = tpu.memref_slice %arg6[%run_scoped3A, %dma_start3A_78, %dma_start3A_79] : memref<2x128x128xf32, #tpu.memory_space<vmem>> -> memref<1x128x128xf32, #tpu.memory_space<vmem>>
      %dma_start3A_81 = tpu.memref_squeeze %dma_start3A_80 : memref<1x128x128xf32, #tpu.memory_space<vmem>> -> memref<128x128xf32, #tpu.memory_space<vmem>>
      %dma_start3A_82 = arith.constant 0 : i32
      %dma_start3A_83 = tpu.memref_slice %arg4[%add3A_59, %dma_start3A_82] : memref<163840x128xf32, #tpu.memory_space<hbm>> -> memref<128x128xf32, #tpu.memory_space<hbm>>
      %dma_start3A_84 = arith.constant 0 : i32
      %dma_start3A_85 = tpu.memref_slice %arg4[%add3A_59, %dma_start3A_84] : memref<163840x128xf32, #tpu.memory_space<hbm>> -> memref<128x128xf32, #tpu.memory_space<hbm>>
      %dma_start3A_86 = arith.constant 0 : i32
      %dma_start3A_87 = arith.constant 0 : i32
      %dma_start3A_88 = tpu.memref_slice %arg6[%run_scoped3A, %dma_start3A_86, %dma_start3A_87] : memref<2x128x128xf32, #tpu.memory_space<vmem>> -> memref<1x128x128xf32, #tpu.memory_space<vmem>>
      %dma_start3A_89 = tpu.memref_squeeze %dma_start3A_88 : memref<1x128x128xf32, #tpu.memory_space<vmem>> -> memref<128x128xf32, #tpu.memory_space<vmem>>
      tpu.enqueue_dma source(%dma_start3A_89 : memref<128x128xf32, #tpu.memory_space<vmem>>) target(%dma_start3A_85 : memref<128x128xf32, #tpu.memory_space<hbm>>) target_semaphore(%run_scoped3A_77 : memref<!tpu.dma_semaphore, #tpu.memory_space<semaphore_mem>>)
      %dma_wait3A_90 = arith.constant 0 : i32
      %dma_wait3A_91 = arith.constant 0 : i32
      %dma_wait3A_92 = tpu.memref_slice %arg6[%run_scoped3A, %dma_wait3A_90, %dma_wait3A_91] : memref<2x128x128xf32, #tpu.memory_space<vmem>> -> memref<1x128x128xf32, #tpu.memory_space<vmem>>
      %dma_wait3A_93 = tpu.memref_squeeze %dma_wait3A_92 : memref<1x128x128xf32, #tpu.memory_space<vmem>> -> memref<128x128xf32, #tpu.memory_space<vmem>>
      %dma_wait3A_94 = arith.constant 0 : i32
      %dma_wait3A_95 = tpu.memref_slice %arg4[%add3A_59, %dma_wait3A_94] : memref<163840x128xf32, #tpu.memory_space<hbm>> -> memref<128x128xf32, #tpu.memory_space<hbm>>
      %dma_wait3A_96 = arith.constant 0 : i32
      %dma_wait3A_97 = tpu.memref_slice %arg4[%add3A_59, %dma_wait3A_96] : memref<163840x128xf32, #tpu.memory_space<hbm>> -> memref<128x128xf32, #tpu.memory_space<hbm>>
      %dma_wait3A_98 = arith.constant 0 : i32
      %dma_wait3A_99 = arith.constant 0 : i32
      %dma_wait3A_100 = tpu.memref_slice %arg6[%run_scoped3A, %dma_wait3A_98, %dma_wait3A_99] : memref<2x128x128xf32, #tpu.memory_space<vmem>> -> memref<1x128x128xf32, #tpu.memory_space<vmem>>
      %dma_wait3A_101 = tpu.memref_squeeze %dma_wait3A_100 : memref<1x128x128xf32, #tpu.memory_space<vmem>> -> memref<128x128xf32, #tpu.memory_space<vmem>>
      tpu.wait_dma2 semaphore(%run_scoped3A_77 : memref<!tpu.dma_semaphore, #tpu.memory_space<semaphore_mem>>) src(%dma_wait3A_101 : memref<128x128xf32, #tpu.memory_space<vmem>>) dst(%dma_wait3A_97 : memref<128x128xf32, #tpu.memory_space<hbm>>)
      tpu.yield
    }) : () -> ()
    %dma_wait3A_60 = arith.constant 1 : i32
    %dma_wait3A_61 = arith.constant 0 : i32
    %dma_wait3A_62 = arith.constant 0 : i32
    %dma_wait3A_63 = tpu.memref_slice %arg6[%dma_wait3A_60, %dma_wait3A_61, %dma_wait3A_62] : memref<2x128x128xf32, #tpu.memory_space<vmem>> -> memref<1x128x128xf32, #tpu.memory_space<vmem>>
    %dma_wait3A_64 = tpu.memref_squeeze %dma_wait3A_63 : memref<1x128x128xf32, #tpu.memory_space<vmem>> -> memref<128x128xf32, #tpu.memory_space<vmem>>
    %dma_wait3A_65 = arith.constant 4992 : i32
    %dma_wait3A_66 = tpu.memref_slice %arg5[%dma_wait3A_65] : memref<5120xi32, #tpu.memory_space<vmem>> -> memref<128xi32, #tpu.memory_space<vmem>>
    %dma_wait3A_67 = arith.constant 0 : i32
    %dma_wait3A_68 = arith.constant 0 : i32
    %dma_wait3A_69 = tpu.memref_slice %arg2[%dma_wait3A_67, %dma_wait3A_68] : memref<8000x128xf32, #tpu.memory_space<hbm>> -> memref<8000x128xf32, #tpu.memory_space<hbm>>
    tpu.wait_indirect_dma semaphore(%arg8 : memref<!tpu.dma_semaphore, #tpu.memory_space<semaphore_mem>>) src(%dma_wait3A_69 : memref<8000x128xf32, #tpu.memory_space<hbm>>) dst(%dma_wait3A_64 : memref<128x128xf32, #tpu.memory_space<vmem>>)
    %mul3A_70 = arith.constant 1024 : i32
    %mul3A_71 = arith.muli %add3A, %mul3A_70 : i32
    %add3A_72 = arith.constant 131072 : i32
    %add3A_73 = arith.addi %add3A_72, %mul3A_71 : i32
    %add3A_74 = arith.constant 896 : i32
    %add3A_75 = arith.addi %add3A_73, %add3A_74 : i32
    %run_scoped3A_76 = arith.constant 1 : i32
    "tpu.region"() ({
      %run_scoped3A_77 = tpu.sem_alloc : memref<!tpu.dma_semaphore, #tpu.memory_space<semaphore_mem>>
      %dma_start3A_78 = arith.constant 0 : i32
      %dma_start3A_79 = arith.constant 0 : i32
      %dma_start3A_80 = tpu.memref_slice %arg6[%run_scoped3A_76, %dma_start3A_78, %dma_start3A_79] : memref<2x128x128xf32, #tpu.memory_space<vmem>> -> memref<1x128x128xf32, #tpu.memory_space<vmem>>
      %dma_start3A_81 = tpu.memref_squeeze %dma_start3A_80 : memref<1x128x128xf32, #tpu.memory_space<vmem>> -> memref<128x128xf32, #tpu.memory_space<vmem>>
      %dma_start3A_82 = arith.constant 0 : i32
      %dma_start3A_83 = tpu.memref_slice %arg4[%add3A_75, %dma_start3A_82] : memref<163840x128xf32, #tpu.memory_space<hbm>> -> memref<128x128xf32, #tpu.memory_space<hbm>>
      %dma_start3A_84 = arith.constant 0 : i32
      %dma_start3A_85 = tpu.memref_slice %arg4[%add3A_75, %dma_start3A_84] : memref<163840x128xf32, #tpu.memory_space<hbm>> -> memref<128x128xf32, #tpu.memory_space<hbm>>
      %dma_start3A_86 = arith.constant 0 : i32
      %dma_start3A_87 = arith.constant 0 : i32
      %dma_start3A_88 = tpu.memref_slice %arg6[%run_scoped3A_76, %dma_start3A_86, %dma_start3A_87] : memref<2x128x128xf32, #tpu.memory_space<vmem>> -> memref<1x128x128xf32, #tpu.memory_space<vmem>>
      %dma_start3A_89 = tpu.memref_squeeze %dma_start3A_88 : memref<1x128x128xf32, #tpu.memory_space<vmem>> -> memref<128x128xf32, #tpu.memory_space<vmem>>
      tpu.enqueue_dma source(%dma_start3A_89 : memref<128x128xf32, #tpu.memory_space<vmem>>) target(%dma_start3A_85 : memref<128x128xf32, #tpu.memory_space<hbm>>) target_semaphore(%run_scoped3A_77 : memref<!tpu.dma_semaphore, #tpu.memory_space<semaphore_mem>>)
      %dma_wait3A_90 = arith.constant 0 : i32
      %dma_wait3A_91 = arith.constant 0 : i32
      %dma_wait3A_92 = tpu.memref_slice %arg6[%run_scoped3A_76, %dma_wait3A_90, %dma_wait3A_91] : memref<2x128x128xf32, #tpu.memory_space<vmem>> -> memref<1x128x128xf32, #tpu.memory_space<vmem>>
      %dma_wait3A_93 = tpu.memref_squeeze %dma_wait3A_92 : memref<1x128x128xf32, #tpu.memory_space<vmem>> -> memref<128x128xf32, #tpu.memory_space<vmem>>
      %dma_wait3A_94 = arith.constant 0 : i32
      %dma_wait3A_95 = tpu.memref_slice %arg4[%add3A_75, %dma_wait3A_94] : memref<163840x128xf32, #tpu.memory_space<hbm>> -> memref<128x128xf32, #tpu.memory_space<hbm>>
      %dma_wait3A_96 = arith.constant 0 : i32
      %dma_wait3A_97 = tpu.memref_slice %arg4[%add3A_75, %dma_wait3A_96] : memref<163840x128xf32, #tpu.memory_space<hbm>> -> memref<128x128xf32, #tpu.memory_space<hbm>>
      %dma_wait3A_98 = arith.constant 0 : i32
      %dma_wait3A_99 = arith.constant 0 : i32
      %dma_wait3A_100 = tpu.memref_slice %arg6[%run_scoped3A_76, %dma_wait3A_98, %dma_wait3A_99] : memref<2x128x128xf32, #tpu.memory_space<vmem>> -> memref<1x128x128xf32, #tpu.memory_space<vmem>>
      %dma_wait3A_101 = tpu.memref_squeeze %dma_wait3A_100 : memref<1x128x128xf32, #tpu.memory_space<vmem>> -> memref<128x128xf32, #tpu.memory_space<vmem>>
      tpu.wait_dma2 semaphore(%run_scoped3A_77 : memref<!tpu.dma_semaphore, #tpu.memory_space<semaphore_mem>>) src(%dma_wait3A_101 : memref<128x128xf32, #tpu.memory_space<vmem>>) dst(%dma_wait3A_97 : memref<128x128xf32, #tpu.memory_space<hbm>>)
      tpu.yield
    }) : () -> ()
    return
  }
}

#map = affine_map<(d0, d1) -> (0, 0)>
#map1 = affine_map<(d0, d1) -> (0)>
module attributes {stable_mosaic.version = 14 : i64} {
  func.func @gather_kernel(%arg0: i32, %arg1: i32, %arg2: memref<8000x128xf32, #tpu.memory_space<hbm>>, %arg3: memref<655360xi32, #tpu.memory_space<hbm>>, %arg4: memref<163840x128xf32, #tpu.memory_space<hbm>>, %arg5: memref<5120xi32, #tpu.memory_space<vmem>>, %arg6: memref<2x128x128xf32, #tpu.memory_space<vmem>>, %arg7: memref<!tpu.dma_semaphore, #tpu.memory_space<semaphore_mem>>, %arg8: memref<!tpu.dma_semaphore, #tpu.memory_space<semaphore_mem>>) attributes {dimension_semantics = [#tpu.dimension_semantics<core_parallel>, #tpu.dimension_semantics<subcore_parallel>], iteration_bounds = array<i64: 2, 16>, scalar_prefetch = 0 : i64, scratch_operands = 4 : i64, tpu.core_type = #tpu.core_type<sc_vector_subcore>, window_params = [{transform_indices = #map}, {transform_indices = #map1}, {transform_indices = #map}]} {
    %mul3A = arith.constant 2 : i32
    %mul3A_0 = arith.muli %arg1, %mul3A : i32
    %add3A = arith.addi %mul3A_0, %arg0 : i32
    %mul3A_1 = arith.constant 1024 : i32
    %mul3A_2 = arith.muli %add3A, %mul3A_1 : i32
    %add3A_3 = arith.constant 491520 : i32
    %add3A_4 = arith.addi %add3A_3, %mul3A_2 : i32
    "tpu.region"() ({
      %run_scoped3A_77 = tpu.sem_alloc : memref<!tpu.dma_semaphore, #tpu.memory_space<semaphore_mem>>
      %dma_start3A_78 = arith.constant 0 : i32
      %dma_start3A_79 = tpu.memref_slice %arg5[%dma_start3A_78] : memref<5120xi32, #tpu.memory_space<vmem>> -> memref<1024xi32, #tpu.memory_space<vmem>>
      %dma_start3A_80 = tpu.memref_slice %arg3[%add3A_4] : memref<655360xi32, #tpu.memory_space<hbm>> -> memref<1024xi32, #tpu.memory_space<hbm>>
      %dma_start3A_81 = arith.constant 0 : i32
      %dma_start3A_82 = tpu.memref_slice %arg5[%dma_start3A_81] : memref<5120xi32, #tpu.memory_space<vmem>> -> memref<1024xi32, #tpu.memory_space<vmem>>
      %dma_start3A_83 = tpu.memref_slice %arg3[%add3A_4] : memref<655360xi32, #tpu.memory_space<hbm>> -> memref<1024xi32, #tpu.memory_space<hbm>>
      tpu.enqueue_dma source(%dma_start3A_83 : memref<1024xi32, #tpu.memory_space<hbm>>) target(%dma_start3A_82 : memref<1024xi32, #tpu.memory_space<vmem>>) target_semaphore(%run_scoped3A_77 : memref<!tpu.dma_semaphore, #tpu.memory_space<semaphore_mem>>)
      %dma_wait3A_84 = arith.constant 0 : i32
      %dma_wait3A_85 = tpu.memref_slice %arg5[%dma_wait3A_84] : memref<5120xi32, #tpu.memory_space<vmem>> -> memref<1024xi32, #tpu.memory_space<vmem>>
      %dma_wait3A_86 = tpu.memref_slice %arg3[%add3A_4] : memref<655360xi32, #tpu.memory_space<hbm>> -> memref<1024xi32, #tpu.memory_space<hbm>>
      %dma_wait3A_87 = arith.constant 0 : i32
      %dma_wait3A_88 = tpu.memref_slice %arg5[%dma_wait3A_87] : memref<5120xi32, #tpu.memory_space<vmem>> -> memref<1024xi32, #tpu.memory_space<vmem>>
      %dma_wait3A_89 = tpu.memref_slice %arg3[%add3A_4] : memref<655360xi32, #tpu.memory_space<hbm>> -> memref<1024xi32, #tpu.memory_space<hbm>>
      tpu.wait_dma2 semaphore(%run_scoped3A_77 : memref<!tpu.dma_semaphore, #tpu.memory_space<semaphore_mem>>) src(%dma_wait3A_89 : memref<1024xi32, #tpu.memory_space<hbm>>) dst(%dma_wait3A_88 : memref<1024xi32, #tpu.memory_space<vmem>>)
      tpu.yield
    }) : () -> ()
    %mul3A_5 = arith.constant 1024 : i32
    %mul3A_6 = arith.muli %add3A, %mul3A_5 : i32
    %add3A_7 = arith.constant 524288 : i32
    %add3A_8 = arith.addi %add3A_7, %mul3A_6 : i32
    "tpu.region"() ({
      %run_scoped3A_77 = tpu.sem_alloc : memref<!tpu.dma_semaphore, #tpu.memory_space<semaphore_mem>>
      %dma_start3A_78 = arith.constant 1024 : i32
      %dma_start3A_79 = tpu.memref_slice %arg5[%dma_start3A_78] : memref<5120xi32, #tpu.memory_space<vmem>> -> memref<1024xi32, #tpu.memory_space<vmem>>
      %dma_start3A_80 = tpu.memref_slice %arg3[%add3A_8] : memref<655360xi32, #tpu.memory_space<hbm>> -> memref<1024xi32, #tpu.memory_space<hbm>>
      %dma_start3A_81 = arith.constant 1024 : i32
      %dma_start3A_82 = tpu.memref_slice %arg5[%dma_start3A_81] : memref<5120xi32, #tpu.memory_space<vmem>> -> memref<1024xi32, #tpu.memory_space<vmem>>
      %dma_start3A_83 = tpu.memref_slice %arg3[%add3A_8] : memref<655360xi32, #tpu.memory_space<hbm>> -> memref<1024xi32, #tpu.memory_space<hbm>>
      tpu.enqueue_dma source(%dma_start3A_83 : memref<1024xi32, #tpu.memory_space<hbm>>) target(%dma_start3A_82 : memref<1024xi32, #tpu.memory_space<vmem>>) target_semaphore(%run_scoped3A_77 : memref<!tpu.dma_semaphore, #tpu.memory_space<semaphore_mem>>)
      %dma_wait3A_84 = arith.constant 1024 : i32
      %dma_wait3A_85 = tpu.memref_slice %arg5[%dma_wait3A_84] : memref<5120xi32, #tpu.memory_space<vmem>> -> memref<1024xi32, #tpu.memory_space<vmem>>
      %dma_wait3A_86 = tpu.memref_slice %arg3[%add3A_8] : memref<655360xi32, #tpu.memory_space<hbm>> -> memref<1024xi32, #tpu.memory_space<hbm>>
      %dma_wait3A_87 = arith.constant 1024 : i32
      %dma_wait3A_88 = tpu.memref_slice %arg5[%dma_wait3A_87] : memref<5120xi32, #tpu.memory_space<vmem>> -> memref<1024xi32, #tpu.memory_space<vmem>>
      %dma_wait3A_89 = tpu.memref_slice %arg3[%add3A_8] : memref<655360xi32, #tpu.memory_space<hbm>> -> memref<1024xi32, #tpu.memory_space<hbm>>
      tpu.wait_dma2 semaphore(%run_scoped3A_77 : memref<!tpu.dma_semaphore, #tpu.memory_space<semaphore_mem>>) src(%dma_wait3A_89 : memref<1024xi32, #tpu.memory_space<hbm>>) dst(%dma_wait3A_88 : memref<1024xi32, #tpu.memory_space<vmem>>)
      tpu.yield
    }) : () -> ()
    %mul3A_9 = arith.constant 1024 : i32
    %mul3A_10 = arith.muli %add3A, %mul3A_9 : i32
    %add3A_11 = arith.constant 557056 : i32
    %add3A_12 = arith.addi %add3A_11, %mul3A_10 : i32
    "tpu.region"() ({
      %run_scoped3A_77 = tpu.sem_alloc : memref<!tpu.dma_semaphore, #tpu.memory_space<semaphore_mem>>
      %dma_start3A_78 = arith.constant 2048 : i32
      %dma_start3A_79 = tpu.memref_slice %arg5[%dma_start3A_78] : memref<5120xi32, #tpu.memory_space<vmem>> -> memref<1024xi32, #tpu.memory_space<vmem>>
      %dma_start3A_80 = tpu.memref_slice %arg3[%add3A_12] : memref<655360xi32, #tpu.memory_space<hbm>> -> memref<1024xi32, #tpu.memory_space<hbm>>
      %dma_start3A_81 = arith.constant 2048 : i32
      %dma_start3A_82 = tpu.memref_slice %arg5[%dma_start3A_81] : memref<5120xi32, #tpu.memory_space<vmem>> -> memref<1024xi32, #tpu.memory_space<vmem>>
      %dma_start3A_83 = tpu.memref_slice %arg3[%add3A_12] : memref<655360xi32, #tpu.memory_space<hbm>> -> memref<1024xi32, #tpu.memory_space<hbm>>
      tpu.enqueue_dma source(%dma_start3A_83 : memref<1024xi32, #tpu.memory_space<hbm>>) target(%dma_start3A_82 : memref<1024xi32, #tpu.memory_space<vmem>>) target_semaphore(%run_scoped3A_77 : memref<!tpu.dma_semaphore, #tpu.memory_space<semaphore_mem>>)
      %dma_wait3A_84 = arith.constant 2048 : i32
      %dma_wait3A_85 = tpu.memref_slice %arg5[%dma_wait3A_84] : memref<5120xi32, #tpu.memory_space<vmem>> -> memref<1024xi32, #tpu.memory_space<vmem>>
      %dma_wait3A_86 = tpu.memref_slice %arg3[%add3A_12] : memref<655360xi32, #tpu.memory_space<hbm>> -> memref<1024xi32, #tpu.memory_space<hbm>>
      %dma_wait3A_87 = arith.constant 2048 : i32
      %dma_wait3A_88 = tpu.memref_slice %arg5[%dma_wait3A_87] : memref<5120xi32, #tpu.memory_space<vmem>> -> memref<1024xi32, #tpu.memory_space<vmem>>
      %dma_wait3A_89 = tpu.memref_slice %arg3[%add3A_12] : memref<655360xi32, #tpu.memory_space<hbm>> -> memref<1024xi32, #tpu.memory_space<hbm>>
      tpu.wait_dma2 semaphore(%run_scoped3A_77 : memref<!tpu.dma_semaphore, #tpu.memory_space<semaphore_mem>>) src(%dma_wait3A_89 : memref<1024xi32, #tpu.memory_space<hbm>>) dst(%dma_wait3A_88 : memref<1024xi32, #tpu.memory_space<vmem>>)
      tpu.yield
    }) : () -> ()
    %mul3A_13 = arith.constant 1024 : i32
    %mul3A_14 = arith.muli %add3A, %mul3A_13 : i32
    %add3A_15 = arith.constant 589824 : i32
    %add3A_16 = arith.addi %add3A_15, %mul3A_14 : i32
    "tpu.region"() ({
      %run_scoped3A_77 = tpu.sem_alloc : memref<!tpu.dma_semaphore, #tpu.memory_space<semaphore_mem>>
      %dma_start3A_78 = arith.constant 3072 : i32
      %dma_start3A_79 = tpu.memref_slice %arg5[%dma_start3A_78] : memref<5120xi32, #tpu.memory_space<vmem>> -> memref<1024xi32, #tpu.memory_space<vmem>>
      %dma_start3A_80 = tpu.memref_slice %arg3[%add3A_16] : memref<655360xi32, #tpu.memory_space<hbm>> -> memref<1024xi32, #tpu.memory_space<hbm>>
      %dma_start3A_81 = arith.constant 3072 : i32
      %dma_start3A_82 = tpu.memref_slice %arg5[%dma_start3A_81] : memref<5120xi32, #tpu.memory_space<vmem>> -> memref<1024xi32, #tpu.memory_space<vmem>>
      %dma_start3A_83 = tpu.memref_slice %arg3[%add3A_16] : memref<655360xi32, #tpu.memory_space<hbm>> -> memref<1024xi32, #tpu.memory_space<hbm>>
      tpu.enqueue_dma source(%dma_start3A_83 : memref<1024xi32, #tpu.memory_space<hbm>>) target(%dma_start3A_82 : memref<1024xi32, #tpu.memory_space<vmem>>) target_semaphore(%run_scoped3A_77 : memref<!tpu.dma_semaphore, #tpu.memory_space<semaphore_mem>>)
      %dma_wait3A_84 = arith.constant 3072 : i32
      %dma_wait3A_85 = tpu.memref_slice %arg5[%dma_wait3A_84] : memref<5120xi32, #tpu.memory_space<vmem>> -> memref<1024xi32, #tpu.memory_space<vmem>>
      %dma_wait3A_86 = tpu.memref_slice %arg3[%add3A_16] : memref<655360xi32, #tpu.memory_space<hbm>> -> memref<1024xi32, #tpu.memory_space<hbm>>
      %dma_wait3A_87 = arith.constant 3072 : i32
      %dma_wait3A_88 = tpu.memref_slice %arg5[%dma_wait3A_87] : memref<5120xi32, #tpu.memory_space<vmem>> -> memref<1024xi32, #tpu.memory_space<vmem>>
      %dma_wait3A_89 = tpu.memref_slice %arg3[%add3A_16] : memref<655360xi32, #tpu.memory_space<hbm>> -> memref<1024xi32, #tpu.memory_space<hbm>>
      tpu.wait_dma2 semaphore(%run_scoped3A_77 : memref<!tpu.dma_semaphore, #tpu.memory_space<semaphore_mem>>) src(%dma_wait3A_89 : memref<1024xi32, #tpu.memory_space<hbm>>) dst(%dma_wait3A_88 : memref<1024xi32, #tpu.memory_space<vmem>>)
      tpu.yield
    }) : () -> ()
    %mul3A_17 = arith.constant 1024 : i32
    %mul3A_18 = arith.muli %add3A, %mul3A_17 : i32
    %add3A_19 = arith.constant 622592 : i32
    %add3A_20 = arith.addi %add3A_19, %mul3A_18 : i32
    "tpu.region"() ({
      %run_scoped3A_77 = tpu.sem_alloc : memref<!tpu.dma_semaphore, #tpu.memory_space<semaphore_mem>>
      %dma_start3A_78 = arith.constant 4096 : i32
      %dma_start3A_79 = tpu.memref_slice %arg5[%dma_start3A_78] : memref<5120xi32, #tpu.memory_space<vmem>> -> memref<1024xi32, #tpu.memory_space<vmem>>
      %dma_start3A_80 = tpu.memref_slice %arg3[%add3A_20] : memref<655360xi32, #tpu.memory_space<hbm>> -> memref<1024xi32, #tpu.memory_space<hbm>>
      %dma_start3A_81 = arith.constant 4096 : i32
      %dma_start3A_82 = tpu.memref_slice %arg5[%dma_start3A_81] : memref<5120xi32, #tpu.memory_space<vmem>> -> memref<1024xi32, #tpu.memory_space<vmem>>
      %dma_start3A_83 = tpu.memref_slice %arg3[%add3A_20] : memref<655360xi32, #tpu.memory_space<hbm>> -> memref<1024xi32, #tpu.memory_space<hbm>>
      tpu.enqueue_dma source(%dma_start3A_83 : memref<1024xi32, #tpu.memory_space<hbm>>) target(%dma_start3A_82 : memref<1024xi32, #tpu.memory_space<vmem>>) target_semaphore(%run_scoped3A_77 : memref<!tpu.dma_semaphore, #tpu.memory_space<semaphore_mem>>)
      %dma_wait3A_84 = arith.constant 4096 : i32
      %dma_wait3A_85 = tpu.memref_slice %arg5[%dma_wait3A_84] : memref<5120xi32, #tpu.memory_space<vmem>> -> memref<1024xi32, #tpu.memory_space<vmem>>
      %dma_wait3A_86 = tpu.memref_slice %arg3[%add3A_20] : memref<655360xi32, #tpu.memory_space<hbm>> -> memref<1024xi32, #tpu.memory_space<hbm>>
      %dma_wait3A_87 = arith.constant 4096 : i32
      %dma_wait3A_88 = tpu.memref_slice %arg5[%dma_wait3A_87] : memref<5120xi32, #tpu.memory_space<vmem>> -> memref<1024xi32, #tpu.memory_space<vmem>>
      %dma_wait3A_89 = tpu.memref_slice %arg3[%add3A_20] : memref<655360xi32, #tpu.memory_space<hbm>> -> memref<1024xi32, #tpu.memory_space<hbm>>
      tpu.wait_dma2 semaphore(%run_scoped3A_77 : memref<!tpu.dma_semaphore, #tpu.memory_space<semaphore_mem>>) src(%dma_wait3A_89 : memref<1024xi32, #tpu.memory_space<hbm>>) dst(%dma_wait3A_88 : memref<1024xi32, #tpu.memory_space<vmem>>)
      tpu.yield
    }) : () -> ()
    %dma_start3A = arith.constant 0 : i32
    %dma_start3A_21 = arith.constant 0 : i32
    %dma_start3A_22 = arith.constant 0 : i32
    %dma_start3A_23 = tpu.memref_slice %arg6[%dma_start3A, %dma_start3A_21, %dma_start3A_22] : memref<2x128x128xf32, #tpu.memory_space<vmem>> -> memref<1x128x128xf32, #tpu.memory_space<vmem>>
    %dma_start3A_24 = tpu.memref_squeeze %dma_start3A_23 : memref<1x128x128xf32, #tpu.memory_space<vmem>> -> memref<128x128xf32, #tpu.memory_space<vmem>>
    %dma_start3A_25 = arith.constant 0 : i32
    %dma_start3A_26 = tpu.memref_slice %arg5[%dma_start3A_25] : memref<5120xi32, #tpu.memory_space<vmem>> -> memref<128xi32, #tpu.memory_space<vmem>>
    %dma_start3A_27 = arith.constant 0 : i32
    %dma_start3A_28 = arith.constant 0 : i32
    %dma_start3A_29 = tpu.memref_slice %arg2[%dma_start3A_27, %dma_start3A_28] : memref<8000x128xf32, #tpu.memory_space<hbm>> -> memref<8000x128xf32, #tpu.memory_space<hbm>>
    tpu.enqueue_indirect_dma source(%dma_start3A_29 : memref<8000x128xf32, #tpu.memory_space<hbm>>) target(%dma_start3A_24 : memref<128x128xf32, #tpu.memory_space<vmem>>) offsets(%dma_start3A_26 : memref<128xi32, #tpu.memory_space<vmem>>) semaphore(%arg7 : memref<!tpu.dma_semaphore, #tpu.memory_space<semaphore_mem>>)
    %scan3A = arith.constant 0 : i32
    %scan3A_30 = arith.constant 0 : i32
    %scan3A_31 = arith.constant 19 : i32
    %scan3A_32 = arith.addi %scan3A_30, %scan3A_31 : i32
    %scan3A_33 = arith.constant 1 : i32
    scf.for %scan3A_77 = %scan3A_30 to %scan3A_32 step %scan3A_33  : i32 {
      %mul3A_78 = arith.constant 2 : i32
      %mul3A_79 = arith.muli %mul3A_78, %scan3A_77 : i32
      %add3A_80 = arith.constant 1 : i32
      %add3A_81 = arith.addi %mul3A_79, %add3A_80 : i32
      %mul3A_82 = arith.constant 128 : i32
      %mul3A_83 = arith.muli %add3A_81, %mul3A_82 : i32
      %dma_start3A_84 = arith.constant 1 : i32
      %dma_start3A_85 = arith.constant 0 : i32
      %dma_start3A_86 = arith.constant 0 : i32
      %dma_start3A_87 = tpu.memref_slice %arg6[%dma_start3A_84, %dma_start3A_85, %dma_start3A_86] : memref<2x128x128xf32, #tpu.memory_space<vmem>> -> memref<1x128x128xf32, #tpu.memory_space<vmem>>
      %dma_start3A_88 = tpu.memref_squeeze %dma_start3A_87 : memref<1x128x128xf32, #tpu.memory_space<vmem>> -> memref<128x128xf32, #tpu.memory_space<vmem>>
      %dma_start3A_89 = tpu.memref_slice %arg5[%mul3A_83] : memref<5120xi32, #tpu.memory_space<vmem>> -> memref<128xi32, #tpu.memory_space<vmem>>
      %dma_start3A_90 = arith.constant 0 : i32
      %dma_start3A_91 = arith.constant 0 : i32
      %dma_start3A_92 = tpu.memref_slice %arg2[%dma_start3A_90, %dma_start3A_91] : memref<8000x128xf32, #tpu.memory_space<hbm>> -> memref<8000x128xf32, #tpu.memory_space<hbm>>
      tpu.enqueue_indirect_dma source(%dma_start3A_92 : memref<8000x128xf32, #tpu.memory_space<hbm>>) target(%dma_start3A_88 : memref<128x128xf32, #tpu.memory_space<vmem>>) offsets(%dma_start3A_89 : memref<128xi32, #tpu.memory_space<vmem>>) semaphore(%arg8 : memref<!tpu.dma_semaphore, #tpu.memory_space<semaphore_mem>>)
      %mul3A_93 = arith.constant 128 : i32
      %mul3A_94 = arith.muli %mul3A_79, %mul3A_93 : i32
      %dma_wait3A_95 = arith.constant 0 : i32
      %dma_wait3A_96 = arith.constant 0 : i32
      %dma_wait3A_97 = arith.constant 0 : i32
      %dma_wait3A_98 = tpu.memref_slice %arg6[%dma_wait3A_95, %dma_wait3A_96, %dma_wait3A_97] : memref<2x128x128xf32, #tpu.memory_space<vmem>> -> memref<1x128x128xf32, #tpu.memory_space<vmem>>
      %dma_wait3A_99 = tpu.memref_squeeze %dma_wait3A_98 : memref<1x128x128xf32, #tpu.memory_space<vmem>> -> memref<128x128xf32, #tpu.memory_space<vmem>>
      %dma_wait3A_100 = tpu.memref_slice %arg5[%mul3A_94] : memref<5120xi32, #tpu.memory_space<vmem>> -> memref<128xi32, #tpu.memory_space<vmem>>
      %dma_wait3A_101 = arith.constant 0 : i32
      %dma_wait3A_102 = arith.constant 0 : i32
      %dma_wait3A_103 = tpu.memref_slice %arg2[%dma_wait3A_101, %dma_wait3A_102] : memref<8000x128xf32, #tpu.memory_space<hbm>> -> memref<8000x128xf32, #tpu.memory_space<hbm>>
      tpu.wait_indirect_dma semaphore(%arg7 : memref<!tpu.dma_semaphore, #tpu.memory_space<semaphore_mem>>) src(%dma_wait3A_103 : memref<8000x128xf32, #tpu.memory_space<hbm>>) dst(%dma_wait3A_99 : memref<128x128xf32, #tpu.memory_space<vmem>>)
      %jit3A = arith.constant 8 : i32
      %div3A = arith.divsi %mul3A_79, %jit3A : i32
      %sign3A = arith.constant 0 : i32
      %sign3A_104 = arith.cmpi sgt, %mul3A_79, %sign3A : i32
      %sign3A_105 = arith.extui %sign3A_104 : i1 to i32
      %sign3A_106 = arith.constant 0 : i32
      %sign3A_107 = arith.cmpi slt, %mul3A_79, %sign3A_106 : i32
      %sign3A_108 = arith.extui %sign3A_107 : i1 to i32
      %sign3A_109 = arith.subi %sign3A_105, %sign3A_108 : i32
      %sign3A_110 = arith.constant 0 : i32
      %sign3A_111 = arith.cmpi sgt, %jit3A, %sign3A_110 : i32
      %sign3A_112 = arith.extui %sign3A_111 : i1 to i32
      %sign3A_113 = arith.constant 0 : i32
      %sign3A_114 = arith.cmpi slt, %jit3A, %sign3A_113 : i32
      %sign3A_115 = arith.extui %sign3A_114 : i1 to i32
      %sign3A_116 = arith.subi %sign3A_112, %sign3A_115 : i32
      %ne3A = arith.cmpi ne, %sign3A_109, %sign3A_116 : i32
      %rem3A = arith.remsi %mul3A_79, %jit3A : i32
      %ne3A_117 = arith.constant 0 : i32
      %ne3A_118 = arith.cmpi ne, %rem3A, %ne3A_117 : i32
      %and3A = arith.andi %ne3A, %ne3A_118 : i1
      %sub3A = arith.constant 1 : i32
      %sub3A_119 = arith.subi %div3A, %sub3A : i32
      %select_n3A = arith.select %and3A, %sub3A_119, %div3A : i32
      %mul3A_120 = arith.constant 32768 : i32
      %mul3A_121 = arith.muli %select_n3A, %mul3A_120 : i32
      %mul3A_122 = arith.constant 1024 : i32
      %mul3A_123 = arith.muli %add3A, %mul3A_122 : i32
      %add3A_124 = arith.addi %mul3A_121, %mul3A_123 : i32
      %jit3A_125 = arith.constant 8 : i32
      %eq3A = arith.constant 0 : i32
      %eq3A_126 = arith.cmpi eq, %jit3A_125, %eq3A : i32
      %jit3A_127 = arith.constant 1 : i32
      %select_n3A_128 = arith.select %eq3A_126, %jit3A_127, %jit3A_125 : i32
      %rem3A_129 = arith.remsi %mul3A_79, %select_n3A_128 : i32
      %ne3A_130 = arith.constant 0 : i32
      %ne3A_131 = arith.cmpi ne, %rem3A_129, %ne3A_130 : i32
      %lt3A = arith.constant 0 : i32
      %lt3A_132 = arith.cmpi slt, %rem3A_129, %lt3A : i32
      %lt3A_133 = arith.constant 0 : i32
      %lt3A_134 = arith.cmpi slt, %select_n3A_128, %lt3A_133 : i32
      %ne3A_135 = arith.xori %lt3A_132, %lt3A_134 : i1
      %and3A_136 = arith.andi %ne3A_135, %ne3A_131 : i1
      %add3A_137 = arith.addi %rem3A_129, %select_n3A_128 : i32
      %select_n3A_138 = arith.select %and3A_136, %add3A_137, %rem3A_129 : i32
      %mul3A_139 = arith.constant 128 : i32
      %mul3A_140 = arith.muli %select_n3A_138, %mul3A_139 : i32
      %add3A_141 = arith.addi %add3A_124, %mul3A_140 : i32
      %run_scoped3A_142 = arith.constant 0 : i32
      "tpu.region"() ({
        %run_scoped3A_220 = tpu.sem_alloc : memref<!tpu.dma_semaphore, #tpu.memory_space<semaphore_mem>>
        %dma_start3A_221 = arith.constant 0 : i32
        %dma_start3A_222 = arith.constant 0 : i32
        %dma_start3A_223 = tpu.memref_slice %arg6[%run_scoped3A_142, %dma_start3A_221, %dma_start3A_222] : memref<2x128x128xf32, #tpu.memory_space<vmem>> -> memref<1x128x128xf32, #tpu.memory_space<vmem>>
        %dma_start3A_224 = tpu.memref_squeeze %dma_start3A_223 : memref<1x128x128xf32, #tpu.memory_space<vmem>> -> memref<128x128xf32, #tpu.memory_space<vmem>>
        %dma_start3A_225 = arith.constant 0 : i32
        %dma_start3A_226 = tpu.memref_slice %arg4[%add3A_141, %dma_start3A_225] : memref<163840x128xf32, #tpu.memory_space<hbm>> -> memref<128x128xf32, #tpu.memory_space<hbm>>
        %dma_start3A_227 = arith.constant 0 : i32
        %dma_start3A_228 = tpu.memref_slice %arg4[%add3A_141, %dma_start3A_227] : memref<163840x128xf32, #tpu.memory_space<hbm>> -> memref<128x128xf32, #tpu.memory_space<hbm>>
        %dma_start3A_229 = arith.constant 0 : i32
        %dma_start3A_230 = arith.constant 0 : i32
        %dma_start3A_231 = tpu.memref_slice %arg6[%run_scoped3A_142, %dma_start3A_229, %dma_start3A_230] : memref<2x128x128xf32, #tpu.memory_space<vmem>> -> memref<1x128x128xf32, #tpu.memory_space<vmem>>
        %dma_start3A_232 = tpu.memref_squeeze %dma_start3A_231 : memref<1x128x128xf32, #tpu.memory_space<vmem>> -> memref<128x128xf32, #tpu.memory_space<vmem>>
        tpu.enqueue_dma source(%dma_start3A_232 : memref<128x128xf32, #tpu.memory_space<vmem>>) target(%dma_start3A_228 : memref<128x128xf32, #tpu.memory_space<hbm>>) target_semaphore(%run_scoped3A_220 : memref<!tpu.dma_semaphore, #tpu.memory_space<semaphore_mem>>)
        %dma_wait3A_233 = arith.constant 0 : i32
        %dma_wait3A_234 = arith.constant 0 : i32
        %dma_wait3A_235 = tpu.memref_slice %arg6[%run_scoped3A_142, %dma_wait3A_233, %dma_wait3A_234] : memref<2x128x128xf32, #tpu.memory_space<vmem>> -> memref<1x128x128xf32, #tpu.memory_space<vmem>>
        %dma_wait3A_236 = tpu.memref_squeeze %dma_wait3A_235 : memref<1x128x128xf32, #tpu.memory_space<vmem>> -> memref<128x128xf32, #tpu.memory_space<vmem>>
        %dma_wait3A_237 = arith.constant 0 : i32
        %dma_wait3A_238 = tpu.memref_slice %arg4[%add3A_141, %dma_wait3A_237] : memref<163840x128xf32, #tpu.memory_space<hbm>> -> memref<128x128xf32, #tpu.memory_space<hbm>>
        %dma_wait3A_239 = arith.constant 0 : i32
        %dma_wait3A_240 = tpu.memref_slice %arg4[%add3A_141, %dma_wait3A_239] : memref<163840x128xf32, #tpu.memory_space<hbm>> -> memref<128x128xf32, #tpu.memory_space<hbm>>
        %dma_wait3A_241 = arith.constant 0 : i32
        %dma_wait3A_242 = arith.constant 0 : i32
        %dma_wait3A_243 = tpu.memref_slice %arg6[%run_scoped3A_142, %dma_wait3A_241, %dma_wait3A_242] : memref<2x128x128xf32, #tpu.memory_space<vmem>> -> memref<1x128x128xf32, #tpu.memory_space<vmem>>
        %dma_wait3A_244 = tpu.memref_squeeze %dma_wait3A_243 : memref<1x128x128xf32, #tpu.memory_space<vmem>> -> memref<128x128xf32, #tpu.memory_space<vmem>>
        tpu.wait_dma2 semaphore(%run_scoped3A_220 : memref<!tpu.dma_semaphore, #tpu.memory_space<semaphore_mem>>) src(%dma_wait3A_244 : memref<128x128xf32, #tpu.memory_space<vmem>>) dst(%dma_wait3A_240 : memref<128x128xf32, #tpu.memory_space<hbm>>)
        tpu.yield
      }) : () -> ()
      %add3A_143 = arith.constant 2 : i32
      %add3A_144 = arith.addi %mul3A_79, %add3A_143 : i32
      %mul3A_145 = arith.constant 128 : i32
      %mul3A_146 = arith.muli %add3A_144, %mul3A_145 : i32
      %dma_start3A_147 = arith.constant 0 : i32
      %dma_start3A_148 = arith.constant 0 : i32
      %dma_start3A_149 = arith.constant 0 : i32
      %dma_start3A_150 = tpu.memref_slice %arg6[%dma_start3A_147, %dma_start3A_148, %dma_start3A_149] : memref<2x128x128xf32, #tpu.memory_space<vmem>> -> memref<1x128x128xf32, #tpu.memory_space<vmem>>
      %dma_start3A_151 = tpu.memref_squeeze %dma_start3A_150 : memref<1x128x128xf32, #tpu.memory_space<vmem>> -> memref<128x128xf32, #tpu.memory_space<vmem>>
      %dma_start3A_152 = tpu.memref_slice %arg5[%mul3A_146] : memref<5120xi32, #tpu.memory_space<vmem>> -> memref<128xi32, #tpu.memory_space<vmem>>
      %dma_start3A_153 = arith.constant 0 : i32
      %dma_start3A_154 = arith.constant 0 : i32
      %dma_start3A_155 = tpu.memref_slice %arg2[%dma_start3A_153, %dma_start3A_154] : memref<8000x128xf32, #tpu.memory_space<hbm>> -> memref<8000x128xf32, #tpu.memory_space<hbm>>
      tpu.enqueue_indirect_dma source(%dma_start3A_155 : memref<8000x128xf32, #tpu.memory_space<hbm>>) target(%dma_start3A_151 : memref<128x128xf32, #tpu.memory_space<vmem>>) offsets(%dma_start3A_152 : memref<128xi32, #tpu.memory_space<vmem>>) semaphore(%arg7 : memref<!tpu.dma_semaphore, #tpu.memory_space<semaphore_mem>>)
      %add3A_156 = arith.constant 1 : i32
      %add3A_157 = arith.addi %mul3A_79, %add3A_156 : i32
      %mul3A_158 = arith.constant 128 : i32
      %mul3A_159 = arith.muli %add3A_157, %mul3A_158 : i32
      %dma_wait3A_160 = arith.constant 1 : i32
      %dma_wait3A_161 = arith.constant 0 : i32
      %dma_wait3A_162 = arith.constant 0 : i32
      %dma_wait3A_163 = tpu.memref_slice %arg6[%dma_wait3A_160, %dma_wait3A_161, %dma_wait3A_162] : memref<2x128x128xf32, #tpu.memory_space<vmem>> -> memref<1x128x128xf32, #tpu.memory_space<vmem>>
      %dma_wait3A_164 = tpu.memref_squeeze %dma_wait3A_163 : memref<1x128x128xf32, #tpu.memory_space<vmem>> -> memref<128x128xf32, #tpu.memory_space<vmem>>
      %dma_wait3A_165 = tpu.memref_slice %arg5[%mul3A_159] : memref<5120xi32, #tpu.memory_space<vmem>> -> memref<128xi32, #tpu.memory_space<vmem>>
      %dma_wait3A_166 = arith.constant 0 : i32
      %dma_wait3A_167 = arith.constant 0 : i32
      %dma_wait3A_168 = tpu.memref_slice %arg2[%dma_wait3A_166, %dma_wait3A_167] : memref<8000x128xf32, #tpu.memory_space<hbm>> -> memref<8000x128xf32, #tpu.memory_space<hbm>>
      tpu.wait_indirect_dma semaphore(%arg8 : memref<!tpu.dma_semaphore, #tpu.memory_space<semaphore_mem>>) src(%dma_wait3A_168 : memref<8000x128xf32, #tpu.memory_space<hbm>>) dst(%dma_wait3A_164 : memref<128x128xf32, #tpu.memory_space<vmem>>)
      %add3A_169 = arith.constant 1 : i32
      %add3A_170 = arith.addi %mul3A_79, %add3A_169 : i32
      %jit3A_171 = arith.constant 8 : i32
      %div3A_172 = arith.divsi %add3A_170, %jit3A_171 : i32
      %sign3A_173 = arith.constant 0 : i32
      %sign3A_174 = arith.cmpi sgt, %add3A_170, %sign3A_173 : i32
      %sign3A_175 = arith.extui %sign3A_174 : i1 to i32
      %sign3A_176 = arith.constant 0 : i32
      %sign3A_177 = arith.cmpi slt, %add3A_170, %sign3A_176 : i32
      %sign3A_178 = arith.extui %sign3A_177 : i1 to i32
      %sign3A_179 = arith.subi %sign3A_175, %sign3A_178 : i32
      %sign3A_180 = arith.constant 0 : i32
      %sign3A_181 = arith.cmpi sgt, %jit3A_171, %sign3A_180 : i32
      %sign3A_182 = arith.extui %sign3A_181 : i1 to i32
      %sign3A_183 = arith.constant 0 : i32
      %sign3A_184 = arith.cmpi slt, %jit3A_171, %sign3A_183 : i32
      %sign3A_185 = arith.extui %sign3A_184 : i1 to i32
      %sign3A_186 = arith.subi %sign3A_182, %sign3A_185 : i32
      %ne3A_187 = arith.cmpi ne, %sign3A_179, %sign3A_186 : i32
      %rem3A_188 = arith.remsi %add3A_170, %jit3A_171 : i32
      %ne3A_189 = arith.constant 0 : i32
      %ne3A_190 = arith.cmpi ne, %rem3A_188, %ne3A_189 : i32
      %and3A_191 = arith.andi %ne3A_187, %ne3A_190 : i1
      %sub3A_192 = arith.constant 1 : i32
      %sub3A_193 = arith.subi %div3A_172, %sub3A_192 : i32
      %select_n3A_194 = arith.select %and3A_191, %sub3A_193, %div3A_172 : i32
      %mul3A_195 = arith.constant 32768 : i32
      %mul3A_196 = arith.muli %select_n3A_194, %mul3A_195 : i32
      %mul3A_197 = arith.constant 1024 : i32
      %mul3A_198 = arith.muli %add3A, %mul3A_197 : i32
      %add3A_199 = arith.addi %mul3A_196, %mul3A_198 : i32
      %jit3A_200 = arith.constant 8 : i32
      %eq3A_201 = arith.constant 0 : i32
      %eq3A_202 = arith.cmpi eq, %jit3A_200, %eq3A_201 : i32
      %jit3A_203 = arith.constant 1 : i32
      %select_n3A_204 = arith.select %eq3A_202, %jit3A_203, %jit3A_200 : i32
      %rem3A_205 = arith.remsi %add3A_170, %select_n3A_204 : i32
      %ne3A_206 = arith.constant 0 : i32
      %ne3A_207 = arith.cmpi ne, %rem3A_205, %ne3A_206 : i32
      %lt3A_208 = arith.constant 0 : i32
      %lt3A_209 = arith.cmpi slt, %rem3A_205, %lt3A_208 : i32
      %lt3A_210 = arith.constant 0 : i32
      %lt3A_211 = arith.cmpi slt, %select_n3A_204, %lt3A_210 : i32
      %ne3A_212 = arith.xori %lt3A_209, %lt3A_211 : i1
      %and3A_213 = arith.andi %ne3A_212, %ne3A_207 : i1
      %add3A_214 = arith.addi %rem3A_205, %select_n3A_204 : i32
      %select_n3A_215 = arith.select %and3A_213, %add3A_214, %rem3A_205 : i32
      %mul3A_216 = arith.constant 128 : i32
      %mul3A_217 = arith.muli %select_n3A_215, %mul3A_216 : i32
      %add3A_218 = arith.addi %add3A_199, %mul3A_217 : i32
      %run_scoped3A_219 = arith.constant 1 : i32
      "tpu.region"() ({
        %run_scoped3A_220 = tpu.sem_alloc : memref<!tpu.dma_semaphore, #tpu.memory_space<semaphore_mem>>
        %dma_start3A_221 = arith.constant 0 : i32
        %dma_start3A_222 = arith.constant 0 : i32
        %dma_start3A_223 = tpu.memref_slice %arg6[%run_scoped3A_219, %dma_start3A_221, %dma_start3A_222] : memref<2x128x128xf32, #tpu.memory_space<vmem>> -> memref<1x128x128xf32, #tpu.memory_space<vmem>>
        %dma_start3A_224 = tpu.memref_squeeze %dma_start3A_223 : memref<1x128x128xf32, #tpu.memory_space<vmem>> -> memref<128x128xf32, #tpu.memory_space<vmem>>
        %dma_start3A_225 = arith.constant 0 : i32
        %dma_start3A_226 = tpu.memref_slice %arg4[%add3A_218, %dma_start3A_225] : memref<163840x128xf32, #tpu.memory_space<hbm>> -> memref<128x128xf32, #tpu.memory_space<hbm>>
        %dma_start3A_227 = arith.constant 0 : i32
        %dma_start3A_228 = tpu.memref_slice %arg4[%add3A_218, %dma_start3A_227] : memref<163840x128xf32, #tpu.memory_space<hbm>> -> memref<128x128xf32, #tpu.memory_space<hbm>>
        %dma_start3A_229 = arith.constant 0 : i32
        %dma_start3A_230 = arith.constant 0 : i32
        %dma_start3A_231 = tpu.memref_slice %arg6[%run_scoped3A_219, %dma_start3A_229, %dma_start3A_230] : memref<2x128x128xf32, #tpu.memory_space<vmem>> -> memref<1x128x128xf32, #tpu.memory_space<vmem>>
        %dma_start3A_232 = tpu.memref_squeeze %dma_start3A_231 : memref<1x128x128xf32, #tpu.memory_space<vmem>> -> memref<128x128xf32, #tpu.memory_space<vmem>>
        tpu.enqueue_dma source(%dma_start3A_232 : memref<128x128xf32, #tpu.memory_space<vmem>>) target(%dma_start3A_228 : memref<128x128xf32, #tpu.memory_space<hbm>>) target_semaphore(%run_scoped3A_220 : memref<!tpu.dma_semaphore, #tpu.memory_space<semaphore_mem>>)
        %dma_wait3A_233 = arith.constant 0 : i32
        %dma_wait3A_234 = arith.constant 0 : i32
        %dma_wait3A_235 = tpu.memref_slice %arg6[%run_scoped3A_219, %dma_wait3A_233, %dma_wait3A_234] : memref<2x128x128xf32, #tpu.memory_space<vmem>> -> memref<1x128x128xf32, #tpu.memory_space<vmem>>
        %dma_wait3A_236 = tpu.memref_squeeze %dma_wait3A_235 : memref<1x128x128xf32, #tpu.memory_space<vmem>> -> memref<128x128xf32, #tpu.memory_space<vmem>>
        %dma_wait3A_237 = arith.constant 0 : i32
        %dma_wait3A_238 = tpu.memref_slice %arg4[%add3A_218, %dma_wait3A_237] : memref<163840x128xf32, #tpu.memory_space<hbm>> -> memref<128x128xf32, #tpu.memory_space<hbm>>
        %dma_wait3A_239 = arith.constant 0 : i32
        %dma_wait3A_240 = tpu.memref_slice %arg4[%add3A_218, %dma_wait3A_239] : memref<163840x128xf32, #tpu.memory_space<hbm>> -> memref<128x128xf32, #tpu.memory_space<hbm>>
        %dma_wait3A_241 = arith.constant 0 : i32
        %dma_wait3A_242 = arith.constant 0 : i32
        %dma_wait3A_243 = tpu.memref_slice %arg6[%run_scoped3A_219, %dma_wait3A_241, %dma_wait3A_242] : memref<2x128x128xf32, #tpu.memory_space<vmem>> -> memref<1x128x128xf32, #tpu.memory_space<vmem>>
        %dma_wait3A_244 = tpu.memref_squeeze %dma_wait3A_243 : memref<1x128x128xf32, #tpu.memory_space<vmem>> -> memref<128x128xf32, #tpu.memory_space<vmem>>
        tpu.wait_dma2 semaphore(%run_scoped3A_220 : memref<!tpu.dma_semaphore, #tpu.memory_space<semaphore_mem>>) src(%dma_wait3A_244 : memref<128x128xf32, #tpu.memory_space<vmem>>) dst(%dma_wait3A_240 : memref<128x128xf32, #tpu.memory_space<hbm>>)
        tpu.yield
      }) : () -> ()
    }
    %scan3A_34 = arith.constant 19 : i32
    %dma_start3A_35 = arith.constant 1 : i32
    %dma_start3A_36 = arith.constant 0 : i32
    %dma_start3A_37 = arith.constant 0 : i32
    %dma_start3A_38 = tpu.memref_slice %arg6[%dma_start3A_35, %dma_start3A_36, %dma_start3A_37] : memref<2x128x128xf32, #tpu.memory_space<vmem>> -> memref<1x128x128xf32, #tpu.memory_space<vmem>>
    %dma_start3A_39 = tpu.memref_squeeze %dma_start3A_38 : memref<1x128x128xf32, #tpu.memory_space<vmem>> -> memref<128x128xf32, #tpu.memory_space<vmem>>
    %dma_start3A_40 = arith.constant 4992 : i32
    %dma_start3A_41 = tpu.memref_slice %arg5[%dma_start3A_40] : memref<5120xi32, #tpu.memory_space<vmem>> -> memref<128xi32, #tpu.memory_space<vmem>>
    %dma_start3A_42 = arith.constant 0 : i32
    %dma_start3A_43 = arith.constant 0 : i32
    %dma_start3A_44 = tpu.memref_slice %arg2[%dma_start3A_42, %dma_start3A_43] : memref<8000x128xf32, #tpu.memory_space<hbm>> -> memref<8000x128xf32, #tpu.memory_space<hbm>>
    tpu.enqueue_indirect_dma source(%dma_start3A_44 : memref<8000x128xf32, #tpu.memory_space<hbm>>) target(%dma_start3A_39 : memref<128x128xf32, #tpu.memory_space<vmem>>) offsets(%dma_start3A_41 : memref<128xi32, #tpu.memory_space<vmem>>) semaphore(%arg8 : memref<!tpu.dma_semaphore, #tpu.memory_space<semaphore_mem>>)
    %dma_wait3A = arith.constant 0 : i32
    %dma_wait3A_45 = arith.constant 0 : i32
    %dma_wait3A_46 = arith.constant 0 : i32
    %dma_wait3A_47 = tpu.memref_slice %arg6[%dma_wait3A, %dma_wait3A_45, %dma_wait3A_46] : memref<2x128x128xf32, #tpu.memory_space<vmem>> -> memref<1x128x128xf32, #tpu.memory_space<vmem>>
    %dma_wait3A_48 = tpu.memref_squeeze %dma_wait3A_47 : memref<1x128x128xf32, #tpu.memory_space<vmem>> -> memref<128x128xf32, #tpu.memory_space<vmem>>
    %dma_wait3A_49 = arith.constant 4864 : i32
    %dma_wait3A_50 = tpu.memref_slice %arg5[%dma_wait3A_49] : memref<5120xi32, #tpu.memory_space<vmem>> -> memref<128xi32, #tpu.memory_space<vmem>>
    %dma_wait3A_51 = arith.constant 0 : i32
    %dma_wait3A_52 = arith.constant 0 : i32
    %dma_wait3A_53 = tpu.memref_slice %arg2[%dma_wait3A_51, %dma_wait3A_52] : memref<8000x128xf32, #tpu.memory_space<hbm>> -> memref<8000x128xf32, #tpu.memory_space<hbm>>
    tpu.wait_indirect_dma semaphore(%arg7 : memref<!tpu.dma_semaphore, #tpu.memory_space<semaphore_mem>>) src(%dma_wait3A_53 : memref<8000x128xf32, #tpu.memory_space<hbm>>) dst(%dma_wait3A_48 : memref<128x128xf32, #tpu.memory_space<vmem>>)
    %mul3A_54 = arith.constant 1024 : i32
    %mul3A_55 = arith.muli %add3A, %mul3A_54 : i32
    %add3A_56 = arith.constant 131072 : i32
    %add3A_57 = arith.addi %add3A_56, %mul3A_55 : i32
    %add3A_58 = arith.constant 768 : i32
    %add3A_59 = arith.addi %add3A_57, %add3A_58 : i32
    %run_scoped3A = arith.constant 0 : i32
    "tpu.region"() ({
      %run_scoped3A_77 = tpu.sem_alloc : memref<!tpu.dma_semaphore, #tpu.memory_space<semaphore_mem>>
      %dma_start3A_78 = arith.constant 0 : i32
      %dma_start3A_79 = arith.constant 0 : i32
      %dma_start3A_80 = tpu.memref_slice %arg6[%run_scoped3A, %dma_start3A_78, %dma_start3A_79] : memref<2x128x128xf32, #tpu.memory_space<vmem>> -> memref<1x128x128xf32, #tpu.memory_space<vmem>>
      %dma_start3A_81 = tpu.memref_squeeze %dma_start3A_80 : memref<1x128x128xf32, #tpu.memory_space<vmem>> -> memref<128x128xf32, #tpu.memory_space<vmem>>
      %dma_start3A_82 = arith.constant 0 : i32
      %dma_start3A_83 = tpu.memref_slice %arg4[%add3A_59, %dma_start3A_82] : memref<163840x128xf32, #tpu.memory_space<hbm>> -> memref<128x128xf32, #tpu.memory_space<hbm>>
      %dma_start3A_84 = arith.constant 0 : i32
      %dma_start3A_85 = tpu.memref_slice %arg4[%add3A_59, %dma_start3A_84] : memref<163840x128xf32, #tpu.memory_space<hbm>> -> memref<128x128xf32, #tpu.memory_space<hbm>>
      %dma_start3A_86 = arith.constant 0 : i32
      %dma_start3A_87 = arith.constant 0 : i32
      %dma_start3A_88 = tpu.memref_slice %arg6[%run_scoped3A, %dma_start3A_86, %dma_start3A_87] : memref<2x128x128xf32, #tpu.memory_space<vmem>> -> memref<1x128x128xf32, #tpu.memory_space<vmem>>
      %dma_start3A_89 = tpu.memref_squeeze %dma_start3A_88 : memref<1x128x128xf32, #tpu.memory_space<vmem>> -> memref<128x128xf32, #tpu.memory_space<vmem>>
      tpu.enqueue_dma source(%dma_start3A_89 : memref<128x128xf32, #tpu.memory_space<vmem>>) target(%dma_start3A_85 : memref<128x128xf32, #tpu.memory_space<hbm>>) target_semaphore(%run_scoped3A_77 : memref<!tpu.dma_semaphore, #tpu.memory_space<semaphore_mem>>)
      %dma_wait3A_90 = arith.constant 0 : i32
      %dma_wait3A_91 = arith.constant 0 : i32
      %dma_wait3A_92 = tpu.memref_slice %arg6[%run_scoped3A, %dma_wait3A_90, %dma_wait3A_91] : memref<2x128x128xf32, #tpu.memory_space<vmem>> -> memref<1x128x128xf32, #tpu.memory_space<vmem>>
      %dma_wait3A_93 = tpu.memref_squeeze %dma_wait3A_92 : memref<1x128x128xf32, #tpu.memory_space<vmem>> -> memref<128x128xf32, #tpu.memory_space<vmem>>
      %dma_wait3A_94 = arith.constant 0 : i32
      %dma_wait3A_95 = tpu.memref_slice %arg4[%add3A_59, %dma_wait3A_94] : memref<163840x128xf32, #tpu.memory_space<hbm>> -> memref<128x128xf32, #tpu.memory_space<hbm>>
      %dma_wait3A_96 = arith.constant 0 : i32
      %dma_wait3A_97 = tpu.memref_slice %arg4[%add3A_59, %dma_wait3A_96] : memref<163840x128xf32, #tpu.memory_space<hbm>> -> memref<128x128xf32, #tpu.memory_space<hbm>>
      %dma_wait3A_98 = arith.constant 0 : i32
      %dma_wait3A_99 = arith.constant 0 : i32
      %dma_wait3A_100 = tpu.memref_slice %arg6[%run_scoped3A, %dma_wait3A_98, %dma_wait3A_99] : memref<2x128x128xf32, #tpu.memory_space<vmem>> -> memref<1x128x128xf32, #tpu.memory_space<vmem>>
      %dma_wait3A_101 = tpu.memref_squeeze %dma_wait3A_100 : memref<1x128x128xf32, #tpu.memory_space<vmem>> -> memref<128x128xf32, #tpu.memory_space<vmem>>
      tpu.wait_dma2 semaphore(%run_scoped3A_77 : memref<!tpu.dma_semaphore, #tpu.memory_space<semaphore_mem>>) src(%dma_wait3A_101 : memref<128x128xf32, #tpu.memory_space<vmem>>) dst(%dma_wait3A_97 : memref<128x128xf32, #tpu.memory_space<hbm>>)
      tpu.yield
    }) : () -> ()
    %dma_wait3A_60 = arith.constant 1 : i32
    %dma_wait3A_61 = arith.constant 0 : i32
    %dma_wait3A_62 = arith.constant 0 : i32
    %dma_wait3A_63 = tpu.memref_slice %arg6[%dma_wait3A_60, %dma_wait3A_61, %dma_wait3A_62] : memref<2x128x128xf32, #tpu.memory_space<vmem>> -> memref<1x128x128xf32, #tpu.memory_space<vmem>>
    %dma_wait3A_64 = tpu.memref_squeeze %dma_wait3A_63 : memref<1x128x128xf32, #tpu.memory_space<vmem>> -> memref<128x128xf32, #tpu.memory_space<vmem>>
    %dma_wait3A_65 = arith.constant 4992 : i32
    %dma_wait3A_66 = tpu.memref_slice %arg5[%dma_wait3A_65] : memref<5120xi32, #tpu.memory_space<vmem>> -> memref<128xi32, #tpu.memory_space<vmem>>
    %dma_wait3A_67 = arith.constant 0 : i32
    %dma_wait3A_68 = arith.constant 0 : i32
    %dma_wait3A_69 = tpu.memref_slice %arg2[%dma_wait3A_67, %dma_wait3A_68] : memref<8000x128xf32, #tpu.memory_space<hbm>> -> memref<8000x128xf32, #tpu.memory_space<hbm>>
    tpu.wait_indirect_dma semaphore(%arg8 : memref<!tpu.dma_semaphore, #tpu.memory_space<semaphore_mem>>) src(%dma_wait3A_69 : memref<8000x128xf32, #tpu.memory_space<hbm>>) dst(%dma_wait3A_64 : memref<128x128xf32, #tpu.memory_space<vmem>>)
    %mul3A_70 = arith.constant 1024 : i32
    %mul3A_71 = arith.muli %add3A, %mul3A_70 : i32
    %add3A_72 = arith.constant 131072 : i32
    %add3A_73 = arith.addi %add3A_72, %mul3A_71 : i32
    %add3A_74 = arith.constant 896 : i32
    %add3A_75 = arith.addi %add3A_73, %add3A_74 : i32
    %run_scoped3A_76 = arith.constant 1 : i32
    "tpu.region"() ({
      %run_scoped3A_77 = tpu.sem_alloc : memref<!tpu.dma_semaphore, #tpu.memory_space<semaphore_mem>>
      %dma_start3A_78 = arith.constant 0 : i32
      %dma_start3A_79 = arith.constant 0 : i32
      %dma_start3A_80 = tpu.memref_slice %arg6[%run_scoped3A_76, %dma_start3A_78, %dma_start3A_79] : memref<2x128x128xf32, #tpu.memory_space<vmem>> -> memref<1x128x128xf32, #tpu.memory_space<vmem>>
      %dma_start3A_81 = tpu.memref_squeeze %dma_start3A_80 : memref<1x128x128xf32, #tpu.memory_space<vmem>> -> memref<128x128xf32, #tpu.memory_space<vmem>>
      %dma_start3A_82 = arith.constant 0 : i32
      %dma_start3A_83 = tpu.memref_slice %arg4[%add3A_75, %dma_start3A_82] : memref<163840x128xf32, #tpu.memory_space<hbm>> -> memref<128x128xf32, #tpu.memory_space<hbm>>
      %dma_start3A_84 = arith.constant 0 : i32
      %dma_start3A_85 = tpu.memref_slice %arg4[%add3A_75, %dma_start3A_84] : memref<163840x128xf32, #tpu.memory_space<hbm>> -> memref<128x128xf32, #tpu.memory_space<hbm>>
      %dma_start3A_86 = arith.constant 0 : i32
      %dma_start3A_87 = arith.constant 0 : i32
      %dma_start3A_88 = tpu.memref_slice %arg6[%run_scoped3A_76, %dma_start3A_86, %dma_start3A_87] : memref<2x128x128xf32, #tpu.memory_space<vmem>> -> memref<1x128x128xf32, #tpu.memory_space<vmem>>
      %dma_start3A_89 = tpu.memref_squeeze %dma_start3A_88 : memref<1x128x128xf32, #tpu.memory_space<vmem>> -> memref<128x128xf32, #tpu.memory_space<vmem>>
      tpu.enqueue_dma source(%dma_start3A_89 : memref<128x128xf32, #tpu.memory_space<vmem>>) target(%dma_start3A_85 : memref<128x128xf32, #tpu.memory_space<hbm>>) target_semaphore(%run_scoped3A_77 : memref<!tpu.dma_semaphore, #tpu.memory_space<semaphore_mem>>)
      %dma_wait3A_90 = arith.constant 0 : i32
      %dma_wait3A_91 = arith.constant 0 : i32
      %dma_wait3A_92 = tpu.memref_slice %arg6[%run_scoped3A_76, %dma_wait3A_90, %dma_wait3A_91] : memref<2x128x128xf32, #tpu.memory_space<vmem>> -> memref<1x128x128xf32, #tpu.memory_space<vmem>>
      %dma_wait3A_93 = tpu.memref_squeeze %dma_wait3A_92 : memref<1x128x128xf32, #tpu.memory_space<vmem>> -> memref<128x128xf32, #tpu.memory_space<vmem>>
      %dma_wait3A_94 = arith.constant 0 : i32
      %dma_wait3A_95 = tpu.memref_slice %arg4[%add3A_75, %dma_wait3A_94] : memref<163840x128xf32, #tpu.memory_space<hbm>> -> memref<128x128xf32, #tpu.memory_space<hbm>>
      %dma_wait3A_96 = arith.constant 0 : i32
      %dma_wait3A_97 = tpu.memref_slice %arg4[%add3A_75, %dma_wait3A_96] : memref<163840x128xf32, #tpu.memory_space<hbm>> -> memref<128x128xf32, #tpu.memory_space<hbm>>
      %dma_wait3A_98 = arith.constant 0 : i32
      %dma_wait3A_99 = arith.constant 0 : i32
      %dma_wait3A_100 = tpu.memref_slice %arg6[%run_scoped3A_76, %dma_wait3A_98, %dma_wait3A_99] : memref<2x128x128xf32, #tpu.memory_space<vmem>> -> memref<1x128x128xf32, #tpu.memory_space<vmem>>
      %dma_wait3A_101 = tpu.memref_squeeze %dma_wait3A_100 : memref<1x128x128xf32, #tpu.memory_space<vmem>> -> memref<128x128xf32, #tpu.memory_space<vmem>>
      tpu.wait_dma2 semaphore(%run_scoped3A_77 : memref<!tpu.dma_semaphore, #tpu.memory_space<semaphore_mem>>) src(%dma_wait3A_101 : memref<128x128xf32, #tpu.memory_space<vmem>>) dst(%dma_wait3A_97 : memref<128x128xf32, #tpu.memory_space<hbm>>)
      tpu.yield
    }) : () -> ()
    return
  }
}

#map = affine_map<(d0, d1) -> (0, 0)>
#map1 = affine_map<(d0, d1) -> (0)>
module attributes {stable_mosaic.version = 14 : i64} {
  func.func @gather_kernel(%arg0: i32, %arg1: i32, %arg2: memref<8000x128xf32, #tpu.memory_space<hbm>>, %arg3: memref<655360xi32, #tpu.memory_space<hbm>>, %arg4: memref<163840x128xf32, #tpu.memory_space<hbm>>, %arg5: memref<5120xi32, #tpu.memory_space<vmem>>, %arg6: memref<2x128x128xf32, #tpu.memory_space<vmem>>, %arg7: memref<!tpu.dma_semaphore, #tpu.memory_space<semaphore_mem>>, %arg8: memref<!tpu.dma_semaphore, #tpu.memory_space<semaphore_mem>>) attributes {dimension_semantics = [#tpu.dimension_semantics<core_parallel>, #tpu.dimension_semantics<subcore_parallel>], iteration_bounds = array<i64: 2, 16>, scalar_prefetch = 0 : i64, scratch_operands = 4 : i64, tpu.core_type = #tpu.core_type<sc_vector_subcore>, window_params = [{transform_indices = #map}, {transform_indices = #map1}, {transform_indices = #map}]} {
    %mul3A = arith.constant 2 : i32
    %mul3A_0 = arith.muli %arg1, %mul3A : i32
    %add3A = arith.addi %mul3A_0, %arg0 : i32
    %mul3A_1 = arith.constant 1024 : i32
    %mul3A_2 = arith.muli %add3A, %mul3A_1 : i32
    %add3A_3 = arith.constant 327680 : i32
    %add3A_4 = arith.addi %add3A_3, %mul3A_2 : i32
    "tpu.region"() ({
      %run_scoped3A_77 = tpu.sem_alloc : memref<!tpu.dma_semaphore, #tpu.memory_space<semaphore_mem>>
      %dma_start3A_78 = arith.constant 0 : i32
      %dma_start3A_79 = tpu.memref_slice %arg5[%dma_start3A_78] : memref<5120xi32, #tpu.memory_space<vmem>> -> memref<1024xi32, #tpu.memory_space<vmem>>
      %dma_start3A_80 = tpu.memref_slice %arg3[%add3A_4] : memref<655360xi32, #tpu.memory_space<hbm>> -> memref<1024xi32, #tpu.memory_space<hbm>>
      %dma_start3A_81 = arith.constant 0 : i32
      %dma_start3A_82 = tpu.memref_slice %arg5[%dma_start3A_81] : memref<5120xi32, #tpu.memory_space<vmem>> -> memref<1024xi32, #tpu.memory_space<vmem>>
      %dma_start3A_83 = tpu.memref_slice %arg3[%add3A_4] : memref<655360xi32, #tpu.memory_space<hbm>> -> memref<1024xi32, #tpu.memory_space<hbm>>
      tpu.enqueue_dma source(%dma_start3A_83 : memref<1024xi32, #tpu.memory_space<hbm>>) target(%dma_start3A_82 : memref<1024xi32, #tpu.memory_space<vmem>>) target_semaphore(%run_scoped3A_77 : memref<!tpu.dma_semaphore, #tpu.memory_space<semaphore_mem>>)
      %dma_wait3A_84 = arith.constant 0 : i32
      %dma_wait3A_85 = tpu.memref_slice %arg5[%dma_wait3A_84] : memref<5120xi32, #tpu.memory_space<vmem>> -> memref<1024xi32, #tpu.memory_space<vmem>>
      %dma_wait3A_86 = tpu.memref_slice %arg3[%add3A_4] : memref<655360xi32, #tpu.memory_space<hbm>> -> memref<1024xi32, #tpu.memory_space<hbm>>
      %dma_wait3A_87 = arith.constant 0 : i32
      %dma_wait3A_88 = tpu.memref_slice %arg5[%dma_wait3A_87] : memref<5120xi32, #tpu.memory_space<vmem>> -> memref<1024xi32, #tpu.memory_space<vmem>>
      %dma_wait3A_89 = tpu.memref_slice %arg3[%add3A_4] : memref<655360xi32, #tpu.memory_space<hbm>> -> memref<1024xi32, #tpu.memory_space<hbm>>
      tpu.wait_dma2 semaphore(%run_scoped3A_77 : memref<!tpu.dma_semaphore, #tpu.memory_space<semaphore_mem>>) src(%dma_wait3A_89 : memref<1024xi32, #tpu.memory_space<hbm>>) dst(%dma_wait3A_88 : memref<1024xi32, #tpu.memory_space<vmem>>)
      tpu.yield
    }) : () -> ()
    %mul3A_5 = arith.constant 1024 : i32
    %mul3A_6 = arith.muli %add3A, %mul3A_5 : i32
    %add3A_7 = arith.constant 360448 : i32
    %add3A_8 = arith.addi %add3A_7, %mul3A_6 : i32
    "tpu.region"() ({
      %run_scoped3A_77 = tpu.sem_alloc : memref<!tpu.dma_semaphore, #tpu.memory_space<semaphore_mem>>
      %dma_start3A_78 = arith.constant 1024 : i32
      %dma_start3A_79 = tpu.memref_slice %arg5[%dma_start3A_78] : memref<5120xi32, #tpu.memory_space<vmem>> -> memref<1024xi32, #tpu.memory_space<vmem>>
      %dma_start3A_80 = tpu.memref_slice %arg3[%add3A_8] : memref<655360xi32, #tpu.memory_space<hbm>> -> memref<1024xi32, #tpu.memory_space<hbm>>
      %dma_start3A_81 = arith.constant 1024 : i32
      %dma_start3A_82 = tpu.memref_slice %arg5[%dma_start3A_81] : memref<5120xi32, #tpu.memory_space<vmem>> -> memref<1024xi32, #tpu.memory_space<vmem>>
      %dma_start3A_83 = tpu.memref_slice %arg3[%add3A_8] : memref<655360xi32, #tpu.memory_space<hbm>> -> memref<1024xi32, #tpu.memory_space<hbm>>
      tpu.enqueue_dma source(%dma_start3A_83 : memref<1024xi32, #tpu.memory_space<hbm>>) target(%dma_start3A_82 : memref<1024xi32, #tpu.memory_space<vmem>>) target_semaphore(%run_scoped3A_77 : memref<!tpu.dma_semaphore, #tpu.memory_space<semaphore_mem>>)
      %dma_wait3A_84 = arith.constant 1024 : i32
      %dma_wait3A_85 = tpu.memref_slice %arg5[%dma_wait3A_84] : memref<5120xi32, #tpu.memory_space<vmem>> -> memref<1024xi32, #tpu.memory_space<vmem>>
      %dma_wait3A_86 = tpu.memref_slice %arg3[%add3A_8] : memref<655360xi32, #tpu.memory_space<hbm>> -> memref<1024xi32, #tpu.memory_space<hbm>>
      %dma_wait3A_87 = arith.constant 1024 : i32
      %dma_wait3A_88 = tpu.memref_slice %arg5[%dma_wait3A_87] : memref<5120xi32, #tpu.memory_space<vmem>> -> memref<1024xi32, #tpu.memory_space<vmem>>
      %dma_wait3A_89 = tpu.memref_slice %arg3[%add3A_8] : memref<655360xi32, #tpu.memory_space<hbm>> -> memref<1024xi32, #tpu.memory_space<hbm>>
      tpu.wait_dma2 semaphore(%run_scoped3A_77 : memref<!tpu.dma_semaphore, #tpu.memory_space<semaphore_mem>>) src(%dma_wait3A_89 : memref<1024xi32, #tpu.memory_space<hbm>>) dst(%dma_wait3A_88 : memref<1024xi32, #tpu.memory_space<vmem>>)
      tpu.yield
    }) : () -> ()
    %mul3A_9 = arith.constant 1024 : i32
    %mul3A_10 = arith.muli %add3A, %mul3A_9 : i32
    %add3A_11 = arith.constant 393216 : i32
    %add3A_12 = arith.addi %add3A_11, %mul3A_10 : i32
    "tpu.region"() ({
      %run_scoped3A_77 = tpu.sem_alloc : memref<!tpu.dma_semaphore, #tpu.memory_space<semaphore_mem>>
      %dma_start3A_78 = arith.constant 2048 : i32
      %dma_start3A_79 = tpu.memref_slice %arg5[%dma_start3A_78] : memref<5120xi32, #tpu.memory_space<vmem>> -> memref<1024xi32, #tpu.memory_space<vmem>>
      %dma_start3A_80 = tpu.memref_slice %arg3[%add3A_12] : memref<655360xi32, #tpu.memory_space<hbm>> -> memref<1024xi32, #tpu.memory_space<hbm>>
      %dma_start3A_81 = arith.constant 2048 : i32
      %dma_start3A_82 = tpu.memref_slice %arg5[%dma_start3A_81] : memref<5120xi32, #tpu.memory_space<vmem>> -> memref<1024xi32, #tpu.memory_space<vmem>>
      %dma_start3A_83 = tpu.memref_slice %arg3[%add3A_12] : memref<655360xi32, #tpu.memory_space<hbm>> -> memref<1024xi32, #tpu.memory_space<hbm>>
      tpu.enqueue_dma source(%dma_start3A_83 : memref<1024xi32, #tpu.memory_space<hbm>>) target(%dma_start3A_82 : memref<1024xi32, #tpu.memory_space<vmem>>) target_semaphore(%run_scoped3A_77 : memref<!tpu.dma_semaphore, #tpu.memory_space<semaphore_mem>>)
      %dma_wait3A_84 = arith.constant 2048 : i32
      %dma_wait3A_85 = tpu.memref_slice %arg5[%dma_wait3A_84] : memref<5120xi32, #tpu.memory_space<vmem>> -> memref<1024xi32, #tpu.memory_space<vmem>>
      %dma_wait3A_86 = tpu.memref_slice %arg3[%add3A_12] : memref<655360xi32, #tpu.memory_space<hbm>> -> memref<1024xi32, #tpu.memory_space<hbm>>
      %dma_wait3A_87 = arith.constant 2048 : i32
      %dma_wait3A_88 = tpu.memref_slice %arg5[%dma_wait3A_87] : memref<5120xi32, #tpu.memory_space<vmem>> -> memref<1024xi32, #tpu.memory_space<vmem>>
      %dma_wait3A_89 = tpu.memref_slice %arg3[%add3A_12] : memref<655360xi32, #tpu.memory_space<hbm>> -> memref<1024xi32, #tpu.memory_space<hbm>>
      tpu.wait_dma2 semaphore(%run_scoped3A_77 : memref<!tpu.dma_semaphore, #tpu.memory_space<semaphore_mem>>) src(%dma_wait3A_89 : memref<1024xi32, #tpu.memory_space<hbm>>) dst(%dma_wait3A_88 : memref<1024xi32, #tpu.memory_space<vmem>>)
      tpu.yield
    }) : () -> ()
    %mul3A_13 = arith.constant 1024 : i32
    %mul3A_14 = arith.muli %add3A, %mul3A_13 : i32
    %add3A_15 = arith.constant 425984 : i32
    %add3A_16 = arith.addi %add3A_15, %mul3A_14 : i32
    "tpu.region"() ({
      %run_scoped3A_77 = tpu.sem_alloc : memref<!tpu.dma_semaphore, #tpu.memory_space<semaphore_mem>>
      %dma_start3A_78 = arith.constant 3072 : i32
      %dma_start3A_79 = tpu.memref_slice %arg5[%dma_start3A_78] : memref<5120xi32, #tpu.memory_space<vmem>> -> memref<1024xi32, #tpu.memory_space<vmem>>
      %dma_start3A_80 = tpu.memref_slice %arg3[%add3A_16] : memref<655360xi32, #tpu.memory_space<hbm>> -> memref<1024xi32, #tpu.memory_space<hbm>>
      %dma_start3A_81 = arith.constant 3072 : i32
      %dma_start3A_82 = tpu.memref_slice %arg5[%dma_start3A_81] : memref<5120xi32, #tpu.memory_space<vmem>> -> memref<1024xi32, #tpu.memory_space<vmem>>
      %dma_start3A_83 = tpu.memref_slice %arg3[%add3A_16] : memref<655360xi32, #tpu.memory_space<hbm>> -> memref<1024xi32, #tpu.memory_space<hbm>>
      tpu.enqueue_dma source(%dma_start3A_83 : memref<1024xi32, #tpu.memory_space<hbm>>) target(%dma_start3A_82 : memref<1024xi32, #tpu.memory_space<vmem>>) target_semaphore(%run_scoped3A_77 : memref<!tpu.dma_semaphore, #tpu.memory_space<semaphore_mem>>)
      %dma_wait3A_84 = arith.constant 3072 : i32
      %dma_wait3A_85 = tpu.memref_slice %arg5[%dma_wait3A_84] : memref<5120xi32, #tpu.memory_space<vmem>> -> memref<1024xi32, #tpu.memory_space<vmem>>
      %dma_wait3A_86 = tpu.memref_slice %arg3[%add3A_16] : memref<655360xi32, #tpu.memory_space<hbm>> -> memref<1024xi32, #tpu.memory_space<hbm>>
      %dma_wait3A_87 = arith.constant 3072 : i32
      %dma_wait3A_88 = tpu.memref_slice %arg5[%dma_wait3A_87] : memref<5120xi32, #tpu.memory_space<vmem>> -> memref<1024xi32, #tpu.memory_space<vmem>>
      %dma_wait3A_89 = tpu.memref_slice %arg3[%add3A_16] : memref<655360xi32, #tpu.memory_space<hbm>> -> memref<1024xi32, #tpu.memory_space<hbm>>
      tpu.wait_dma2 semaphore(%run_scoped3A_77 : memref<!tpu.dma_semaphore, #tpu.memory_space<semaphore_mem>>) src(%dma_wait3A_89 : memref<1024xi32, #tpu.memory_space<hbm>>) dst(%dma_wait3A_88 : memref<1024xi32, #tpu.memory_space<vmem>>)
      tpu.yield
    }) : () -> ()
    %mul3A_17 = arith.constant 1024 : i32
    %mul3A_18 = arith.muli %add3A, %mul3A_17 : i32
    %add3A_19 = arith.constant 458752 : i32
    %add3A_20 = arith.addi %add3A_19, %mul3A_18 : i32
    "tpu.region"() ({
      %run_scoped3A_77 = tpu.sem_alloc : memref<!tpu.dma_semaphore, #tpu.memory_space<semaphore_mem>>
      %dma_start3A_78 = arith.constant 4096 : i32
      %dma_start3A_79 = tpu.memref_slice %arg5[%dma_start3A_78] : memref<5120xi32, #tpu.memory_space<vmem>> -> memref<1024xi32, #tpu.memory_space<vmem>>
      %dma_start3A_80 = tpu.memref_slice %arg3[%add3A_20] : memref<655360xi32, #tpu.memory_space<hbm>> -> memref<1024xi32, #tpu.memory_space<hbm>>
      %dma_start3A_81 = arith.constant 4096 : i32
      %dma_start3A_82 = tpu.memref_slice %arg5[%dma_start3A_81] : memref<5120xi32, #tpu.memory_space<vmem>> -> memref<1024xi32, #tpu.memory_space<vmem>>
      %dma_start3A_83 = tpu.memref_slice %arg3[%add3A_20] : memref<655360xi32, #tpu.memory_space<hbm>> -> memref<1024xi32, #tpu.memory_space<hbm>>
      tpu.enqueue_dma source(%dma_start3A_83 : memref<1024xi32, #tpu.memory_space<hbm>>) target(%dma_start3A_82 : memref<1024xi32, #tpu.memory_space<vmem>>) target_semaphore(%run_scoped3A_77 : memref<!tpu.dma_semaphore, #tpu.memory_space<semaphore_mem>>)
      %dma_wait3A_84 = arith.constant 4096 : i32
      %dma_wait3A_85 = tpu.memref_slice %arg5[%dma_wait3A_84] : memref<5120xi32, #tpu.memory_space<vmem>> -> memref<1024xi32, #tpu.memory_space<vmem>>
      %dma_wait3A_86 = tpu.memref_slice %arg3[%add3A_20] : memref<655360xi32, #tpu.memory_space<hbm>> -> memref<1024xi32, #tpu.memory_space<hbm>>
      %dma_wait3A_87 = arith.constant 4096 : i32
      %dma_wait3A_88 = tpu.memref_slice %arg5[%dma_wait3A_87] : memref<5120xi32, #tpu.memory_space<vmem>> -> memref<1024xi32, #tpu.memory_space<vmem>>
      %dma_wait3A_89 = tpu.memref_slice %arg3[%add3A_20] : memref<655360xi32, #tpu.memory_space<hbm>> -> memref<1024xi32, #tpu.memory_space<hbm>>
      tpu.wait_dma2 semaphore(%run_scoped3A_77 : memref<!tpu.dma_semaphore, #tpu.memory_space<semaphore_mem>>) src(%dma_wait3A_89 : memref<1024xi32, #tpu.memory_space<hbm>>) dst(%dma_wait3A_88 : memref<1024xi32, #tpu.memory_space<vmem>>)
      tpu.yield
    }) : () -> ()
    %dma_start3A = arith.constant 0 : i32
    %dma_start3A_21 = arith.constant 0 : i32
    %dma_start3A_22 = arith.constant 0 : i32
    %dma_start3A_23 = tpu.memref_slice %arg6[%dma_start3A, %dma_start3A_21, %dma_start3A_22] : memref<2x128x128xf32, #tpu.memory_space<vmem>> -> memref<1x128x128xf32, #tpu.memory_space<vmem>>
    %dma_start3A_24 = tpu.memref_squeeze %dma_start3A_23 : memref<1x128x128xf32, #tpu.memory_space<vmem>> -> memref<128x128xf32, #tpu.memory_space<vmem>>
    %dma_start3A_25 = arith.constant 0 : i32
    %dma_start3A_26 = tpu.memref_slice %arg5[%dma_start3A_25] : memref<5120xi32, #tpu.memory_space<vmem>> -> memref<128xi32, #tpu.memory_space<vmem>>
    %dma_start3A_27 = arith.constant 0 : i32
    %dma_start3A_28 = arith.constant 0 : i32
    %dma_start3A_29 = tpu.memref_slice %arg2[%dma_start3A_27, %dma_start3A_28] : memref<8000x128xf32, #tpu.memory_space<hbm>> -> memref<8000x128xf32, #tpu.memory_space<hbm>>
    tpu.enqueue_indirect_dma source(%dma_start3A_29 : memref<8000x128xf32, #tpu.memory_space<hbm>>) target(%dma_start3A_24 : memref<128x128xf32, #tpu.memory_space<vmem>>) offsets(%dma_start3A_26 : memref<128xi32, #tpu.memory_space<vmem>>) semaphore(%arg7 : memref<!tpu.dma_semaphore, #tpu.memory_space<semaphore_mem>>)
    %scan3A = arith.constant 0 : i32
    %scan3A_30 = arith.constant 0 : i32
    %scan3A_31 = arith.constant 19 : i32
    %scan3A_32 = arith.addi %scan3A_30, %scan3A_31 : i32
    %scan3A_33 = arith.constant 1 : i32
    scf.for %scan3A_77 = %scan3A_30 to %scan3A_32 step %scan3A_33  : i32 {
      %mul3A_78 = arith.constant 2 : i32
      %mul3A_79 = arith.muli %mul3A_78, %scan3A_77 : i32
      %add3A_80 = arith.constant 1 : i32
      %add3A_81 = arith.addi %mul3A_79, %add3A_80 : i32
      %mul3A_82 = arith.constant 128 : i32
      %mul3A_83 = arith.muli %add3A_81, %mul3A_82 : i32
      %dma_start3A_84 = arith.constant 1 : i32
      %dma_start3A_85 = arith.constant 0 : i32
      %dma_start3A_86 = arith.constant 0 : i32
      %dma_start3A_87 = tpu.memref_slice %arg6[%dma_start3A_84, %dma_start3A_85, %dma_start3A_86] : memref<2x128x128xf32, #tpu.memory_space<vmem>> -> memref<1x128x128xf32, #tpu.memory_space<vmem>>
      %dma_start3A_88 = tpu.memref_squeeze %dma_start3A_87 : memref<1x128x128xf32, #tpu.memory_space<vmem>> -> memref<128x128xf32, #tpu.memory_space<vmem>>
      %dma_start3A_89 = tpu.memref_slice %arg5[%mul3A_83] : memref<5120xi32, #tpu.memory_space<vmem>> -> memref<128xi32, #tpu.memory_space<vmem>>
      %dma_start3A_90 = arith.constant 0 : i32
      %dma_start3A_91 = arith.constant 0 : i32
      %dma_start3A_92 = tpu.memref_slice %arg2[%dma_start3A_90, %dma_start3A_91] : memref<8000x128xf32, #tpu.memory_space<hbm>> -> memref<8000x128xf32, #tpu.memory_space<hbm>>
      tpu.enqueue_indirect_dma source(%dma_start3A_92 : memref<8000x128xf32, #tpu.memory_space<hbm>>) target(%dma_start3A_88 : memref<128x128xf32, #tpu.memory_space<vmem>>) offsets(%dma_start3A_89 : memref<128xi32, #tpu.memory_space<vmem>>) semaphore(%arg8 : memref<!tpu.dma_semaphore, #tpu.memory_space<semaphore_mem>>)
      %mul3A_93 = arith.constant 128 : i32
      %mul3A_94 = arith.muli %mul3A_79, %mul3A_93 : i32
      %dma_wait3A_95 = arith.constant 0 : i32
      %dma_wait3A_96 = arith.constant 0 : i32
      %dma_wait3A_97 = arith.constant 0 : i32
      %dma_wait3A_98 = tpu.memref_slice %arg6[%dma_wait3A_95, %dma_wait3A_96, %dma_wait3A_97] : memref<2x128x128xf32, #tpu.memory_space<vmem>> -> memref<1x128x128xf32, #tpu.memory_space<vmem>>
      %dma_wait3A_99 = tpu.memref_squeeze %dma_wait3A_98 : memref<1x128x128xf32, #tpu.memory_space<vmem>> -> memref<128x128xf32, #tpu.memory_space<vmem>>
      %dma_wait3A_100 = tpu.memref_slice %arg5[%mul3A_94] : memref<5120xi32, #tpu.memory_space<vmem>> -> memref<128xi32, #tpu.memory_space<vmem>>
      %dma_wait3A_101 = arith.constant 0 : i32
      %dma_wait3A_102 = arith.constant 0 : i32
      %dma_wait3A_103 = tpu.memref_slice %arg2[%dma_wait3A_101, %dma_wait3A_102] : memref<8000x128xf32, #tpu.memory_space<hbm>> -> memref<8000x128xf32, #tpu.memory_space<hbm>>
      tpu.wait_indirect_dma semaphore(%arg7 : memref<!tpu.dma_semaphore, #tpu.memory_space<semaphore_mem>>) src(%dma_wait3A_103 : memref<8000x128xf32, #tpu.memory_space<hbm>>) dst(%dma_wait3A_99 : memref<128x128xf32, #tpu.memory_space<vmem>>)
      %jit3A = arith.constant 8 : i32
      %div3A = arith.divsi %mul3A_79, %jit3A : i32
      %sign3A = arith.constant 0 : i32
      %sign3A_104 = arith.cmpi sgt, %mul3A_79, %sign3A : i32
      %sign3A_105 = arith.extui %sign3A_104 : i1 to i32
      %sign3A_106 = arith.constant 0 : i32
      %sign3A_107 = arith.cmpi slt, %mul3A_79, %sign3A_106 : i32
      %sign3A_108 = arith.extui %sign3A_107 : i1 to i32
      %sign3A_109 = arith.subi %sign3A_105, %sign3A_108 : i32
      %sign3A_110 = arith.constant 0 : i32
      %sign3A_111 = arith.cmpi sgt, %jit3A, %sign3A_110 : i32
      %sign3A_112 = arith.extui %sign3A_111 : i1 to i32
      %sign3A_113 = arith.constant 0 : i32
      %sign3A_114 = arith.cmpi slt, %jit3A, %sign3A_113 : i32
      %sign3A_115 = arith.extui %sign3A_114 : i1 to i32
      %sign3A_116 = arith.subi %sign3A_112, %sign3A_115 : i32
      %ne3A = arith.cmpi ne, %sign3A_109, %sign3A_116 : i32
      %rem3A = arith.remsi %mul3A_79, %jit3A : i32
      %ne3A_117 = arith.constant 0 : i32
      %ne3A_118 = arith.cmpi ne, %rem3A, %ne3A_117 : i32
      %and3A = arith.andi %ne3A, %ne3A_118 : i1
      %sub3A = arith.constant 1 : i32
      %sub3A_119 = arith.subi %div3A, %sub3A : i32
      %select_n3A = arith.select %and3A, %sub3A_119, %div3A : i32
      %mul3A_120 = arith.constant 32768 : i32
      %mul3A_121 = arith.muli %select_n3A, %mul3A_120 : i32
      %mul3A_122 = arith.constant 1024 : i32
      %mul3A_123 = arith.muli %add3A, %mul3A_122 : i32
      %add3A_124 = arith.addi %mul3A_121, %mul3A_123 : i32
      %jit3A_125 = arith.constant 8 : i32
      %eq3A = arith.constant 0 : i32
      %eq3A_126 = arith.cmpi eq, %jit3A_125, %eq3A : i32
      %jit3A_127 = arith.constant 1 : i32
      %select_n3A_128 = arith.select %eq3A_126, %jit3A_127, %jit3A_125 : i32
      %rem3A_129 = arith.remsi %mul3A_79, %select_n3A_128 : i32
      %ne3A_130 = arith.constant 0 : i32
      %ne3A_131 = arith.cmpi ne, %rem3A_129, %ne3A_130 : i32
      %lt3A = arith.constant 0 : i32
      %lt3A_132 = arith.cmpi slt, %rem3A_129, %lt3A : i32
      %lt3A_133 = arith.constant 0 : i32
      %lt3A_134 = arith.cmpi slt, %select_n3A_128, %lt3A_133 : i32
      %ne3A_135 = arith.xori %lt3A_132, %lt3A_134 : i1
      %and3A_136 = arith.andi %ne3A_135, %ne3A_131 : i1
      %add3A_137 = arith.addi %rem3A_129, %select_n3A_128 : i32
      %select_n3A_138 = arith.select %and3A_136, %add3A_137, %rem3A_129 : i32
      %mul3A_139 = arith.constant 128 : i32
      %mul3A_140 = arith.muli %select_n3A_138, %mul3A_139 : i32
      %add3A_141 = arith.addi %add3A_124, %mul3A_140 : i32
      %run_scoped3A_142 = arith.constant 0 : i32
      "tpu.region"() ({
        %run_scoped3A_220 = tpu.sem_alloc : memref<!tpu.dma_semaphore, #tpu.memory_space<semaphore_mem>>
        %dma_start3A_221 = arith.constant 0 : i32
        %dma_start3A_222 = arith.constant 0 : i32
        %dma_start3A_223 = tpu.memref_slice %arg6[%run_scoped3A_142, %dma_start3A_221, %dma_start3A_222] : memref<2x128x128xf32, #tpu.memory_space<vmem>> -> memref<1x128x128xf32, #tpu.memory_space<vmem>>
        %dma_start3A_224 = tpu.memref_squeeze %dma_start3A_223 : memref<1x128x128xf32, #tpu.memory_space<vmem>> -> memref<128x128xf32, #tpu.memory_space<vmem>>
        %dma_start3A_225 = arith.constant 0 : i32
        %dma_start3A_226 = tpu.memref_slice %arg4[%add3A_141, %dma_start3A_225] : memref<163840x128xf32, #tpu.memory_space<hbm>> -> memref<128x128xf32, #tpu.memory_space<hbm>>
        %dma_start3A_227 = arith.constant 0 : i32
        %dma_start3A_228 = tpu.memref_slice %arg4[%add3A_141, %dma_start3A_227] : memref<163840x128xf32, #tpu.memory_space<hbm>> -> memref<128x128xf32, #tpu.memory_space<hbm>>
        %dma_start3A_229 = arith.constant 0 : i32
        %dma_start3A_230 = arith.constant 0 : i32
        %dma_start3A_231 = tpu.memref_slice %arg6[%run_scoped3A_142, %dma_start3A_229, %dma_start3A_230] : memref<2x128x128xf32, #tpu.memory_space<vmem>> -> memref<1x128x128xf32, #tpu.memory_space<vmem>>
        %dma_start3A_232 = tpu.memref_squeeze %dma_start3A_231 : memref<1x128x128xf32, #tpu.memory_space<vmem>> -> memref<128x128xf32, #tpu.memory_space<vmem>>
        tpu.enqueue_dma source(%dma_start3A_232 : memref<128x128xf32, #tpu.memory_space<vmem>>) target(%dma_start3A_228 : memref<128x128xf32, #tpu.memory_space<hbm>>) target_semaphore(%run_scoped3A_220 : memref<!tpu.dma_semaphore, #tpu.memory_space<semaphore_mem>>)
        %dma_wait3A_233 = arith.constant 0 : i32
        %dma_wait3A_234 = arith.constant 0 : i32
        %dma_wait3A_235 = tpu.memref_slice %arg6[%run_scoped3A_142, %dma_wait3A_233, %dma_wait3A_234] : memref<2x128x128xf32, #tpu.memory_space<vmem>> -> memref<1x128x128xf32, #tpu.memory_space<vmem>>
        %dma_wait3A_236 = tpu.memref_squeeze %dma_wait3A_235 : memref<1x128x128xf32, #tpu.memory_space<vmem>> -> memref<128x128xf32, #tpu.memory_space<vmem>>
        %dma_wait3A_237 = arith.constant 0 : i32
        %dma_wait3A_238 = tpu.memref_slice %arg4[%add3A_141, %dma_wait3A_237] : memref<163840x128xf32, #tpu.memory_space<hbm>> -> memref<128x128xf32, #tpu.memory_space<hbm>>
        %dma_wait3A_239 = arith.constant 0 : i32
        %dma_wait3A_240 = tpu.memref_slice %arg4[%add3A_141, %dma_wait3A_239] : memref<163840x128xf32, #tpu.memory_space<hbm>> -> memref<128x128xf32, #tpu.memory_space<hbm>>
        %dma_wait3A_241 = arith.constant 0 : i32
        %dma_wait3A_242 = arith.constant 0 : i32
        %dma_wait3A_243 = tpu.memref_slice %arg6[%run_scoped3A_142, %dma_wait3A_241, %dma_wait3A_242] : memref<2x128x128xf32, #tpu.memory_space<vmem>> -> memref<1x128x128xf32, #tpu.memory_space<vmem>>
        %dma_wait3A_244 = tpu.memref_squeeze %dma_wait3A_243 : memref<1x128x128xf32, #tpu.memory_space<vmem>> -> memref<128x128xf32, #tpu.memory_space<vmem>>
        tpu.wait_dma2 semaphore(%run_scoped3A_220 : memref<!tpu.dma_semaphore, #tpu.memory_space<semaphore_mem>>) src(%dma_wait3A_244 : memref<128x128xf32, #tpu.memory_space<vmem>>) dst(%dma_wait3A_240 : memref<128x128xf32, #tpu.memory_space<hbm>>)
        tpu.yield
      }) : () -> ()
      %add3A_143 = arith.constant 2 : i32
      %add3A_144 = arith.addi %mul3A_79, %add3A_143 : i32
      %mul3A_145 = arith.constant 128 : i32
      %mul3A_146 = arith.muli %add3A_144, %mul3A_145 : i32
      %dma_start3A_147 = arith.constant 0 : i32
      %dma_start3A_148 = arith.constant 0 : i32
      %dma_start3A_149 = arith.constant 0 : i32
      %dma_start3A_150 = tpu.memref_slice %arg6[%dma_start3A_147, %dma_start3A_148, %dma_start3A_149] : memref<2x128x128xf32, #tpu.memory_space<vmem>> -> memref<1x128x128xf32, #tpu.memory_space<vmem>>
      %dma_start3A_151 = tpu.memref_squeeze %dma_start3A_150 : memref<1x128x128xf32, #tpu.memory_space<vmem>> -> memref<128x128xf32, #tpu.memory_space<vmem>>
      %dma_start3A_152 = tpu.memref_slice %arg5[%mul3A_146] : memref<5120xi32, #tpu.memory_space<vmem>> -> memref<128xi32, #tpu.memory_space<vmem>>
      %dma_start3A_153 = arith.constant 0 : i32
      %dma_start3A_154 = arith.constant 0 : i32
      %dma_start3A_155 = tpu.memref_slice %arg2[%dma_start3A_153, %dma_start3A_154] : memref<8000x128xf32, #tpu.memory_space<hbm>> -> memref<8000x128xf32, #tpu.memory_space<hbm>>
      tpu.enqueue_indirect_dma source(%dma_start3A_155 : memref<8000x128xf32, #tpu.memory_space<hbm>>) target(%dma_start3A_151 : memref<128x128xf32, #tpu.memory_space<vmem>>) offsets(%dma_start3A_152 : memref<128xi32, #tpu.memory_space<vmem>>) semaphore(%arg7 : memref<!tpu.dma_semaphore, #tpu.memory_space<semaphore_mem>>)
      %add3A_156 = arith.constant 1 : i32
      %add3A_157 = arith.addi %mul3A_79, %add3A_156 : i32
      %mul3A_158 = arith.constant 128 : i32
      %mul3A_159 = arith.muli %add3A_157, %mul3A_158 : i32
      %dma_wait3A_160 = arith.constant 1 : i32
      %dma_wait3A_161 = arith.constant 0 : i32
      %dma_wait3A_162 = arith.constant 0 : i32
      %dma_wait3A_163 = tpu.memref_slice %arg6[%dma_wait3A_160, %dma_wait3A_161, %dma_wait3A_162] : memref<2x128x128xf32, #tpu.memory_space<vmem>> -> memref<1x128x128xf32, #tpu.memory_space<vmem>>
      %dma_wait3A_164 = tpu.memref_squeeze %dma_wait3A_163 : memref<1x128x128xf32, #tpu.memory_space<vmem>> -> memref<128x128xf32, #tpu.memory_space<vmem>>
      %dma_wait3A_165 = tpu.memref_slice %arg5[%mul3A_159] : memref<5120xi32, #tpu.memory_space<vmem>> -> memref<128xi32, #tpu.memory_space<vmem>>
      %dma_wait3A_166 = arith.constant 0 : i32
      %dma_wait3A_167 = arith.constant 0 : i32
      %dma_wait3A_168 = tpu.memref_slice %arg2[%dma_wait3A_166, %dma_wait3A_167] : memref<8000x128xf32, #tpu.memory_space<hbm>> -> memref<8000x128xf32, #tpu.memory_space<hbm>>
      tpu.wait_indirect_dma semaphore(%arg8 : memref<!tpu.dma_semaphore, #tpu.memory_space<semaphore_mem>>) src(%dma_wait3A_168 : memref<8000x128xf32, #tpu.memory_space<hbm>>) dst(%dma_wait3A_164 : memref<128x128xf32, #tpu.memory_space<vmem>>)
      %add3A_169 = arith.constant 1 : i32
      %add3A_170 = arith.addi %mul3A_79, %add3A_169 : i32
      %jit3A_171 = arith.constant 8 : i32
      %div3A_172 = arith.divsi %add3A_170, %jit3A_171 : i32
      %sign3A_173 = arith.constant 0 : i32
      %sign3A_174 = arith.cmpi sgt, %add3A_170, %sign3A_173 : i32
      %sign3A_175 = arith.extui %sign3A_174 : i1 to i32
      %sign3A_176 = arith.constant 0 : i32
      %sign3A_177 = arith.cmpi slt, %add3A_170, %sign3A_176 : i32
      %sign3A_178 = arith.extui %sign3A_177 : i1 to i32
      %sign3A_179 = arith.subi %sign3A_175, %sign3A_178 : i32
      %sign3A_180 = arith.constant 0 : i32
      %sign3A_181 = arith.cmpi sgt, %jit3A_171, %sign3A_180 : i32
      %sign3A_182 = arith.extui %sign3A_181 : i1 to i32
      %sign3A_183 = arith.constant 0 : i32
      %sign3A_184 = arith.cmpi slt, %jit3A_171, %sign3A_183 : i32
      %sign3A_185 = arith.extui %sign3A_184 : i1 to i32
      %sign3A_186 = arith.subi %sign3A_182, %sign3A_185 : i32
      %ne3A_187 = arith.cmpi ne, %sign3A_179, %sign3A_186 : i32
      %rem3A_188 = arith.remsi %add3A_170, %jit3A_171 : i32
      %ne3A_189 = arith.constant 0 : i32
      %ne3A_190 = arith.cmpi ne, %rem3A_188, %ne3A_189 : i32
      %and3A_191 = arith.andi %ne3A_187, %ne3A_190 : i1
      %sub3A_192 = arith.constant 1 : i32
      %sub3A_193 = arith.subi %div3A_172, %sub3A_192 : i32
      %select_n3A_194 = arith.select %and3A_191, %sub3A_193, %div3A_172 : i32
      %mul3A_195 = arith.constant 32768 : i32
      %mul3A_196 = arith.muli %select_n3A_194, %mul3A_195 : i32
      %mul3A_197 = arith.constant 1024 : i32
      %mul3A_198 = arith.muli %add3A, %mul3A_197 : i32
      %add3A_199 = arith.addi %mul3A_196, %mul3A_198 : i32
      %jit3A_200 = arith.constant 8 : i32
      %eq3A_201 = arith.constant 0 : i32
      %eq3A_202 = arith.cmpi eq, %jit3A_200, %eq3A_201 : i32
      %jit3A_203 = arith.constant 1 : i32
      %select_n3A_204 = arith.select %eq3A_202, %jit3A_203, %jit3A_200 : i32
      %rem3A_205 = arith.remsi %add3A_170, %select_n3A_204 : i32
      %ne3A_206 = arith.constant 0 : i32
      %ne3A_207 = arith.cmpi ne, %rem3A_205, %ne3A_206 : i32
      %lt3A_208 = arith.constant 0 : i32
      %lt3A_209 = arith.cmpi slt, %rem3A_205, %lt3A_208 : i32
      %lt3A_210 = arith.constant 0 : i32
      %lt3A_211 = arith.cmpi slt, %select_n3A_204, %lt3A_210 : i32
      %ne3A_212 = arith.xori %lt3A_209, %lt3A_211 : i1
      %and3A_213 = arith.andi %ne3A_212, %ne3A_207 : i1
      %add3A_214 = arith.addi %rem3A_205, %select_n3A_204 : i32
      %select_n3A_215 = arith.select %and3A_213, %add3A_214, %rem3A_205 : i32
      %mul3A_216 = arith.constant 128 : i32
      %mul3A_217 = arith.muli %select_n3A_215, %mul3A_216 : i32
      %add3A_218 = arith.addi %add3A_199, %mul3A_217 : i32
      %run_scoped3A_219 = arith.constant 1 : i32
      "tpu.region"() ({
        %run_scoped3A_220 = tpu.sem_alloc : memref<!tpu.dma_semaphore, #tpu.memory_space<semaphore_mem>>
        %dma_start3A_221 = arith.constant 0 : i32
        %dma_start3A_222 = arith.constant 0 : i32
        %dma_start3A_223 = tpu.memref_slice %arg6[%run_scoped3A_219, %dma_start3A_221, %dma_start3A_222] : memref<2x128x128xf32, #tpu.memory_space<vmem>> -> memref<1x128x128xf32, #tpu.memory_space<vmem>>
        %dma_start3A_224 = tpu.memref_squeeze %dma_start3A_223 : memref<1x128x128xf32, #tpu.memory_space<vmem>> -> memref<128x128xf32, #tpu.memory_space<vmem>>
        %dma_start3A_225 = arith.constant 0 : i32
        %dma_start3A_226 = tpu.memref_slice %arg4[%add3A_218, %dma_start3A_225] : memref<163840x128xf32, #tpu.memory_space<hbm>> -> memref<128x128xf32, #tpu.memory_space<hbm>>
        %dma_start3A_227 = arith.constant 0 : i32
        %dma_start3A_228 = tpu.memref_slice %arg4[%add3A_218, %dma_start3A_227] : memref<163840x128xf32, #tpu.memory_space<hbm>> -> memref<128x128xf32, #tpu.memory_space<hbm>>
        %dma_start3A_229 = arith.constant 0 : i32
        %dma_start3A_230 = arith.constant 0 : i32
        %dma_start3A_231 = tpu.memref_slice %arg6[%run_scoped3A_219, %dma_start3A_229, %dma_start3A_230] : memref<2x128x128xf32, #tpu.memory_space<vmem>> -> memref<1x128x128xf32, #tpu.memory_space<vmem>>
        %dma_start3A_232 = tpu.memref_squeeze %dma_start3A_231 : memref<1x128x128xf32, #tpu.memory_space<vmem>> -> memref<128x128xf32, #tpu.memory_space<vmem>>
        tpu.enqueue_dma source(%dma_start3A_232 : memref<128x128xf32, #tpu.memory_space<vmem>>) target(%dma_start3A_228 : memref<128x128xf32, #tpu.memory_space<hbm>>) target_semaphore(%run_scoped3A_220 : memref<!tpu.dma_semaphore, #tpu.memory_space<semaphore_mem>>)
        %dma_wait3A_233 = arith.constant 0 : i32
        %dma_wait3A_234 = arith.constant 0 : i32
        %dma_wait3A_235 = tpu.memref_slice %arg6[%run_scoped3A_219, %dma_wait3A_233, %dma_wait3A_234] : memref<2x128x128xf32, #tpu.memory_space<vmem>> -> memref<1x128x128xf32, #tpu.memory_space<vmem>>
        %dma_wait3A_236 = tpu.memref_squeeze %dma_wait3A_235 : memref<1x128x128xf32, #tpu.memory_space<vmem>> -> memref<128x128xf32, #tpu.memory_space<vmem>>
        %dma_wait3A_237 = arith.constant 0 : i32
        %dma_wait3A_238 = tpu.memref_slice %arg4[%add3A_218, %dma_wait3A_237] : memref<163840x128xf32, #tpu.memory_space<hbm>> -> memref<128x128xf32, #tpu.memory_space<hbm>>
        %dma_wait3A_239 = arith.constant 0 : i32
        %dma_wait3A_240 = tpu.memref_slice %arg4[%add3A_218, %dma_wait3A_239] : memref<163840x128xf32, #tpu.memory_space<hbm>> -> memref<128x128xf32, #tpu.memory_space<hbm>>
        %dma_wait3A_241 = arith.constant 0 : i32
        %dma_wait3A_242 = arith.constant 0 : i32
        %dma_wait3A_243 = tpu.memref_slice %arg6[%run_scoped3A_219, %dma_wait3A_241, %dma_wait3A_242] : memref<2x128x128xf32, #tpu.memory_space<vmem>> -> memref<1x128x128xf32, #tpu.memory_space<vmem>>
        %dma_wait3A_244 = tpu.memref_squeeze %dma_wait3A_243 : memref<1x128x128xf32, #tpu.memory_space<vmem>> -> memref<128x128xf32, #tpu.memory_space<vmem>>
        tpu.wait_dma2 semaphore(%run_scoped3A_220 : memref<!tpu.dma_semaphore, #tpu.memory_space<semaphore_mem>>) src(%dma_wait3A_244 : memref<128x128xf32, #tpu.memory_space<vmem>>) dst(%dma_wait3A_240 : memref<128x128xf32, #tpu.memory_space<hbm>>)
        tpu.yield
      }) : () -> ()
    }
    %scan3A_34 = arith.constant 19 : i32
    %dma_start3A_35 = arith.constant 1 : i32
    %dma_start3A_36 = arith.constant 0 : i32
    %dma_start3A_37 = arith.constant 0 : i32
    %dma_start3A_38 = tpu.memref_slice %arg6[%dma_start3A_35, %dma_start3A_36, %dma_start3A_37] : memref<2x128x128xf32, #tpu.memory_space<vmem>> -> memref<1x128x128xf32, #tpu.memory_space<vmem>>
    %dma_start3A_39 = tpu.memref_squeeze %dma_start3A_38 : memref<1x128x128xf32, #tpu.memory_space<vmem>> -> memref<128x128xf32, #tpu.memory_space<vmem>>
    %dma_start3A_40 = arith.constant 4992 : i32
    %dma_start3A_41 = tpu.memref_slice %arg5[%dma_start3A_40] : memref<5120xi32, #tpu.memory_space<vmem>> -> memref<128xi32, #tpu.memory_space<vmem>>
    %dma_start3A_42 = arith.constant 0 : i32
    %dma_start3A_43 = arith.constant 0 : i32
    %dma_start3A_44 = tpu.memref_slice %arg2[%dma_start3A_42, %dma_start3A_43] : memref<8000x128xf32, #tpu.memory_space<hbm>> -> memref<8000x128xf32, #tpu.memory_space<hbm>>
    tpu.enqueue_indirect_dma source(%dma_start3A_44 : memref<8000x128xf32, #tpu.memory_space<hbm>>) target(%dma_start3A_39 : memref<128x128xf32, #tpu.memory_space<vmem>>) offsets(%dma_start3A_41 : memref<128xi32, #tpu.memory_space<vmem>>) semaphore(%arg8 : memref<!tpu.dma_semaphore, #tpu.memory_space<semaphore_mem>>)
    %dma_wait3A = arith.constant 0 : i32
    %dma_wait3A_45 = arith.constant 0 : i32
    %dma_wait3A_46 = arith.constant 0 : i32
    %dma_wait3A_47 = tpu.memref_slice %arg6[%dma_wait3A, %dma_wait3A_45, %dma_wait3A_46] : memref<2x128x128xf32, #tpu.memory_space<vmem>> -> memref<1x128x128xf32, #tpu.memory_space<vmem>>
    %dma_wait3A_48 = tpu.memref_squeeze %dma_wait3A_47 : memref<1x128x128xf32, #tpu.memory_space<vmem>> -> memref<128x128xf32, #tpu.memory_space<vmem>>
    %dma_wait3A_49 = arith.constant 4864 : i32
    %dma_wait3A_50 = tpu.memref_slice %arg5[%dma_wait3A_49] : memref<5120xi32, #tpu.memory_space<vmem>> -> memref<128xi32, #tpu.memory_space<vmem>>
    %dma_wait3A_51 = arith.constant 0 : i32
    %dma_wait3A_52 = arith.constant 0 : i32
    %dma_wait3A_53 = tpu.memref_slice %arg2[%dma_wait3A_51, %dma_wait3A_52] : memref<8000x128xf32, #tpu.memory_space<hbm>> -> memref<8000x128xf32, #tpu.memory_space<hbm>>
    tpu.wait_indirect_dma semaphore(%arg7 : memref<!tpu.dma_semaphore, #tpu.memory_space<semaphore_mem>>) src(%dma_wait3A_53 : memref<8000x128xf32, #tpu.memory_space<hbm>>) dst(%dma_wait3A_48 : memref<128x128xf32, #tpu.memory_space<vmem>>)
    %mul3A_54 = arith.constant 1024 : i32
    %mul3A_55 = arith.muli %add3A, %mul3A_54 : i32
    %add3A_56 = arith.constant 131072 : i32
    %add3A_57 = arith.addi %add3A_56, %mul3A_55 : i32
    %add3A_58 = arith.constant 768 : i32
    %add3A_59 = arith.addi %add3A_57, %add3A_58 : i32
    %run_scoped3A = arith.constant 0 : i32
    "tpu.region"() ({
      %run_scoped3A_77 = tpu.sem_alloc : memref<!tpu.dma_semaphore, #tpu.memory_space<semaphore_mem>>
      %dma_start3A_78 = arith.constant 0 : i32
      %dma_start3A_79 = arith.constant 0 : i32
      %dma_start3A_80 = tpu.memref_slice %arg6[%run_scoped3A, %dma_start3A_78, %dma_start3A_79] : memref<2x128x128xf32, #tpu.memory_space<vmem>> -> memref<1x128x128xf32, #tpu.memory_space<vmem>>
      %dma_start3A_81 = tpu.memref_squeeze %dma_start3A_80 : memref<1x128x128xf32, #tpu.memory_space<vmem>> -> memref<128x128xf32, #tpu.memory_space<vmem>>
      %dma_start3A_82 = arith.constant 0 : i32
      %dma_start3A_83 = tpu.memref_slice %arg4[%add3A_59, %dma_start3A_82] : memref<163840x128xf32, #tpu.memory_space<hbm>> -> memref<128x128xf32, #tpu.memory_space<hbm>>
      %dma_start3A_84 = arith.constant 0 : i32
      %dma_start3A_85 = tpu.memref_slice %arg4[%add3A_59, %dma_start3A_84] : memref<163840x128xf32, #tpu.memory_space<hbm>> -> memref<128x128xf32, #tpu.memory_space<hbm>>
      %dma_start3A_86 = arith.constant 0 : i32
      %dma_start3A_87 = arith.constant 0 : i32
      %dma_start3A_88 = tpu.memref_slice %arg6[%run_scoped3A, %dma_start3A_86, %dma_start3A_87] : memref<2x128x128xf32, #tpu.memory_space<vmem>> -> memref<1x128x128xf32, #tpu.memory_space<vmem>>
      %dma_start3A_89 = tpu.memref_squeeze %dma_start3A_88 : memref<1x128x128xf32, #tpu.memory_space<vmem>> -> memref<128x128xf32, #tpu.memory_space<vmem>>
      tpu.enqueue_dma source(%dma_start3A_89 : memref<128x128xf32, #tpu.memory_space<vmem>>) target(%dma_start3A_85 : memref<128x128xf32, #tpu.memory_space<hbm>>) target_semaphore(%run_scoped3A_77 : memref<!tpu.dma_semaphore, #tpu.memory_space<semaphore_mem>>)
      %dma_wait3A_90 = arith.constant 0 : i32
      %dma_wait3A_91 = arith.constant 0 : i32
      %dma_wait3A_92 = tpu.memref_slice %arg6[%run_scoped3A, %dma_wait3A_90, %dma_wait3A_91] : memref<2x128x128xf32, #tpu.memory_space<vmem>> -> memref<1x128x128xf32, #tpu.memory_space<vmem>>
      %dma_wait3A_93 = tpu.memref_squeeze %dma_wait3A_92 : memref<1x128x128xf32, #tpu.memory_space<vmem>> -> memref<128x128xf32, #tpu.memory_space<vmem>>
      %dma_wait3A_94 = arith.constant 0 : i32
      %dma_wait3A_95 = tpu.memref_slice %arg4[%add3A_59, %dma_wait3A_94] : memref<163840x128xf32, #tpu.memory_space<hbm>> -> memref<128x128xf32, #tpu.memory_space<hbm>>
      %dma_wait3A_96 = arith.constant 0 : i32
      %dma_wait3A_97 = tpu.memref_slice %arg4[%add3A_59, %dma_wait3A_96] : memref<163840x128xf32, #tpu.memory_space<hbm>> -> memref<128x128xf32, #tpu.memory_space<hbm>>
      %dma_wait3A_98 = arith.constant 0 : i32
      %dma_wait3A_99 = arith.constant 0 : i32
      %dma_wait3A_100 = tpu.memref_slice %arg6[%run_scoped3A, %dma_wait3A_98, %dma_wait3A_99] : memref<2x128x128xf32, #tpu.memory_space<vmem>> -> memref<1x128x128xf32, #tpu.memory_space<vmem>>
      %dma_wait3A_101 = tpu.memref_squeeze %dma_wait3A_100 : memref<1x128x128xf32, #tpu.memory_space<vmem>> -> memref<128x128xf32, #tpu.memory_space<vmem>>
      tpu.wait_dma2 semaphore(%run_scoped3A_77 : memref<!tpu.dma_semaphore, #tpu.memory_space<semaphore_mem>>) src(%dma_wait3A_101 : memref<128x128xf32, #tpu.memory_space<vmem>>) dst(%dma_wait3A_97 : memref<128x128xf32, #tpu.memory_space<hbm>>)
      tpu.yield
    }) : () -> ()
    %dma_wait3A_60 = arith.constant 1 : i32
    %dma_wait3A_61 = arith.constant 0 : i32
    %dma_wait3A_62 = arith.constant 0 : i32
    %dma_wait3A_63 = tpu.memref_slice %arg6[%dma_wait3A_60, %dma_wait3A_61, %dma_wait3A_62] : memref<2x128x128xf32, #tpu.memory_space<vmem>> -> memref<1x128x128xf32, #tpu.memory_space<vmem>>
    %dma_wait3A_64 = tpu.memref_squeeze %dma_wait3A_63 : memref<1x128x128xf32, #tpu.memory_space<vmem>> -> memref<128x128xf32, #tpu.memory_space<vmem>>
    %dma_wait3A_65 = arith.constant 4992 : i32
    %dma_wait3A_66 = tpu.memref_slice %arg5[%dma_wait3A_65] : memref<5120xi32, #tpu.memory_space<vmem>> -> memref<128xi32, #tpu.memory_space<vmem>>
    %dma_wait3A_67 = arith.constant 0 : i32
    %dma_wait3A_68 = arith.constant 0 : i32
    %dma_wait3A_69 = tpu.memref_slice %arg2[%dma_wait3A_67, %dma_wait3A_68] : memref<8000x128xf32, #tpu.memory_space<hbm>> -> memref<8000x128xf32, #tpu.memory_space<hbm>>
    tpu.wait_indirect_dma semaphore(%arg8 : memref<!tpu.dma_semaphore, #tpu.memory_space<semaphore_mem>>) src(%dma_wait3A_69 : memref<8000x128xf32, #tpu.memory_space<hbm>>) dst(%dma_wait3A_64 : memref<128x128xf32, #tpu.memory_space<vmem>>)
    %mul3A_70 = arith.constant 1024 : i32
    %mul3A_71 = arith.muli %add3A, %mul3A_70 : i32
    %add3A_72 = arith.constant 131072 : i32
    %add3A_73 = arith.addi %add3A_72, %mul3A_71 : i32
    %add3A_74 = arith.constant 896 : i32
    %add3A_75 = arith.addi %add3A_73, %add3A_74 : i32
    %run_scoped3A_76 = arith.constant 1 : i32
    "tpu.region"() ({
      %run_scoped3A_77 = tpu.sem_alloc : memref<!tpu.dma_semaphore, #tpu.memory_space<semaphore_mem>>
      %dma_start3A_78 = arith.constant 0 : i32
      %dma_start3A_79 = arith.constant 0 : i32
      %dma_start3A_80 = tpu.memref_slice %arg6[%run_scoped3A_76, %dma_start3A_78, %dma_start3A_79] : memref<2x128x128xf32, #tpu.memory_space<vmem>> -> memref<1x128x128xf32, #tpu.memory_space<vmem>>
      %dma_start3A_81 = tpu.memref_squeeze %dma_start3A_80 : memref<1x128x128xf32, #tpu.memory_space<vmem>> -> memref<128x128xf32, #tpu.memory_space<vmem>>
      %dma_start3A_82 = arith.constant 0 : i32
      %dma_start3A_83 = tpu.memref_slice %arg4[%add3A_75, %dma_start3A_82] : memref<163840x128xf32, #tpu.memory_space<hbm>> -> memref<128x128xf32, #tpu.memory_space<hbm>>
      %dma_start3A_84 = arith.constant 0 : i32
      %dma_start3A_85 = tpu.memref_slice %arg4[%add3A_75, %dma_start3A_84] : memref<163840x128xf32, #tpu.memory_space<hbm>> -> memref<128x128xf32, #tpu.memory_space<hbm>>
      %dma_start3A_86 = arith.constant 0 : i32
      %dma_start3A_87 = arith.constant 0 : i32
      %dma_start3A_88 = tpu.memref_slice %arg6[%run_scoped3A_76, %dma_start3A_86, %dma_start3A_87] : memref<2x128x128xf32, #tpu.memory_space<vmem>> -> memref<1x128x128xf32, #tpu.memory_space<vmem>>
      %dma_start3A_89 = tpu.memref_squeeze %dma_start3A_88 : memref<1x128x128xf32, #tpu.memory_space<vmem>> -> memref<128x128xf32, #tpu.memory_space<vmem>>
      tpu.enqueue_dma source(%dma_start3A_89 : memref<128x128xf32, #tpu.memory_space<vmem>>) target(%dma_start3A_85 : memref<128x128xf32, #tpu.memory_space<hbm>>) target_semaphore(%run_scoped3A_77 : memref<!tpu.dma_semaphore, #tpu.memory_space<semaphore_mem>>)
      %dma_wait3A_90 = arith.constant 0 : i32
      %dma_wait3A_91 = arith.constant 0 : i32
      %dma_wait3A_92 = tpu.memref_slice %arg6[%run_scoped3A_76, %dma_wait3A_90, %dma_wait3A_91] : memref<2x128x128xf32, #tpu.memory_space<vmem>> -> memref<1x128x128xf32, #tpu.memory_space<vmem>>
      %dma_wait3A_93 = tpu.memref_squeeze %dma_wait3A_92 : memref<1x128x128xf32, #tpu.memory_space<vmem>> -> memref<128x128xf32, #tpu.memory_space<vmem>>
      %dma_wait3A_94 = arith.constant 0 : i32
      %dma_wait3A_95 = tpu.memref_slice %arg4[%add3A_75, %dma_wait3A_94] : memref<163840x128xf32, #tpu.memory_space<hbm>> -> memref<128x128xf32, #tpu.memory_space<hbm>>
      %dma_wait3A_96 = arith.constant 0 : i32
      %dma_wait3A_97 = tpu.memref_slice %arg4[%add3A_75, %dma_wait3A_96] : memref<163840x128xf32, #tpu.memory_space<hbm>> -> memref<128x128xf32, #tpu.memory_space<hbm>>
      %dma_wait3A_98 = arith.constant 0 : i32
      %dma_wait3A_99 = arith.constant 0 : i32
      %dma_wait3A_100 = tpu.memref_slice %arg6[%run_scoped3A_76, %dma_wait3A_98, %dma_wait3A_99] : memref<2x128x128xf32, #tpu.memory_space<vmem>> -> memref<1x128x128xf32, #tpu.memory_space<vmem>>
      %dma_wait3A_101 = tpu.memref_squeeze %dma_wait3A_100 : memref<1x128x128xf32, #tpu.memory_space<vmem>> -> memref<128x128xf32, #tpu.memory_space<vmem>>
      tpu.wait_dma2 semaphore(%run_scoped3A_77 : memref<!tpu.dma_semaphore, #tpu.memory_space<semaphore_mem>>) src(%dma_wait3A_101 : memref<128x128xf32, #tpu.memory_space<vmem>>) dst(%dma_wait3A_97 : memref<128x128xf32, #tpu.memory_space<hbm>>)
      tpu.yield
    }) : () -> ()
    return
  }
}

#map = affine_map<(d0, d1) -> (0, 0)>
#map1 = affine_map<(d0, d1) -> (0)>
module attributes {stable_mosaic.version = 14 : i64} {
  func.func @gather_kernel(%arg0: i32, %arg1: i32, %arg2: memref<8000x128xf32, #tpu.memory_space<hbm>>, %arg3: memref<655360xi32, #tpu.memory_space<hbm>>, %arg4: memref<163840x128xf32, #tpu.memory_space<hbm>>, %arg5: memref<5120xi32, #tpu.memory_space<vmem>>, %arg6: memref<2x128x128xf32, #tpu.memory_space<vmem>>, %arg7: memref<!tpu.dma_semaphore, #tpu.memory_space<semaphore_mem>>, %arg8: memref<!tpu.dma_semaphore, #tpu.memory_space<semaphore_mem>>) attributes {dimension_semantics = [#tpu.dimension_semantics<core_parallel>, #tpu.dimension_semantics<subcore_parallel>], iteration_bounds = array<i64: 2, 16>, scalar_prefetch = 0 : i64, scratch_operands = 4 : i64, tpu.core_type = #tpu.core_type<sc_vector_subcore>, window_params = [{transform_indices = #map}, {transform_indices = #map1}, {transform_indices = #map}]} {
    %mul3A = arith.constant 2 : i32
    %mul3A_0 = arith.muli %arg1, %mul3A : i32
    %add3A = arith.addi %mul3A_0, %arg0 : i32
    %mul3A_1 = arith.constant 1024 : i32
    %mul3A_2 = arith.muli %add3A, %mul3A_1 : i32
    %add3A_3 = arith.constant 163840 : i32
    %add3A_4 = arith.addi %add3A_3, %mul3A_2 : i32
    "tpu.region"() ({
      %run_scoped3A_77 = tpu.sem_alloc : memref<!tpu.dma_semaphore, #tpu.memory_space<semaphore_mem>>
      %dma_start3A_78 = arith.constant 0 : i32
      %dma_start3A_79 = tpu.memref_slice %arg5[%dma_start3A_78] : memref<5120xi32, #tpu.memory_space<vmem>> -> memref<1024xi32, #tpu.memory_space<vmem>>
      %dma_start3A_80 = tpu.memref_slice %arg3[%add3A_4] : memref<655360xi32, #tpu.memory_space<hbm>> -> memref<1024xi32, #tpu.memory_space<hbm>>
      %dma_start3A_81 = arith.constant 0 : i32
      %dma_start3A_82 = tpu.memref_slice %arg5[%dma_start3A_81] : memref<5120xi32, #tpu.memory_space<vmem>> -> memref<1024xi32, #tpu.memory_space<vmem>>
      %dma_start3A_83 = tpu.memref_slice %arg3[%add3A_4] : memref<655360xi32, #tpu.memory_space<hbm>> -> memref<1024xi32, #tpu.memory_space<hbm>>
      tpu.enqueue_dma source(%dma_start3A_83 : memref<1024xi32, #tpu.memory_space<hbm>>) target(%dma_start3A_82 : memref<1024xi32, #tpu.memory_space<vmem>>) target_semaphore(%run_scoped3A_77 : memref<!tpu.dma_semaphore, #tpu.memory_space<semaphore_mem>>)
      %dma_wait3A_84 = arith.constant 0 : i32
      %dma_wait3A_85 = tpu.memref_slice %arg5[%dma_wait3A_84] : memref<5120xi32, #tpu.memory_space<vmem>> -> memref<1024xi32, #tpu.memory_space<vmem>>
      %dma_wait3A_86 = tpu.memref_slice %arg3[%add3A_4] : memref<655360xi32, #tpu.memory_space<hbm>> -> memref<1024xi32, #tpu.memory_space<hbm>>
      %dma_wait3A_87 = arith.constant 0 : i32
      %dma_wait3A_88 = tpu.memref_slice %arg5[%dma_wait3A_87] : memref<5120xi32, #tpu.memory_space<vmem>> -> memref<1024xi32, #tpu.memory_space<vmem>>
      %dma_wait3A_89 = tpu.memref_slice %arg3[%add3A_4] : memref<655360xi32, #tpu.memory_space<hbm>> -> memref<1024xi32, #tpu.memory_space<hbm>>
      tpu.wait_dma2 semaphore(%run_scoped3A_77 : memref<!tpu.dma_semaphore, #tpu.memory_space<semaphore_mem>>) src(%dma_wait3A_89 : memref<1024xi32, #tpu.memory_space<hbm>>) dst(%dma_wait3A_88 : memref<1024xi32, #tpu.memory_space<vmem>>)
      tpu.yield
    }) : () -> ()
    %mul3A_5 = arith.constant 1024 : i32
    %mul3A_6 = arith.muli %add3A, %mul3A_5 : i32
    %add3A_7 = arith.constant 196608 : i32
    %add3A_8 = arith.addi %add3A_7, %mul3A_6 : i32
    "tpu.region"() ({
      %run_scoped3A_77 = tpu.sem_alloc : memref<!tpu.dma_semaphore, #tpu.memory_space<semaphore_mem>>
      %dma_start3A_78 = arith.constant 1024 : i32
      %dma_start3A_79 = tpu.memref_slice %arg5[%dma_start3A_78] : memref<5120xi32, #tpu.memory_space<vmem>> -> memref<1024xi32, #tpu.memory_space<vmem>>
      %dma_start3A_80 = tpu.memref_slice %arg3[%add3A_8] : memref<655360xi32, #tpu.memory_space<hbm>> -> memref<1024xi32, #tpu.memory_space<hbm>>
      %dma_start3A_81 = arith.constant 1024 : i32
      %dma_start3A_82 = tpu.memref_slice %arg5[%dma_start3A_81] : memref<5120xi32, #tpu.memory_space<vmem>> -> memref<1024xi32, #tpu.memory_space<vmem>>
      %dma_start3A_83 = tpu.memref_slice %arg3[%add3A_8] : memref<655360xi32, #tpu.memory_space<hbm>> -> memref<1024xi32, #tpu.memory_space<hbm>>
      tpu.enqueue_dma source(%dma_start3A_83 : memref<1024xi32, #tpu.memory_space<hbm>>) target(%dma_start3A_82 : memref<1024xi32, #tpu.memory_space<vmem>>) target_semaphore(%run_scoped3A_77 : memref<!tpu.dma_semaphore, #tpu.memory_space<semaphore_mem>>)
      %dma_wait3A_84 = arith.constant 1024 : i32
      %dma_wait3A_85 = tpu.memref_slice %arg5[%dma_wait3A_84] : memref<5120xi32, #tpu.memory_space<vmem>> -> memref<1024xi32, #tpu.memory_space<vmem>>
      %dma_wait3A_86 = tpu.memref_slice %arg3[%add3A_8] : memref<655360xi32, #tpu.memory_space<hbm>> -> memref<1024xi32, #tpu.memory_space<hbm>>
      %dma_wait3A_87 = arith.constant 1024 : i32
      %dma_wait3A_88 = tpu.memref_slice %arg5[%dma_wait3A_87] : memref<5120xi32, #tpu.memory_space<vmem>> -> memref<1024xi32, #tpu.memory_space<vmem>>
      %dma_wait3A_89 = tpu.memref_slice %arg3[%add3A_8] : memref<655360xi32, #tpu.memory_space<hbm>> -> memref<1024xi32, #tpu.memory_space<hbm>>
      tpu.wait_dma2 semaphore(%run_scoped3A_77 : memref<!tpu.dma_semaphore, #tpu.memory_space<semaphore_mem>>) src(%dma_wait3A_89 : memref<1024xi32, #tpu.memory_space<hbm>>) dst(%dma_wait3A_88 : memref<1024xi32, #tpu.memory_space<vmem>>)
      tpu.yield
    }) : () -> ()
    %mul3A_9 = arith.constant 1024 : i32
    %mul3A_10 = arith.muli %add3A, %mul3A_9 : i32
    %add3A_11 = arith.constant 229376 : i32
    %add3A_12 = arith.addi %add3A_11, %mul3A_10 : i32
    "tpu.region"() ({
      %run_scoped3A_77 = tpu.sem_alloc : memref<!tpu.dma_semaphore, #tpu.memory_space<semaphore_mem>>
      %dma_start3A_78 = arith.constant 2048 : i32
      %dma_start3A_79 = tpu.memref_slice %arg5[%dma_start3A_78] : memref<5120xi32, #tpu.memory_space<vmem>> -> memref<1024xi32, #tpu.memory_space<vmem>>
      %dma_start3A_80 = tpu.memref_slice %arg3[%add3A_12] : memref<655360xi32, #tpu.memory_space<hbm>> -> memref<1024xi32, #tpu.memory_space<hbm>>
      %dma_start3A_81 = arith.constant 2048 : i32
      %dma_start3A_82 = tpu.memref_slice %arg5[%dma_start3A_81] : memref<5120xi32, #tpu.memory_space<vmem>> -> memref<1024xi32, #tpu.memory_space<vmem>>
      %dma_start3A_83 = tpu.memref_slice %arg3[%add3A_12] : memref<655360xi32, #tpu.memory_space<hbm>> -> memref<1024xi32, #tpu.memory_space<hbm>>
      tpu.enqueue_dma source(%dma_start3A_83 : memref<1024xi32, #tpu.memory_space<hbm>>) target(%dma_start3A_82 : memref<1024xi32, #tpu.memory_space<vmem>>) target_semaphore(%run_scoped3A_77 : memref<!tpu.dma_semaphore, #tpu.memory_space<semaphore_mem>>)
      %dma_wait3A_84 = arith.constant 2048 : i32
      %dma_wait3A_85 = tpu.memref_slice %arg5[%dma_wait3A_84] : memref<5120xi32, #tpu.memory_space<vmem>> -> memref<1024xi32, #tpu.memory_space<vmem>>
      %dma_wait3A_86 = tpu.memref_slice %arg3[%add3A_12] : memref<655360xi32, #tpu.memory_space<hbm>> -> memref<1024xi32, #tpu.memory_space<hbm>>
      %dma_wait3A_87 = arith.constant 2048 : i32
      %dma_wait3A_88 = tpu.memref_slice %arg5[%dma_wait3A_87] : memref<5120xi32, #tpu.memory_space<vmem>> -> memref<1024xi32, #tpu.memory_space<vmem>>
      %dma_wait3A_89 = tpu.memref_slice %arg3[%add3A_12] : memref<655360xi32, #tpu.memory_space<hbm>> -> memref<1024xi32, #tpu.memory_space<hbm>>
      tpu.wait_dma2 semaphore(%run_scoped3A_77 : memref<!tpu.dma_semaphore, #tpu.memory_space<semaphore_mem>>) src(%dma_wait3A_89 : memref<1024xi32, #tpu.memory_space<hbm>>) dst(%dma_wait3A_88 : memref<1024xi32, #tpu.memory_space<vmem>>)
      tpu.yield
    }) : () -> ()
    %mul3A_13 = arith.constant 1024 : i32
    %mul3A_14 = arith.muli %add3A, %mul3A_13 : i32
    %add3A_15 = arith.constant 262144 : i32
    %add3A_16 = arith.addi %add3A_15, %mul3A_14 : i32
    "tpu.region"() ({
      %run_scoped3A_77 = tpu.sem_alloc : memref<!tpu.dma_semaphore, #tpu.memory_space<semaphore_mem>>
      %dma_start3A_78 = arith.constant 3072 : i32
      %dma_start3A_79 = tpu.memref_slice %arg5[%dma_start3A_78] : memref<5120xi32, #tpu.memory_space<vmem>> -> memref<1024xi32, #tpu.memory_space<vmem>>
      %dma_start3A_80 = tpu.memref_slice %arg3[%add3A_16] : memref<655360xi32, #tpu.memory_space<hbm>> -> memref<1024xi32, #tpu.memory_space<hbm>>
      %dma_start3A_81 = arith.constant 3072 : i32
      %dma_start3A_82 = tpu.memref_slice %arg5[%dma_start3A_81] : memref<5120xi32, #tpu.memory_space<vmem>> -> memref<1024xi32, #tpu.memory_space<vmem>>
      %dma_start3A_83 = tpu.memref_slice %arg3[%add3A_16] : memref<655360xi32, #tpu.memory_space<hbm>> -> memref<1024xi32, #tpu.memory_space<hbm>>
      tpu.enqueue_dma source(%dma_start3A_83 : memref<1024xi32, #tpu.memory_space<hbm>>) target(%dma_start3A_82 : memref<1024xi32, #tpu.memory_space<vmem>>) target_semaphore(%run_scoped3A_77 : memref<!tpu.dma_semaphore, #tpu.memory_space<semaphore_mem>>)
      %dma_wait3A_84 = arith.constant 3072 : i32
      %dma_wait3A_85 = tpu.memref_slice %arg5[%dma_wait3A_84] : memref<5120xi32, #tpu.memory_space<vmem>> -> memref<1024xi32, #tpu.memory_space<vmem>>
      %dma_wait3A_86 = tpu.memref_slice %arg3[%add3A_16] : memref<655360xi32, #tpu.memory_space<hbm>> -> memref<1024xi32, #tpu.memory_space<hbm>>
      %dma_wait3A_87 = arith.constant 3072 : i32
      %dma_wait3A_88 = tpu.memref_slice %arg5[%dma_wait3A_87] : memref<5120xi32, #tpu.memory_space<vmem>> -> memref<1024xi32, #tpu.memory_space<vmem>>
      %dma_wait3A_89 = tpu.memref_slice %arg3[%add3A_16] : memref<655360xi32, #tpu.memory_space<hbm>> -> memref<1024xi32, #tpu.memory_space<hbm>>
      tpu.wait_dma2 semaphore(%run_scoped3A_77 : memref<!tpu.dma_semaphore, #tpu.memory_space<semaphore_mem>>) src(%dma_wait3A_89 : memref<1024xi32, #tpu.memory_space<hbm>>) dst(%dma_wait3A_88 : memref<1024xi32, #tpu.memory_space<vmem>>)
      tpu.yield
    }) : () -> ()
    %mul3A_17 = arith.constant 1024 : i32
    %mul3A_18 = arith.muli %add3A, %mul3A_17 : i32
    %add3A_19 = arith.constant 294912 : i32
    %add3A_20 = arith.addi %add3A_19, %mul3A_18 : i32
    "tpu.region"() ({
      %run_scoped3A_77 = tpu.sem_alloc : memref<!tpu.dma_semaphore, #tpu.memory_space<semaphore_mem>>
      %dma_start3A_78 = arith.constant 4096 : i32
      %dma_start3A_79 = tpu.memref_slice %arg5[%dma_start3A_78] : memref<5120xi32, #tpu.memory_space<vmem>> -> memref<1024xi32, #tpu.memory_space<vmem>>
      %dma_start3A_80 = tpu.memref_slice %arg3[%add3A_20] : memref<655360xi32, #tpu.memory_space<hbm>> -> memref<1024xi32, #tpu.memory_space<hbm>>
      %dma_start3A_81 = arith.constant 4096 : i32
      %dma_start3A_82 = tpu.memref_slice %arg5[%dma_start3A_81] : memref<5120xi32, #tpu.memory_space<vmem>> -> memref<1024xi32, #tpu.memory_space<vmem>>
      %dma_start3A_83 = tpu.memref_slice %arg3[%add3A_20] : memref<655360xi32, #tpu.memory_space<hbm>> -> memref<1024xi32, #tpu.memory_space<hbm>>
      tpu.enqueue_dma source(%dma_start3A_83 : memref<1024xi32, #tpu.memory_space<hbm>>) target(%dma_start3A_82 : memref<1024xi32, #tpu.memory_space<vmem>>) target_semaphore(%run_scoped3A_77 : memref<!tpu.dma_semaphore, #tpu.memory_space<semaphore_mem>>)
      %dma_wait3A_84 = arith.constant 4096 : i32
      %dma_wait3A_85 = tpu.memref_slice %arg5[%dma_wait3A_84] : memref<5120xi32, #tpu.memory_space<vmem>> -> memref<1024xi32, #tpu.memory_space<vmem>>
      %dma_wait3A_86 = tpu.memref_slice %arg3[%add3A_20] : memref<655360xi32, #tpu.memory_space<hbm>> -> memref<1024xi32, #tpu.memory_space<hbm>>
      %dma_wait3A_87 = arith.constant 4096 : i32
      %dma_wait3A_88 = tpu.memref_slice %arg5[%dma_wait3A_87] : memref<5120xi32, #tpu.memory_space<vmem>> -> memref<1024xi32, #tpu.memory_space<vmem>>
      %dma_wait3A_89 = tpu.memref_slice %arg3[%add3A_20] : memref<655360xi32, #tpu.memory_space<hbm>> -> memref<1024xi32, #tpu.memory_space<hbm>>
      tpu.wait_dma2 semaphore(%run_scoped3A_77 : memref<!tpu.dma_semaphore, #tpu.memory_space<semaphore_mem>>) src(%dma_wait3A_89 : memref<1024xi32, #tpu.memory_space<hbm>>) dst(%dma_wait3A_88 : memref<1024xi32, #tpu.memory_space<vmem>>)
      tpu.yield
    }) : () -> ()
    %dma_start3A = arith.constant 0 : i32
    %dma_start3A_21 = arith.constant 0 : i32
    %dma_start3A_22 = arith.constant 0 : i32
    %dma_start3A_23 = tpu.memref_slice %arg6[%dma_start3A, %dma_start3A_21, %dma_start3A_22] : memref<2x128x128xf32, #tpu.memory_space<vmem>> -> memref<1x128x128xf32, #tpu.memory_space<vmem>>
    %dma_start3A_24 = tpu.memref_squeeze %dma_start3A_23 : memref<1x128x128xf32, #tpu.memory_space<vmem>> -> memref<128x128xf32, #tpu.memory_space<vmem>>
    %dma_start3A_25 = arith.constant 0 : i32
    %dma_start3A_26 = tpu.memref_slice %arg5[%dma_start3A_25] : memref<5120xi32, #tpu.memory_space<vmem>> -> memref<128xi32, #tpu.memory_space<vmem>>
    %dma_start3A_27 = arith.constant 0 : i32
    %dma_start3A_28 = arith.constant 0 : i32
    %dma_start3A_29 = tpu.memref_slice %arg2[%dma_start3A_27, %dma_start3A_28] : memref<8000x128xf32, #tpu.memory_space<hbm>> -> memref<8000x128xf32, #tpu.memory_space<hbm>>
    tpu.enqueue_indirect_dma source(%dma_start3A_29 : memref<8000x128xf32, #tpu.memory_space<hbm>>) target(%dma_start3A_24 : memref<128x128xf32, #tpu.memory_space<vmem>>) offsets(%dma_start3A_26 : memref<128xi32, #tpu.memory_space<vmem>>) semaphore(%arg7 : memref<!tpu.dma_semaphore, #tpu.memory_space<semaphore_mem>>)
    %scan3A = arith.constant 0 : i32
    %scan3A_30 = arith.constant 0 : i32
    %scan3A_31 = arith.constant 19 : i32
    %scan3A_32 = arith.addi %scan3A_30, %scan3A_31 : i32
    %scan3A_33 = arith.constant 1 : i32
    scf.for %scan3A_77 = %scan3A_30 to %scan3A_32 step %scan3A_33  : i32 {
      %mul3A_78 = arith.constant 2 : i32
      %mul3A_79 = arith.muli %mul3A_78, %scan3A_77 : i32
      %add3A_80 = arith.constant 1 : i32
      %add3A_81 = arith.addi %mul3A_79, %add3A_80 : i32
      %mul3A_82 = arith.constant 128 : i32
      %mul3A_83 = arith.muli %add3A_81, %mul3A_82 : i32
      %dma_start3A_84 = arith.constant 1 : i32
      %dma_start3A_85 = arith.constant 0 : i32
      %dma_start3A_86 = arith.constant 0 : i32
      %dma_start3A_87 = tpu.memref_slice %arg6[%dma_start3A_84, %dma_start3A_85, %dma_start3A_86] : memref<2x128x128xf32, #tpu.memory_space<vmem>> -> memref<1x128x128xf32, #tpu.memory_space<vmem>>
      %dma_start3A_88 = tpu.memref_squeeze %dma_start3A_87 : memref<1x128x128xf32, #tpu.memory_space<vmem>> -> memref<128x128xf32, #tpu.memory_space<vmem>>
      %dma_start3A_89 = tpu.memref_slice %arg5[%mul3A_83] : memref<5120xi32, #tpu.memory_space<vmem>> -> memref<128xi32, #tpu.memory_space<vmem>>
      %dma_start3A_90 = arith.constant 0 : i32
      %dma_start3A_91 = arith.constant 0 : i32
      %dma_start3A_92 = tpu.memref_slice %arg2[%dma_start3A_90, %dma_start3A_91] : memref<8000x128xf32, #tpu.memory_space<hbm>> -> memref<8000x128xf32, #tpu.memory_space<hbm>>
      tpu.enqueue_indirect_dma source(%dma_start3A_92 : memref<8000x128xf32, #tpu.memory_space<hbm>>) target(%dma_start3A_88 : memref<128x128xf32, #tpu.memory_space<vmem>>) offsets(%dma_start3A_89 : memref<128xi32, #tpu.memory_space<vmem>>) semaphore(%arg8 : memref<!tpu.dma_semaphore, #tpu.memory_space<semaphore_mem>>)
      %mul3A_93 = arith.constant 128 : i32
      %mul3A_94 = arith.muli %mul3A_79, %mul3A_93 : i32
      %dma_wait3A_95 = arith.constant 0 : i32
      %dma_wait3A_96 = arith.constant 0 : i32
      %dma_wait3A_97 = arith.constant 0 : i32
      %dma_wait3A_98 = tpu.memref_slice %arg6[%dma_wait3A_95, %dma_wait3A_96, %dma_wait3A_97] : memref<2x128x128xf32, #tpu.memory_space<vmem>> -> memref<1x128x128xf32, #tpu.memory_space<vmem>>
      %dma_wait3A_99 = tpu.memref_squeeze %dma_wait3A_98 : memref<1x128x128xf32, #tpu.memory_space<vmem>> -> memref<128x128xf32, #tpu.memory_space<vmem>>
      %dma_wait3A_100 = tpu.memref_slice %arg5[%mul3A_94] : memref<5120xi32, #tpu.memory_space<vmem>> -> memref<128xi32, #tpu.memory_space<vmem>>
      %dma_wait3A_101 = arith.constant 0 : i32
      %dma_wait3A_102 = arith.constant 0 : i32
      %dma_wait3A_103 = tpu.memref_slice %arg2[%dma_wait3A_101, %dma_wait3A_102] : memref<8000x128xf32, #tpu.memory_space<hbm>> -> memref<8000x128xf32, #tpu.memory_space<hbm>>
      tpu.wait_indirect_dma semaphore(%arg7 : memref<!tpu.dma_semaphore, #tpu.memory_space<semaphore_mem>>) src(%dma_wait3A_103 : memref<8000x128xf32, #tpu.memory_space<hbm>>) dst(%dma_wait3A_99 : memref<128x128xf32, #tpu.memory_space<vmem>>)
      %jit3A = arith.constant 8 : i32
      %div3A = arith.divsi %mul3A_79, %jit3A : i32
      %sign3A = arith.constant 0 : i32
      %sign3A_104 = arith.cmpi sgt, %mul3A_79, %sign3A : i32
      %sign3A_105 = arith.extui %sign3A_104 : i1 to i32
      %sign3A_106 = arith.constant 0 : i32
      %sign3A_107 = arith.cmpi slt, %mul3A_79, %sign3A_106 : i32
      %sign3A_108 = arith.extui %sign3A_107 : i1 to i32
      %sign3A_109 = arith.subi %sign3A_105, %sign3A_108 : i32
      %sign3A_110 = arith.constant 0 : i32
      %sign3A_111 = arith.cmpi sgt, %jit3A, %sign3A_110 : i32
      %sign3A_112 = arith.extui %sign3A_111 : i1 to i32
      %sign3A_113 = arith.constant 0 : i32
      %sign3A_114 = arith.cmpi slt, %jit3A, %sign3A_113 : i32
      %sign3A_115 = arith.extui %sign3A_114 : i1 to i32
      %sign3A_116 = arith.subi %sign3A_112, %sign3A_115 : i32
      %ne3A = arith.cmpi ne, %sign3A_109, %sign3A_116 : i32
      %rem3A = arith.remsi %mul3A_79, %jit3A : i32
      %ne3A_117 = arith.constant 0 : i32
      %ne3A_118 = arith.cmpi ne, %rem3A, %ne3A_117 : i32
      %and3A = arith.andi %ne3A, %ne3A_118 : i1
      %sub3A = arith.constant 1 : i32
      %sub3A_119 = arith.subi %div3A, %sub3A : i32
      %select_n3A = arith.select %and3A, %sub3A_119, %div3A : i32
      %mul3A_120 = arith.constant 32768 : i32
      %mul3A_121 = arith.muli %select_n3A, %mul3A_120 : i32
      %mul3A_122 = arith.constant 1024 : i32
      %mul3A_123 = arith.muli %add3A, %mul3A_122 : i32
      %add3A_124 = arith.addi %mul3A_121, %mul3A_123 : i32
      %jit3A_125 = arith.constant 8 : i32
      %eq3A = arith.constant 0 : i32
      %eq3A_126 = arith.cmpi eq, %jit3A_125, %eq3A : i32
      %jit3A_127 = arith.constant 1 : i32
      %select_n3A_128 = arith.select %eq3A_126, %jit3A_127, %jit3A_125 : i32
      %rem3A_129 = arith.remsi %mul3A_79, %select_n3A_128 : i32
      %ne3A_130 = arith.constant 0 : i32
      %ne3A_131 = arith.cmpi ne, %rem3A_129, %ne3A_130 : i32
      %lt3A = arith.constant 0 : i32
      %lt3A_132 = arith.cmpi slt, %rem3A_129, %lt3A : i32
      %lt3A_133 = arith.constant 0 : i32
      %lt3A_134 = arith.cmpi slt, %select_n3A_128, %lt3A_133 : i32
      %ne3A_135 = arith.xori %lt3A_132, %lt3A_134 : i1
      %and3A_136 = arith.andi %ne3A_135, %ne3A_131 : i1
      %add3A_137 = arith.addi %rem3A_129, %select_n3A_128 : i32
      %select_n3A_138 = arith.select %and3A_136, %add3A_137, %rem3A_129 : i32
      %mul3A_139 = arith.constant 128 : i32
      %mul3A_140 = arith.muli %select_n3A_138, %mul3A_139 : i32
      %add3A_141 = arith.addi %add3A_124, %mul3A_140 : i32
      %run_scoped3A_142 = arith.constant 0 : i32
      "tpu.region"() ({
        %run_scoped3A_220 = tpu.sem_alloc : memref<!tpu.dma_semaphore, #tpu.memory_space<semaphore_mem>>
        %dma_start3A_221 = arith.constant 0 : i32
        %dma_start3A_222 = arith.constant 0 : i32
        %dma_start3A_223 = tpu.memref_slice %arg6[%run_scoped3A_142, %dma_start3A_221, %dma_start3A_222] : memref<2x128x128xf32, #tpu.memory_space<vmem>> -> memref<1x128x128xf32, #tpu.memory_space<vmem>>
        %dma_start3A_224 = tpu.memref_squeeze %dma_start3A_223 : memref<1x128x128xf32, #tpu.memory_space<vmem>> -> memref<128x128xf32, #tpu.memory_space<vmem>>
        %dma_start3A_225 = arith.constant 0 : i32
        %dma_start3A_226 = tpu.memref_slice %arg4[%add3A_141, %dma_start3A_225] : memref<163840x128xf32, #tpu.memory_space<hbm>> -> memref<128x128xf32, #tpu.memory_space<hbm>>
        %dma_start3A_227 = arith.constant 0 : i32
        %dma_start3A_228 = tpu.memref_slice %arg4[%add3A_141, %dma_start3A_227] : memref<163840x128xf32, #tpu.memory_space<hbm>> -> memref<128x128xf32, #tpu.memory_space<hbm>>
        %dma_start3A_229 = arith.constant 0 : i32
        %dma_start3A_230 = arith.constant 0 : i32
        %dma_start3A_231 = tpu.memref_slice %arg6[%run_scoped3A_142, %dma_start3A_229, %dma_start3A_230] : memref<2x128x128xf32, #tpu.memory_space<vmem>> -> memref<1x128x128xf32, #tpu.memory_space<vmem>>
        %dma_start3A_232 = tpu.memref_squeeze %dma_start3A_231 : memref<1x128x128xf32, #tpu.memory_space<vmem>> -> memref<128x128xf32, #tpu.memory_space<vmem>>
        tpu.enqueue_dma source(%dma_start3A_232 : memref<128x128xf32, #tpu.memory_space<vmem>>) target(%dma_start3A_228 : memref<128x128xf32, #tpu.memory_space<hbm>>) target_semaphore(%run_scoped3A_220 : memref<!tpu.dma_semaphore, #tpu.memory_space<semaphore_mem>>)
        %dma_wait3A_233 = arith.constant 0 : i32
        %dma_wait3A_234 = arith.constant 0 : i32
        %dma_wait3A_235 = tpu.memref_slice %arg6[%run_scoped3A_142, %dma_wait3A_233, %dma_wait3A_234] : memref<2x128x128xf32, #tpu.memory_space<vmem>> -> memref<1x128x128xf32, #tpu.memory_space<vmem>>
        %dma_wait3A_236 = tpu.memref_squeeze %dma_wait3A_235 : memref<1x128x128xf32, #tpu.memory_space<vmem>> -> memref<128x128xf32, #tpu.memory_space<vmem>>
        %dma_wait3A_237 = arith.constant 0 : i32
        %dma_wait3A_238 = tpu.memref_slice %arg4[%add3A_141, %dma_wait3A_237] : memref<163840x128xf32, #tpu.memory_space<hbm>> -> memref<128x128xf32, #tpu.memory_space<hbm>>
        %dma_wait3A_239 = arith.constant 0 : i32
        %dma_wait3A_240 = tpu.memref_slice %arg4[%add3A_141, %dma_wait3A_239] : memref<163840x128xf32, #tpu.memory_space<hbm>> -> memref<128x128xf32, #tpu.memory_space<hbm>>
        %dma_wait3A_241 = arith.constant 0 : i32
        %dma_wait3A_242 = arith.constant 0 : i32
        %dma_wait3A_243 = tpu.memref_slice %arg6[%run_scoped3A_142, %dma_wait3A_241, %dma_wait3A_242] : memref<2x128x128xf32, #tpu.memory_space<vmem>> -> memref<1x128x128xf32, #tpu.memory_space<vmem>>
        %dma_wait3A_244 = tpu.memref_squeeze %dma_wait3A_243 : memref<1x128x128xf32, #tpu.memory_space<vmem>> -> memref<128x128xf32, #tpu.memory_space<vmem>>
        tpu.wait_dma2 semaphore(%run_scoped3A_220 : memref<!tpu.dma_semaphore, #tpu.memory_space<semaphore_mem>>) src(%dma_wait3A_244 : memref<128x128xf32, #tpu.memory_space<vmem>>) dst(%dma_wait3A_240 : memref<128x128xf32, #tpu.memory_space<hbm>>)
        tpu.yield
      }) : () -> ()
      %add3A_143 = arith.constant 2 : i32
      %add3A_144 = arith.addi %mul3A_79, %add3A_143 : i32
      %mul3A_145 = arith.constant 128 : i32
      %mul3A_146 = arith.muli %add3A_144, %mul3A_145 : i32
      %dma_start3A_147 = arith.constant 0 : i32
      %dma_start3A_148 = arith.constant 0 : i32
      %dma_start3A_149 = arith.constant 0 : i32
      %dma_start3A_150 = tpu.memref_slice %arg6[%dma_start3A_147, %dma_start3A_148, %dma_start3A_149] : memref<2x128x128xf32, #tpu.memory_space<vmem>> -> memref<1x128x128xf32, #tpu.memory_space<vmem>>
      %dma_start3A_151 = tpu.memref_squeeze %dma_start3A_150 : memref<1x128x128xf32, #tpu.memory_space<vmem>> -> memref<128x128xf32, #tpu.memory_space<vmem>>
      %dma_start3A_152 = tpu.memref_slice %arg5[%mul3A_146] : memref<5120xi32, #tpu.memory_space<vmem>> -> memref<128xi32, #tpu.memory_space<vmem>>
      %dma_start3A_153 = arith.constant 0 : i32
      %dma_start3A_154 = arith.constant 0 : i32
      %dma_start3A_155 = tpu.memref_slice %arg2[%dma_start3A_153, %dma_start3A_154] : memref<8000x128xf32, #tpu.memory_space<hbm>> -> memref<8000x128xf32, #tpu.memory_space<hbm>>
      tpu.enqueue_indirect_dma source(%dma_start3A_155 : memref<8000x128xf32, #tpu.memory_space<hbm>>) target(%dma_start3A_151 : memref<128x128xf32, #tpu.memory_space<vmem>>) offsets(%dma_start3A_152 : memref<128xi32, #tpu.memory_space<vmem>>) semaphore(%arg7 : memref<!tpu.dma_semaphore, #tpu.memory_space<semaphore_mem>>)
      %add3A_156 = arith.constant 1 : i32
      %add3A_157 = arith.addi %mul3A_79, %add3A_156 : i32
      %mul3A_158 = arith.constant 128 : i32
      %mul3A_159 = arith.muli %add3A_157, %mul3A_158 : i32
      %dma_wait3A_160 = arith.constant 1 : i32
      %dma_wait3A_161 = arith.constant 0 : i32
      %dma_wait3A_162 = arith.constant 0 : i32
      %dma_wait3A_163 = tpu.memref_slice %arg6[%dma_wait3A_160, %dma_wait3A_161, %dma_wait3A_162] : memref<2x128x128xf32, #tpu.memory_space<vmem>> -> memref<1x128x128xf32, #tpu.memory_space<vmem>>
      %dma_wait3A_164 = tpu.memref_squeeze %dma_wait3A_163 : memref<1x128x128xf32, #tpu.memory_space<vmem>> -> memref<128x128xf32, #tpu.memory_space<vmem>>
      %dma_wait3A_165 = tpu.memref_slice %arg5[%mul3A_159] : memref<5120xi32, #tpu.memory_space<vmem>> -> memref<128xi32, #tpu.memory_space<vmem>>
      %dma_wait3A_166 = arith.constant 0 : i32
      %dma_wait3A_167 = arith.constant 0 : i32
      %dma_wait3A_168 = tpu.memref_slice %arg2[%dma_wait3A_166, %dma_wait3A_167] : memref<8000x128xf32, #tpu.memory_space<hbm>> -> memref<8000x128xf32, #tpu.memory_space<hbm>>
      tpu.wait_indirect_dma semaphore(%arg8 : memref<!tpu.dma_semaphore, #tpu.memory_space<semaphore_mem>>) src(%dma_wait3A_168 : memref<8000x128xf32, #tpu.memory_space<hbm>>) dst(%dma_wait3A_164 : memref<128x128xf32, #tpu.memory_space<vmem>>)
      %add3A_169 = arith.constant 1 : i32
      %add3A_170 = arith.addi %mul3A_79, %add3A_169 : i32
      %jit3A_171 = arith.constant 8 : i32
      %div3A_172 = arith.divsi %add3A_170, %jit3A_171 : i32
      %sign3A_173 = arith.constant 0 : i32
      %sign3A_174 = arith.cmpi sgt, %add3A_170, %sign3A_173 : i32
      %sign3A_175 = arith.extui %sign3A_174 : i1 to i32
      %sign3A_176 = arith.constant 0 : i32
      %sign3A_177 = arith.cmpi slt, %add3A_170, %sign3A_176 : i32
      %sign3A_178 = arith.extui %sign3A_177 : i1 to i32
      %sign3A_179 = arith.subi %sign3A_175, %sign3A_178 : i32
      %sign3A_180 = arith.constant 0 : i32
      %sign3A_181 = arith.cmpi sgt, %jit3A_171, %sign3A_180 : i32
      %sign3A_182 = arith.extui %sign3A_181 : i1 to i32
      %sign3A_183 = arith.constant 0 : i32
      %sign3A_184 = arith.cmpi slt, %jit3A_171, %sign3A_183 : i32
      %sign3A_185 = arith.extui %sign3A_184 : i1 to i32
      %sign3A_186 = arith.subi %sign3A_182, %sign3A_185 : i32
      %ne3A_187 = arith.cmpi ne, %sign3A_179, %sign3A_186 : i32
      %rem3A_188 = arith.remsi %add3A_170, %jit3A_171 : i32
      %ne3A_189 = arith.constant 0 : i32
      %ne3A_190 = arith.cmpi ne, %rem3A_188, %ne3A_189 : i32
      %and3A_191 = arith.andi %ne3A_187, %ne3A_190 : i1
      %sub3A_192 = arith.constant 1 : i32
      %sub3A_193 = arith.subi %div3A_172, %sub3A_192 : i32
      %select_n3A_194 = arith.select %and3A_191, %sub3A_193, %div3A_172 : i32
      %mul3A_195 = arith.constant 32768 : i32
      %mul3A_196 = arith.muli %select_n3A_194, %mul3A_195 : i32
      %mul3A_197 = arith.constant 1024 : i32
      %mul3A_198 = arith.muli %add3A, %mul3A_197 : i32
      %add3A_199 = arith.addi %mul3A_196, %mul3A_198 : i32
      %jit3A_200 = arith.constant 8 : i32
      %eq3A_201 = arith.constant 0 : i32
      %eq3A_202 = arith.cmpi eq, %jit3A_200, %eq3A_201 : i32
      %jit3A_203 = arith.constant 1 : i32
      %select_n3A_204 = arith.select %eq3A_202, %jit3A_203, %jit3A_200 : i32
      %rem3A_205 = arith.remsi %add3A_170, %select_n3A_204 : i32
      %ne3A_206 = arith.constant 0 : i32
      %ne3A_207 = arith.cmpi ne, %rem3A_205, %ne3A_206 : i32
      %lt3A_208 = arith.constant 0 : i32
      %lt3A_209 = arith.cmpi slt, %rem3A_205, %lt3A_208 : i32
      %lt3A_210 = arith.constant 0 : i32
      %lt3A_211 = arith.cmpi slt, %select_n3A_204, %lt3A_210 : i32
      %ne3A_212 = arith.xori %lt3A_209, %lt3A_211 : i1
      %and3A_213 = arith.andi %ne3A_212, %ne3A_207 : i1
      %add3A_214 = arith.addi %rem3A_205, %select_n3A_204 : i32
      %select_n3A_215 = arith.select %and3A_213, %add3A_214, %rem3A_205 : i32
      %mul3A_216 = arith.constant 128 : i32
      %mul3A_217 = arith.muli %select_n3A_215, %mul3A_216 : i32
      %add3A_218 = arith.addi %add3A_199, %mul3A_217 : i32
      %run_scoped3A_219 = arith.constant 1 : i32
      "tpu.region"() ({
        %run_scoped3A_220 = tpu.sem_alloc : memref<!tpu.dma_semaphore, #tpu.memory_space<semaphore_mem>>
        %dma_start3A_221 = arith.constant 0 : i32
        %dma_start3A_222 = arith.constant 0 : i32
        %dma_start3A_223 = tpu.memref_slice %arg6[%run_scoped3A_219, %dma_start3A_221, %dma_start3A_222] : memref<2x128x128xf32, #tpu.memory_space<vmem>> -> memref<1x128x128xf32, #tpu.memory_space<vmem>>
        %dma_start3A_224 = tpu.memref_squeeze %dma_start3A_223 : memref<1x128x128xf32, #tpu.memory_space<vmem>> -> memref<128x128xf32, #tpu.memory_space<vmem>>
        %dma_start3A_225 = arith.constant 0 : i32
        %dma_start3A_226 = tpu.memref_slice %arg4[%add3A_218, %dma_start3A_225] : memref<163840x128xf32, #tpu.memory_space<hbm>> -> memref<128x128xf32, #tpu.memory_space<hbm>>
        %dma_start3A_227 = arith.constant 0 : i32
        %dma_start3A_228 = tpu.memref_slice %arg4[%add3A_218, %dma_start3A_227] : memref<163840x128xf32, #tpu.memory_space<hbm>> -> memref<128x128xf32, #tpu.memory_space<hbm>>
        %dma_start3A_229 = arith.constant 0 : i32
        %dma_start3A_230 = arith.constant 0 : i32
        %dma_start3A_231 = tpu.memref_slice %arg6[%run_scoped3A_219, %dma_start3A_229, %dma_start3A_230] : memref<2x128x128xf32, #tpu.memory_space<vmem>> -> memref<1x128x128xf32, #tpu.memory_space<vmem>>
        %dma_start3A_232 = tpu.memref_squeeze %dma_start3A_231 : memref<1x128x128xf32, #tpu.memory_space<vmem>> -> memref<128x128xf32, #tpu.memory_space<vmem>>
        tpu.enqueue_dma source(%dma_start3A_232 : memref<128x128xf32, #tpu.memory_space<vmem>>) target(%dma_start3A_228 : memref<128x128xf32, #tpu.memory_space<hbm>>) target_semaphore(%run_scoped3A_220 : memref<!tpu.dma_semaphore, #tpu.memory_space<semaphore_mem>>)
        %dma_wait3A_233 = arith.constant 0 : i32
        %dma_wait3A_234 = arith.constant 0 : i32
        %dma_wait3A_235 = tpu.memref_slice %arg6[%run_scoped3A_219, %dma_wait3A_233, %dma_wait3A_234] : memref<2x128x128xf32, #tpu.memory_space<vmem>> -> memref<1x128x128xf32, #tpu.memory_space<vmem>>
        %dma_wait3A_236 = tpu.memref_squeeze %dma_wait3A_235 : memref<1x128x128xf32, #tpu.memory_space<vmem>> -> memref<128x128xf32, #tpu.memory_space<vmem>>
        %dma_wait3A_237 = arith.constant 0 : i32
        %dma_wait3A_238 = tpu.memref_slice %arg4[%add3A_218, %dma_wait3A_237] : memref<163840x128xf32, #tpu.memory_space<hbm>> -> memref<128x128xf32, #tpu.memory_space<hbm>>
        %dma_wait3A_239 = arith.constant 0 : i32
        %dma_wait3A_240 = tpu.memref_slice %arg4[%add3A_218, %dma_wait3A_239] : memref<163840x128xf32, #tpu.memory_space<hbm>> -> memref<128x128xf32, #tpu.memory_space<hbm>>
        %dma_wait3A_241 = arith.constant 0 : i32
        %dma_wait3A_242 = arith.constant 0 : i32
        %dma_wait3A_243 = tpu.memref_slice %arg6[%run_scoped3A_219, %dma_wait3A_241, %dma_wait3A_242] : memref<2x128x128xf32, #tpu.memory_space<vmem>> -> memref<1x128x128xf32, #tpu.memory_space<vmem>>
        %dma_wait3A_244 = tpu.memref_squeeze %dma_wait3A_243 : memref<1x128x128xf32, #tpu.memory_space<vmem>> -> memref<128x128xf32, #tpu.memory_space<vmem>>
        tpu.wait_dma2 semaphore(%run_scoped3A_220 : memref<!tpu.dma_semaphore, #tpu.memory_space<semaphore_mem>>) src(%dma_wait3A_244 : memref<128x128xf32, #tpu.memory_space<vmem>>) dst(%dma_wait3A_240 : memref<128x128xf32, #tpu.memory_space<hbm>>)
        tpu.yield
      }) : () -> ()
    }
    %scan3A_34 = arith.constant 19 : i32
    %dma_start3A_35 = arith.constant 1 : i32
    %dma_start3A_36 = arith.constant 0 : i32
    %dma_start3A_37 = arith.constant 0 : i32
    %dma_start3A_38 = tpu.memref_slice %arg6[%dma_start3A_35, %dma_start3A_36, %dma_start3A_37] : memref<2x128x128xf32, #tpu.memory_space<vmem>> -> memref<1x128x128xf32, #tpu.memory_space<vmem>>
    %dma_start3A_39 = tpu.memref_squeeze %dma_start3A_38 : memref<1x128x128xf32, #tpu.memory_space<vmem>> -> memref<128x128xf32, #tpu.memory_space<vmem>>
    %dma_start3A_40 = arith.constant 4992 : i32
    %dma_start3A_41 = tpu.memref_slice %arg5[%dma_start3A_40] : memref<5120xi32, #tpu.memory_space<vmem>> -> memref<128xi32, #tpu.memory_space<vmem>>
    %dma_start3A_42 = arith.constant 0 : i32
    %dma_start3A_43 = arith.constant 0 : i32
    %dma_start3A_44 = tpu.memref_slice %arg2[%dma_start3A_42, %dma_start3A_43] : memref<8000x128xf32, #tpu.memory_space<hbm>> -> memref<8000x128xf32, #tpu.memory_space<hbm>>
    tpu.enqueue_indirect_dma source(%dma_start3A_44 : memref<8000x128xf32, #tpu.memory_space<hbm>>) target(%dma_start3A_39 : memref<128x128xf32, #tpu.memory_space<vmem>>) offsets(%dma_start3A_41 : memref<128xi32, #tpu.memory_space<vmem>>) semaphore(%arg8 : memref<!tpu.dma_semaphore, #tpu.memory_space<semaphore_mem>>)
    %dma_wait3A = arith.constant 0 : i32
    %dma_wait3A_45 = arith.constant 0 : i32
    %dma_wait3A_46 = arith.constant 0 : i32
    %dma_wait3A_47 = tpu.memref_slice %arg6[%dma_wait3A, %dma_wait3A_45, %dma_wait3A_46] : memref<2x128x128xf32, #tpu.memory_space<vmem>> -> memref<1x128x128xf32, #tpu.memory_space<vmem>>
    %dma_wait3A_48 = tpu.memref_squeeze %dma_wait3A_47 : memref<1x128x128xf32, #tpu.memory_space<vmem>> -> memref<128x128xf32, #tpu.memory_space<vmem>>
    %dma_wait3A_49 = arith.constant 4864 : i32
    %dma_wait3A_50 = tpu.memref_slice %arg5[%dma_wait3A_49] : memref<5120xi32, #tpu.memory_space<vmem>> -> memref<128xi32, #tpu.memory_space<vmem>>
    %dma_wait3A_51 = arith.constant 0 : i32
    %dma_wait3A_52 = arith.constant 0 : i32
    %dma_wait3A_53 = tpu.memref_slice %arg2[%dma_wait3A_51, %dma_wait3A_52] : memref<8000x128xf32, #tpu.memory_space<hbm>> -> memref<8000x128xf32, #tpu.memory_space<hbm>>
    tpu.wait_indirect_dma semaphore(%arg7 : memref<!tpu.dma_semaphore, #tpu.memory_space<semaphore_mem>>) src(%dma_wait3A_53 : memref<8000x128xf32, #tpu.memory_space<hbm>>) dst(%dma_wait3A_48 : memref<128x128xf32, #tpu.memory_space<vmem>>)
    %mul3A_54 = arith.constant 1024 : i32
    %mul3A_55 = arith.muli %add3A, %mul3A_54 : i32
    %add3A_56 = arith.constant 131072 : i32
    %add3A_57 = arith.addi %add3A_56, %mul3A_55 : i32
    %add3A_58 = arith.constant 768 : i32
    %add3A_59 = arith.addi %add3A_57, %add3A_58 : i32
    %run_scoped3A = arith.constant 0 : i32
    "tpu.region"() ({
      %run_scoped3A_77 = tpu.sem_alloc : memref<!tpu.dma_semaphore, #tpu.memory_space<semaphore_mem>>
      %dma_start3A_78 = arith.constant 0 : i32
      %dma_start3A_79 = arith.constant 0 : i32
      %dma_start3A_80 = tpu.memref_slice %arg6[%run_scoped3A, %dma_start3A_78, %dma_start3A_79] : memref<2x128x128xf32, #tpu.memory_space<vmem>> -> memref<1x128x128xf32, #tpu.memory_space<vmem>>
      %dma_start3A_81 = tpu.memref_squeeze %dma_start3A_80 : memref<1x128x128xf32, #tpu.memory_space<vmem>> -> memref<128x128xf32, #tpu.memory_space<vmem>>
      %dma_start3A_82 = arith.constant 0 : i32
      %dma_start3A_83 = tpu.memref_slice %arg4[%add3A_59, %dma_start3A_82] : memref<163840x128xf32, #tpu.memory_space<hbm>> -> memref<128x128xf32, #tpu.memory_space<hbm>>
      %dma_start3A_84 = arith.constant 0 : i32
      %dma_start3A_85 = tpu.memref_slice %arg4[%add3A_59, %dma_start3A_84] : memref<163840x128xf32, #tpu.memory_space<hbm>> -> memref<128x128xf32, #tpu.memory_space<hbm>>
      %dma_start3A_86 = arith.constant 0 : i32
      %dma_start3A_87 = arith.constant 0 : i32
      %dma_start3A_88 = tpu.memref_slice %arg6[%run_scoped3A, %dma_start3A_86, %dma_start3A_87] : memref<2x128x128xf32, #tpu.memory_space<vmem>> -> memref<1x128x128xf32, #tpu.memory_space<vmem>>
      %dma_start3A_89 = tpu.memref_squeeze %dma_start3A_88 : memref<1x128x128xf32, #tpu.memory_space<vmem>> -> memref<128x128xf32, #tpu.memory_space<vmem>>
      tpu.enqueue_dma source(%dma_start3A_89 : memref<128x128xf32, #tpu.memory_space<vmem>>) target(%dma_start3A_85 : memref<128x128xf32, #tpu.memory_space<hbm>>) target_semaphore(%run_scoped3A_77 : memref<!tpu.dma_semaphore, #tpu.memory_space<semaphore_mem>>)
      %dma_wait3A_90 = arith.constant 0 : i32
      %dma_wait3A_91 = arith.constant 0 : i32
      %dma_wait3A_92 = tpu.memref_slice %arg6[%run_scoped3A, %dma_wait3A_90, %dma_wait3A_91] : memref<2x128x128xf32, #tpu.memory_space<vmem>> -> memref<1x128x128xf32, #tpu.memory_space<vmem>>
      %dma_wait3A_93 = tpu.memref_squeeze %dma_wait3A_92 : memref<1x128x128xf32, #tpu.memory_space<vmem>> -> memref<128x128xf32, #tpu.memory_space<vmem>>
      %dma_wait3A_94 = arith.constant 0 : i32
      %dma_wait3A_95 = tpu.memref_slice %arg4[%add3A_59, %dma_wait3A_94] : memref<163840x128xf32, #tpu.memory_space<hbm>> -> memref<128x128xf32, #tpu.memory_space<hbm>>
      %dma_wait3A_96 = arith.constant 0 : i32
      %dma_wait3A_97 = tpu.memref_slice %arg4[%add3A_59, %dma_wait3A_96] : memref<163840x128xf32, #tpu.memory_space<hbm>> -> memref<128x128xf32, #tpu.memory_space<hbm>>
      %dma_wait3A_98 = arith.constant 0 : i32
      %dma_wait3A_99 = arith.constant 0 : i32
      %dma_wait3A_100 = tpu.memref_slice %arg6[%run_scoped3A, %dma_wait3A_98, %dma_wait3A_99] : memref<2x128x128xf32, #tpu.memory_space<vmem>> -> memref<1x128x128xf32, #tpu.memory_space<vmem>>
      %dma_wait3A_101 = tpu.memref_squeeze %dma_wait3A_100 : memref<1x128x128xf32, #tpu.memory_space<vmem>> -> memref<128x128xf32, #tpu.memory_space<vmem>>
      tpu.wait_dma2 semaphore(%run_scoped3A_77 : memref<!tpu.dma_semaphore, #tpu.memory_space<semaphore_mem>>) src(%dma_wait3A_101 : memref<128x128xf32, #tpu.memory_space<vmem>>) dst(%dma_wait3A_97 : memref<128x128xf32, #tpu.memory_space<hbm>>)
      tpu.yield
    }) : () -> ()
    %dma_wait3A_60 = arith.constant 1 : i32
    %dma_wait3A_61 = arith.constant 0 : i32
    %dma_wait3A_62 = arith.constant 0 : i32
    %dma_wait3A_63 = tpu.memref_slice %arg6[%dma_wait3A_60, %dma_wait3A_61, %dma_wait3A_62] : memref<2x128x128xf32, #tpu.memory_space<vmem>> -> memref<1x128x128xf32, #tpu.memory_space<vmem>>
    %dma_wait3A_64 = tpu.memref_squeeze %dma_wait3A_63 : memref<1x128x128xf32, #tpu.memory_space<vmem>> -> memref<128x128xf32, #tpu.memory_space<vmem>>
    %dma_wait3A_65 = arith.constant 4992 : i32
    %dma_wait3A_66 = tpu.memref_slice %arg5[%dma_wait3A_65] : memref<5120xi32, #tpu.memory_space<vmem>> -> memref<128xi32, #tpu.memory_space<vmem>>
    %dma_wait3A_67 = arith.constant 0 : i32
    %dma_wait3A_68 = arith.constant 0 : i32
    %dma_wait3A_69 = tpu.memref_slice %arg2[%dma_wait3A_67, %dma_wait3A_68] : memref<8000x128xf32, #tpu.memory_space<hbm>> -> memref<8000x128xf32, #tpu.memory_space<hbm>>
    tpu.wait_indirect_dma semaphore(%arg8 : memref<!tpu.dma_semaphore, #tpu.memory_space<semaphore_mem>>) src(%dma_wait3A_69 : memref<8000x128xf32, #tpu.memory_space<hbm>>) dst(%dma_wait3A_64 : memref<128x128xf32, #tpu.memory_space<vmem>>)
    %mul3A_70 = arith.constant 1024 : i32
    %mul3A_71 = arith.muli %add3A, %mul3A_70 : i32
    %add3A_72 = arith.constant 131072 : i32
    %add3A_73 = arith.addi %add3A_72, %mul3A_71 : i32
    %add3A_74 = arith.constant 896 : i32
    %add3A_75 = arith.addi %add3A_73, %add3A_74 : i32
    %run_scoped3A_76 = arith.constant 1 : i32
    "tpu.region"() ({
      %run_scoped3A_77 = tpu.sem_alloc : memref<!tpu.dma_semaphore, #tpu.memory_space<semaphore_mem>>
      %dma_start3A_78 = arith.constant 0 : i32
      %dma_start3A_79 = arith.constant 0 : i32
      %dma_start3A_80 = tpu.memref_slice %arg6[%run_scoped3A_76, %dma_start3A_78, %dma_start3A_79] : memref<2x128x128xf32, #tpu.memory_space<vmem>> -> memref<1x128x128xf32, #tpu.memory_space<vmem>>
      %dma_start3A_81 = tpu.memref_squeeze %dma_start3A_80 : memref<1x128x128xf32, #tpu.memory_space<vmem>> -> memref<128x128xf32, #tpu.memory_space<vmem>>
      %dma_start3A_82 = arith.constant 0 : i32
      %dma_start3A_83 = tpu.memref_slice %arg4[%add3A_75, %dma_start3A_82] : memref<163840x128xf32, #tpu.memory_space<hbm>> -> memref<128x128xf32, #tpu.memory_space<hbm>>
      %dma_start3A_84 = arith.constant 0 : i32
      %dma_start3A_85 = tpu.memref_slice %arg4[%add3A_75, %dma_start3A_84] : memref<163840x128xf32, #tpu.memory_space<hbm>> -> memref<128x128xf32, #tpu.memory_space<hbm>>
      %dma_start3A_86 = arith.constant 0 : i32
      %dma_start3A_87 = arith.constant 0 : i32
      %dma_start3A_88 = tpu.memref_slice %arg6[%run_scoped3A_76, %dma_start3A_86, %dma_start3A_87] : memref<2x128x128xf32, #tpu.memory_space<vmem>> -> memref<1x128x128xf32, #tpu.memory_space<vmem>>
      %dma_start3A_89 = tpu.memref_squeeze %dma_start3A_88 : memref<1x128x128xf32, #tpu.memory_space<vmem>> -> memref<128x128xf32, #tpu.memory_space<vmem>>
      tpu.enqueue_dma source(%dma_start3A_89 : memref<128x128xf32, #tpu.memory_space<vmem>>) target(%dma_start3A_85 : memref<128x128xf32, #tpu.memory_space<hbm>>) target_semaphore(%run_scoped3A_77 : memref<!tpu.dma_semaphore, #tpu.memory_space<semaphore_mem>>)
      %dma_wait3A_90 = arith.constant 0 : i32
      %dma_wait3A_91 = arith.constant 0 : i32
      %dma_wait3A_92 = tpu.memref_slice %arg6[%run_scoped3A_76, %dma_wait3A_90, %dma_wait3A_91] : memref<2x128x128xf32, #tpu.memory_space<vmem>> -> memref<1x128x128xf32, #tpu.memory_space<vmem>>
      %dma_wait3A_93 = tpu.memref_squeeze %dma_wait3A_92 : memref<1x128x128xf32, #tpu.memory_space<vmem>> -> memref<128x128xf32, #tpu.memory_space<vmem>>
      %dma_wait3A_94 = arith.constant 0 : i32
      %dma_wait3A_95 = tpu.memref_slice %arg4[%add3A_75, %dma_wait3A_94] : memref<163840x128xf32, #tpu.memory_space<hbm>> -> memref<128x128xf32, #tpu.memory_space<hbm>>
      %dma_wait3A_96 = arith.constant 0 : i32
      %dma_wait3A_97 = tpu.memref_slice %arg4[%add3A_75, %dma_wait3A_96] : memref<163840x128xf32, #tpu.memory_space<hbm>> -> memref<128x128xf32, #tpu.memory_space<hbm>>
      %dma_wait3A_98 = arith.constant 0 : i32
      %dma_wait3A_99 = arith.constant 0 : i32
      %dma_wait3A_100 = tpu.memref_slice %arg6[%run_scoped3A_76, %dma_wait3A_98, %dma_wait3A_99] : memref<2x128x128xf32, #tpu.memory_space<vmem>> -> memref<1x128x128xf32, #tpu.memory_space<vmem>>
      %dma_wait3A_101 = tpu.memref_squeeze %dma_wait3A_100 : memref<1x128x128xf32, #tpu.memory_space<vmem>> -> memref<128x128xf32, #tpu.memory_space<vmem>>
      tpu.wait_dma2 semaphore(%run_scoped3A_77 : memref<!tpu.dma_semaphore, #tpu.memory_space<semaphore_mem>>) src(%dma_wait3A_101 : memref<128x128xf32, #tpu.memory_space<vmem>>) dst(%dma_wait3A_97 : memref<128x128xf32, #tpu.memory_space<hbm>>)
      tpu.yield
    }) : () -> ()
    return
  }
}

module attributes {stable_mosaic.version = 14 : i64} {
  func.func @_transpose_first_body(%arg0: i32, %arg1: i32, %arg2: memref<4096x128xf32, #tpu.memory_space<vmem>>, %arg3: memref<1x1000x512xf32, #tpu.memory_space<vmem>>) attributes {dimension_semantics = [#tpu.dimension_semantics<arbitrary>, #tpu.dimension_semantics<arbitrary>], iteration_bounds = array<i64: 5, 8>, scalar_prefetch = 0 : i64, scratch_operands = 0 : i64, tpu.core_type = #tpu.core_type<tc>, window_params = [{transform_indices = @transform_0, window_bounds = array<i64: 4096, 128>}, {transform_indices = @transform_1, window_bounds = array<i64: 1, 1000, 512>}]} {
    %get3A = arith.constant 0 : index
    %get3A_0 = arith.constant 0 : index
    %get3A_1 = vector.load %arg2[%get3A, %get3A_0] : memref<4096x128xf32, #tpu.memory_space<vmem>>, vector<4096x128xf32>
    %reshape3A = vector.shape_cast %get3A_1 : vector<4096x128xf32> to vector<512x8x128xf32>
    %transpose3A = tpu.transpose %reshape3A, [1, 0, 2] : vector<512x8x128xf32> -> vector<8x512x128xf32>
    %transpose3A_2 = tpu.transpose %transpose3A, [0, 2, 1] : vector<8x512x128xf32> -> vector<8x128x512xf32>
    %reshape3A_3 = vector.shape_cast %transpose3A_2 : vector<8x128x512xf32> to vector<1024x512xf32>
    %slice3A = vector.extract_strided_slice %reshape3A_3 {offsets = [0, 0], sizes = [1000, 512], strides = [1, 1]} : vector<1024x512xf32> to vector<1000x512xf32>
    %swap3A = arith.constant 0 : index
    %swap3A_4 = arith.constant 0 : index
    %swap3A_5 = arith.constant 0 : index
    %swap3A_6 = vector.load %arg3[%swap3A, %swap3A_4, %swap3A_5] : memref<1x1000x512xf32, #tpu.memory_space<vmem>>, vector<1x1000x512xf32>
    %swap3A_7 = vector.shape_cast %swap3A_6 : vector<1x1000x512xf32> to vector<1000x512xf32>
    %swap3A_8 = vector.shape_cast %slice3A : vector<1000x512xf32> to vector<1x1000x512xf32>
    tpu.vector_store %arg3[%swap3A, %swap3A_4, %swap3A_5], %swap3A_8 {strides = array<i32>} : memref<1x1000x512xf32, #tpu.memory_space<vmem>>, vector<1x1000x512xf32>,
    return
  }
  func.func @transform_0(%arg0: i32, %arg1: i32) -> (i32, i32) {
    %mul3A = arith.constant 8 : i32
    %mul3A_0 = arith.muli %arg0, %mul3A : i32
    %add3A = arith.addi %mul3A_0, %arg1 : i32
    %c0_i32 = arith.constant 0 : i32
    %c0_i32_1 = arith.constant 0 : i32
    return %add3A, %c0_i32 : i32, i32
  }
  func.func @transform_1(%arg0: i32, %arg1: i32) -> (i32, i32, i32) {
    %add3A = arith.constant 0 : i32
    %add3A_0 = arith.addi %add3A, %arg0 : i32
    %c0_i32 = arith.constant 0 : i32
    %c0_i32_1 = arith.constant 0 : i32
    return %add3A_0, %c0_i32, %arg1 : i32, i32, i32
  }
}

module attributes {stable_mosaic.version = 14 : i64} {
  func.func @_transpose_chain_body(%arg0: i32, %arg1: i32, %arg2: memref<20x1000x4096xf32, #tpu.memory_space<hbm>>, %arg3: memref<4096x128xf32, #tpu.memory_space<vmem>>, %arg4: memref<1x1000x512xf32, #tpu.memory_space<vmem>>) attributes {dimension_semantics = [#tpu.dimension_semantics<arbitrary>, #tpu.dimension_semantics<arbitrary>], iteration_bounds = array<i64: 5, 8>, scalar_prefetch = 0 : i64, scratch_operands = 0 : i64, tpu.core_type = #tpu.core_type<tc>, window_params = [{}, {transform_indices = @transform_1, window_bounds = array<i64: 4096, 128>}, {transform_indices = @transform_2, window_bounds = array<i64: 1, 1000, 512>}]} {
    %get3A = arith.constant 0 : index
    %get3A_0 = arith.constant 0 : index
    %get3A_1 = vector.load %arg3[%get3A, %get3A_0] : memref<4096x128xf32, #tpu.memory_space<vmem>>, vector<4096x128xf32>
    %reshape3A = vector.shape_cast %get3A_1 : vector<4096x128xf32> to vector<512x8x128xf32>
    %transpose3A = tpu.transpose %reshape3A, [1, 0, 2] : vector<512x8x128xf32> -> vector<8x512x128xf32>
    %transpose3A_2 = tpu.transpose %transpose3A, [0, 2, 1] : vector<8x512x128xf32> -> vector<8x128x512xf32>
    %reshape3A_3 = vector.shape_cast %transpose3A_2 : vector<8x128x512xf32> to vector<1024x512xf32>
    %slice3A = vector.extract_strided_slice %reshape3A_3 {offsets = [0, 0], sizes = [1000, 512], strides = [1, 1]} : vector<1024x512xf32> to vector<1000x512xf32>
    %swap3A = arith.constant 0 : index
    %swap3A_4 = arith.constant 0 : index
    %swap3A_5 = arith.constant 0 : index
    %swap3A_6 = vector.load %arg4[%swap3A, %swap3A_4, %swap3A_5] : memref<1x1000x512xf32, #tpu.memory_space<vmem>>, vector<1x1000x512xf32>
    %swap3A_7 = vector.shape_cast %swap3A_6 : vector<1x1000x512xf32> to vector<1000x512xf32>
    %swap3A_8 = vector.shape_cast %slice3A : vector<1000x512xf32> to vector<1x1000x512xf32>
    tpu.vector_store %arg4[%swap3A, %swap3A_4, %swap3A_5], %swap3A_8 {strides = array<i32>} : memref<1x1000x512xf32, #tpu.memory_space<vmem>>, vector<1x1000x512xf32>,
    return
  }
  func.func @transform_1(%arg0: i32, %arg1: i32) -> (i32, i32) {
    %mul3A = arith.constant 8 : i32
    %mul3A_0 = arith.muli %arg0, %mul3A : i32
    %add3A = arith.addi %mul3A_0, %arg1 : i32
    %c0_i32 = arith.constant 0 : i32
    %c0_i32_1 = arith.constant 0 : i32
    return %add3A, %c0_i32 : i32, i32
  }
  func.func @transform_2(%arg0: i32, %arg1: i32) -> (i32, i32, i32) {
    %add3A = arith.constant 5 : i32
    %add3A_0 = arith.addi %add3A, %arg0 : i32
    %c0_i32 = arith.constant 0 : i32
    %c0_i32_1 = arith.constant 0 : i32
    return %add3A_0, %c0_i32, %arg1 : i32, i32, i32
  }
}

module attributes {stable_mosaic.version = 14 : i64} {
  func.func @_transpose_chain_body(%arg0: i32, %arg1: i32, %arg2: memref<20x1000x4096xf32, #tpu.memory_space<hbm>>, %arg3: memref<4096x128xf32, #tpu.memory_space<vmem>>, %arg4: memref<1x1000x512xf32, #tpu.memory_space<vmem>>) attributes {dimension_semantics = [#tpu.dimension_semantics<arbitrary>, #tpu.dimension_semantics<arbitrary>], iteration_bounds = array<i64: 5, 8>, scalar_prefetch = 0 : i64, scratch_operands = 0 : i64, tpu.core_type = #tpu.core_type<tc>, window_params = [{}, {transform_indices = @transform_1, window_bounds = array<i64: 4096, 128>}, {transform_indices = @transform_2, window_bounds = array<i64: 1, 1000, 512>}]} {
    %get3A = arith.constant 0 : index
    %get3A_0 = arith.constant 0 : index
    %get3A_1 = vector.load %arg3[%get3A, %get3A_0] : memref<4096x128xf32, #tpu.memory_space<vmem>>, vector<4096x128xf32>
    %reshape3A = vector.shape_cast %get3A_1 : vector<4096x128xf32> to vector<512x8x128xf32>
    %transpose3A = tpu.transpose %reshape3A, [1, 0, 2] : vector<512x8x128xf32> -> vector<8x512x128xf32>
    %transpose3A_2 = tpu.transpose %transpose3A, [0, 2, 1] : vector<8x512x128xf32> -> vector<8x128x512xf32>
    %reshape3A_3 = vector.shape_cast %transpose3A_2 : vector<8x128x512xf32> to vector<1024x512xf32>
    %slice3A = vector.extract_strided_slice %reshape3A_3 {offsets = [0, 0], sizes = [1000, 512], strides = [1, 1]} : vector<1024x512xf32> to vector<1000x512xf32>
    %swap3A = arith.constant 0 : index
    %swap3A_4 = arith.constant 0 : index
    %swap3A_5 = arith.constant 0 : index
    %swap3A_6 = vector.load %arg4[%swap3A, %swap3A_4, %swap3A_5] : memref<1x1000x512xf32, #tpu.memory_space<vmem>>, vector<1x1000x512xf32>
    %swap3A_7 = vector.shape_cast %swap3A_6 : vector<1x1000x512xf32> to vector<1000x512xf32>
    %swap3A_8 = vector.shape_cast %slice3A : vector<1000x512xf32> to vector<1x1000x512xf32>
    tpu.vector_store %arg4[%swap3A, %swap3A_4, %swap3A_5], %swap3A_8 {strides = array<i32>} : memref<1x1000x512xf32, #tpu.memory_space<vmem>>, vector<1x1000x512xf32>,
    return
  }
  func.func @transform_1(%arg0: i32, %arg1: i32) -> (i32, i32) {
    %mul3A = arith.constant 8 : i32
    %mul3A_0 = arith.muli %arg0, %mul3A : i32
    %add3A = arith.addi %mul3A_0, %arg1 : i32
    %c0_i32 = arith.constant 0 : i32
    %c0_i32_1 = arith.constant 0 : i32
    return %add3A, %c0_i32 : i32, i32
  }
  func.func @transform_2(%arg0: i32, %arg1: i32) -> (i32, i32, i32) {
    %add3A = arith.constant 10 : i32
    %add3A_0 = arith.addi %add3A, %arg0 : i32
    %c0_i32 = arith.constant 0 : i32
    %c0_i32_1 = arith.constant 0 : i32
    return %add3A_0, %c0_i32, %arg1 : i32, i32, i32
  }
}

module attributes {stable_mosaic.version = 14 : i64} {
  func.func @_transpose_chain_body(%arg0: i32, %arg1: i32, %arg2: memref<20x1000x4096xf32, #tpu.memory_space<hbm>>, %arg3: memref<4096x128xf32, #tpu.memory_space<vmem>>, %arg4: memref<1x1000x512xf32, #tpu.memory_space<vmem>>) attributes {dimension_semantics = [#tpu.dimension_semantics<arbitrary>, #tpu.dimension_semantics<arbitrary>], iteration_bounds = array<i64: 5, 8>, scalar_prefetch = 0 : i64, scratch_operands = 0 : i64, tpu.core_type = #tpu.core_type<tc>, window_params = [{}, {transform_indices = @transform_1, window_bounds = array<i64: 4096, 128>}, {transform_indices = @transform_2, window_bounds = array<i64: 1, 1000, 512>}]} {
    %get3A = arith.constant 0 : index
    %get3A_0 = arith.constant 0 : index
    %get3A_1 = vector.load %arg3[%get3A, %get3A_0] : memref<4096x128xf32, #tpu.memory_space<vmem>>, vector<4096x128xf32>
    %reshape3A = vector.shape_cast %get3A_1 : vector<4096x128xf32> to vector<512x8x128xf32>
    %transpose3A = tpu.transpose %reshape3A, [1, 0, 2] : vector<512x8x128xf32> -> vector<8x512x128xf32>
    %transpose3A_2 = tpu.transpose %transpose3A, [0, 2, 1] : vector<8x512x128xf32> -> vector<8x128x512xf32>
    %reshape3A_3 = vector.shape_cast %transpose3A_2 : vector<8x128x512xf32> to vector<1024x512xf32>
    %slice3A = vector.extract_strided_slice %reshape3A_3 {offsets = [0, 0], sizes = [1000, 512], strides = [1, 1]} : vector<1024x512xf32> to vector<1000x512xf32>
    %swap3A = arith.constant 0 : index
    %swap3A_4 = arith.constant 0 : index
    %swap3A_5 = arith.constant 0 : index
    %swap3A_6 = vector.load %arg4[%swap3A, %swap3A_4, %swap3A_5] : memref<1x1000x512xf32, #tpu.memory_space<vmem>>, vector<1x1000x512xf32>
    %swap3A_7 = vector.shape_cast %swap3A_6 : vector<1x1000x512xf32> to vector<1000x512xf32>
    %swap3A_8 = vector.shape_cast %slice3A : vector<1000x512xf32> to vector<1x1000x512xf32>
    tpu.vector_store %arg4[%swap3A, %swap3A_4, %swap3A_5], %swap3A_8 {strides = array<i32>} : memref<1x1000x512xf32, #tpu.memory_space<vmem>>, vector<1x1000x512xf32>,
    return
  }
  func.func @transform_1(%arg0: i32, %arg1: i32) -> (i32, i32) {
    %mul3A = arith.constant 8 : i32
    %mul3A_0 = arith.muli %arg0, %mul3A : i32
    %add3A = arith.addi %mul3A_0, %arg1 : i32
    %c0_i32 = arith.constant 0 : i32
    %c0_i32_1 = arith.constant 0 : i32
    return %add3A, %c0_i32 : i32, i32
  }
  func.func @transform_2(%arg0: i32, %arg1: i32) -> (i32, i32, i32) {
    %add3A = arith.constant 15 : i32
    %add3A_0 = arith.addi %add3A, %arg0 : i32
    %c0_i32 = arith.constant 0 : i32
    %c0_i32_1 = arith.constant 0 : i32
    return %add3A_0, %c0_i32, %arg1 : i32, i32, i32
  }
}

</mosaic_0001>

<sc_bundles>
// kernel: kernel.10.cloned.1.call-start
scs
__scs_entry_jumppad:
0x0: {  	(pc) =	sbr.rel $0x88, $3  }
0x1: {  	(tag) =	ssettag $0x0;
	lr =	simm.s32 $0x1  }
0x2: {  	[smem:$0x3F9F] =	sst lr;
	_ =	strace $0xD0000000  }
0x3: {  	_ = 	snop  }
0x4: {  	_ = 	snop  }
0x5: {  	_ = 	snop  }
0x6: {  	_ = 	snop  }
0x7: {  	_ = 	snop  }
__scs_overlays_trampoline_lowered:
0x8: {  	[smem:$0x3FAE] =	sst s0  }
0x9: {  	[smem:$0x3FAF] =	sst s1  }
0xa: {  	[smem:$0x3FB0] =	sst s2  }
0xb: {  	[smem:$0x3FB1] =	sst s3  }
0xc: {  	[smem:$0x3FB2] =	sst s4  }
0xd: {  	[smem:$0x3FB3] =	sst s5  }
0xe: {  	[smem:$0x3FB4] =	sst s6  }
0xf: {  	[smem:$0x3FB5] =	sst s7  }
0x10: {  	[smem:$0x3FB6] =	sst s8  }
0x11: {  	[smem:$0x3FB7] =	sst s9;
	s0 =	simm.s32 @!p0 $0x0  }
0x12: {  	s1 =	sld [smem:$0x3F9D];
	s0 =	simm.s32 @p0 $0x1  }
0x13: {  	[smem:$0x3FB8] =	sst s0;
	s0 =	simm.s32 @!p1 $0x0  }
0x14: {  	s2 =	sld [smem:$0x3F9C];
	s0 =	simm.s32 @p1 $0x1  }
0x15: {  	[smem:$0x3FB9] =	sst s0;
	s0 =	simm.s32 @!p2 $0x0  }
0x16: {  	s3 =	sld [smem:$0x3FDB];
	s0 =	simm.s32 @p2 $0x1  }
0x17: {  	s4 =	simm.s32 $0x1BF5;
	[smem:$0x3FBB] =	sst s0  }
0x18: {  	s0 =	sld [smem:$0x3F9E];
	_ =	swait.ge [sflag:s4], $0x0  }
0x19: {  	s7 =	sld [smem:$0x3F9F]  }
0x1a: {  	s8 =	sadd.s32 $0xFFFFE003, lr  }
0x1b: {  	s9 =	sadd.s32 $0xFFFFFEF7, lr;
	s5 =	simm.s32 $0xFFFFFFFF;
	p2 =	slt.u32 s8, $0xFFFFF086  }
0x1c: {  	p1 =	slt.u32 s9, $0xF7A;
	s5 =	simm.s32 @!p2 $0x0  }
0x1d: {  	s5 =	simm.s32 @p1 $0x1;
	p0 =	seq.s32 s7, s2  }
0x1e: {  	s7 =	smul.u32 @!p0 $0xF7A, s2;
	p2 =	seq.s32 @!p0 s5, $0x0  }
0x1f: {  	s9 =	smul.u32 $0xF7A, s1;
	s8 =	simm.s32 @!p0 $0x1BF5;
	p2 =	por !p2, p0  }
0x20: {  	[sflag:s8] =	ssyncset.s32 @!p0 $0xFFFFF086;
	s6 =	sadd.s32 @!p0 s3, s7;
	s7 =	simm.s32 @!p0 $0x108  }
0x21: {  	s3 =	sadd.s32 s3, s9;
	s6 =	sadd.s32 @!p0 $0x88, s6;
	s7 =	simm.s32 @p2 $0x1082  }
0x22: {  	[simem:s7], [sflag:s8] =	dma.local @!p0 [hbm:s6], $0xF7A  }
0x23: {  	s9 =	sor.u32 $0xD0000000, s2;
	s6 =	simm.s32 $0x108;
	_ =	swait.ge @!p0 [sflag:s8], $0x0  }
0x24: {  	s3 =	sadd.s32 $0x88, s3;
	s6 =	simm.s32 @!p1 $0x1082;
	[sflag:s4] =	ssyncset.s32 $0xFFFFF086  }
0x25: {  	[simem:s6], [sflag:s4] =	dma.local [hbm:s3], $0xF7A  }
0x26: {  	[smem:$0x3F9F] =	sst s1;
	(tag) =	ssettag s2;
	_ =	strace s9  }
0x27: {  	s1 =	sld [smem:$0x3FAF]  }
0x28: {  	s2 =	sld [smem:$0x3FB0]  }
0x29: {  	s4 =	sld [smem:$0x3FB2]  }
0x2a: {  	p0 =	seq.s32 s5, $0x0;
	s5 =	sld [smem:$0x3FB3]  }
0x2b: {  	s6 =	sld [smem:$0x3FB4]  }
0x2c: {  	s7 =	sld [smem:$0x3FB5]  }
0x2d: {  	s3 =	simm.s32 $0x108;
	s8 =	sld [smem:$0x3FB6]  }
0x2e: {  	s3 =	simm.s32 @!p0 $0x1082;
	s9 =	sld [smem:$0x3FB7]  }
0x2f: {  	lr =	sadd.s32 s0, s3;
	s0 =	sld [smem:$0x3FAE]  }
0x30: {  	s3 =	sld [smem:$0x3FB1]  }
0x31: {  	[smem:$0x3FBA] =	sst s10  }
0x32: {  	s10 =	sld [smem:$0x3FB8];
	_ =	sdelay $0x3  }
0x33: {  	p0 =	seq.s32 s10, $0x1;
	s10 =	sld [smem:$0x3FBA];
	_ =	sdelay $0x3  }
0x34: {  	[smem:$0x3FBA] =	sst s10  }
0x35: {  	s10 =	sld [smem:$0x3FB9];
	_ =	sdelay $0x3  }
0x36: {  	p1 =	seq.s32 s10, $0x1;
	s10 =	sld [smem:$0x3FBA];
	_ =	sdelay $0x3  }
0x37: {  	[smem:$0x3FBA] =	sst s10  }
0x38: {  	s10 =	sld [smem:$0x3FBB]  }
0x39: {  	_ = 	snop;
	(pc) =	sbr.ind lr, $3  }
0x3a: {  	_ = 	snop  }
0x3b: {  	_ = 	snop  }
0x3c: {  	p2 =	seq.s32 s10, $0x1;
	s10 =	sld [smem:$0x3FBA]  }
0x3d: {  	_ =	shalt  }
0x3e: {  	_ =	shalt  }
0x3f: {  	_ =	shalt  }
0x40: {  	_ =	shalt  }
0x41: {  	_ =	shalt  }
0x42: {  	_ =	shalt  }
0x43: {  	_ =	shalt  }
0x44: {  	_ =	shalt  }
0x45: {  	_ =	shalt  }
0x46: {  	_ =	shalt  }
0x47: {  	_ =	shalt  }
0x48: {  	_ =	shalt  }
0x49: {  	_ =	shalt  }
0x4a: {  	_ =	shalt  }
0x4b: {  	_ =	shalt  }
0x4c: {  	_ =	shalt  }
0x4d: {  	_ =	shalt  }
0x4e: {  	_ =	shalt  }
0x4f: {  	_ =	shalt  }
0x50: {  	_ =	shalt  }
0x51: {  	_ =	shalt  }
0x52: {  	_ =	shalt  }
0x53: {  	_ =	shalt  }
0x54: {  	_ =	shalt  }
0x55: {  	_ =	shalt  }
0x56: {  	_ =	shalt  }
0x57: {  	_ =	shalt  }
0x58: {  	_ =	shalt  }
0x59: {  	_ =	shalt  }
0x5a: {  	_ =	shalt  }
0x5b: {  	_ =	shalt  }
0x5c: {  	_ =	shalt  }
0x5d: {  	_ =	shalt  }
0x5e: {  	_ =	shalt  }
0x5f: {  	_ =	shalt  }
0x60: {  	_ =	shalt  }
0x61: {  	_ =	shalt  }
0x62: {  	_ =	shalt  }
0x63: {  	_ =	shalt  }
0x64: {  	_ =	shalt  }
0x65: {  	_ =	shalt  }
0x66: {  	_ =	shalt  }
0x67: {  	_ =	shalt  }
0x68: {  	_ =	shalt  }
0x69: {  	_ =	shalt  }
0x6a: {  	_ =	shalt  }
0x6b: {  	_ =	shalt  }
0x6c: {  	_ =	shalt  }
0x6d: {  	_ =	shalt  }
0x6e: {  	_ =	shalt  }
0x6f: {  	_ =	shalt  }
0x70: {  	_ =	shalt  }
0x71: {  	_ =	shalt  }
0x72: {  	_ =	shalt  }
0x73: {  	_ =	shalt  }
0x74: {  	_ =	shalt  }
0x75: {  	_ =	shalt  }
0x76: {  	_ =	shalt  }
0x77: {  	_ =	shalt  }
0x78: {  	_ =	shalt  }
0x79: {  	_ =	shalt  }
0x7a: {  	_ =	shalt  }
0x7b: {  	_ =	shalt  }
0x7c: {  	_ =	shalt  }
0x7d: {  	_ =	shalt  }
0x7e: {  	_ =	shalt  }
0x7f: {  	_ =	shalt  }
0x80: {  	_ =	shalt  }
0x81: {  	_ =	shalt  }
0x82: {  	_ =	shalt  }
0x83: {  	_ =	shalt  }
0x84: {  	_ =	shalt  }
0x85: {  	_ =	shalt  }
0x86: {  	_ =	shalt  }
0x87: {  	_ =	shalt  }
.Lfunc_end0:
.L_simem_size_0:
called_computation_lowered:
.L_overlay_start_0:
0x88: {  	s2 =	sld [smem:$0x3FD9]  }
0x89: {  	s3 =	sld [smem:$0x3FFE];
	_ =	sdelay $0x1  }
0x8a: {  	s1 =	srdreg.scid  }
0x8b: {  	s0 =	sand.u32 $0x1, s1  }
0x8c: {  	s16 =	sshll.u32 s0, $0xA;
	s2 =	sadd.s32 s3, s2  }
0x8d: {  	s2 =	sadd.s32 s2, s16  }
0x8e: {  	[smem:$0x3FC6] =	sst s2  }
0x8f: {  	_ = 	snop  }
0x90: {  	(tm) =	ssettm $0x1  }
0x91: {  	s17 =	sld [smem:$0x3FFB];
	_ =	sdelay $0x3  }
0x92: {  	_ =	strace s17  }
0x93: {  	s2 =	sld [smem:$0x3FFC];
	_ =	sdelay $0x3  }
0x94: {  	_ =	strace s2  }
0x95: {  	s2 =	sld [smem:$0x3FFD];
	_ =	sdelay $0x3  }
0x96: {  	_ =	strace s2  }
0x97: {  	_ =	strace $0x8FFFFFFF  }
0x98: {  	s18 =	sld [smem:$0x3FDB];
	_ =	sdelay $0x1  }
0x99: {  	s19 =	simm.s32 $_scs_section_size  }
0x9a: {  	s4 =	simm.s32 $_size__tile_overlayer_lowered;
	s5 =	simm.s32 $_tile_overlayer_lowered  }
0x9b: {  	s22 =	simm.s32 $0x1BFF;
	s21 =	sshll.u32 s5, $0x1;
	s2 =	sadd.s32 s19, s18  }
0x9c: {  	s6 =	simm.s32 $0x0;
	s20 =	sshll.u32 s4, $0x1;
	s4 =	sadd.s32 s21, s2  }
0x9d: {  	[timem:s6], [sflag:s22] =	dma.local [hbm:s4], s20  }
0x9e: {  	_ =	swait.ge [sflag:s22], s20  }
0x9f: {  	s3 =	ssub.s32 $0x0, s20;
	[sflag:s22] =	ssyncset.done $0x0  }
0xa0: {  	[sflag:s22] =	ssyncadd.s32 s3;
	_ =	sdelay $0x1  }
0xa1: {  	s23 =	simm.s32 $0x1B8B  }
0xa2: {  	_ =	swait.ge [sflag:s23], $0x1  }
0xa3: {  	[sflag:s23] =	ssyncset.done $0x0  }
0xa4: {  	s25 =	simm.s32 $0x1B8E;
	s24 =	sld [smem:$0x3FFE];
	[sflag:s23] =	ssyncadd.s32 $0xFFFFFFFF  }
0xa5: {  	s26 =	simm.s32 $execute0_lowered;
	[smem:$0x3FD2] =	sst s25  }
0xa6: {  	s4 =	sshll.u32 s26, $0x1;
	_ =	strace $0x80000046;
	[dreg:$0x1] =	wrdreg $0xFFFFFFFF  }
0xa7: {  	s28 =	simm.s32 $_size_execute0_lowered;
	s2 =	sadd.s32 s2, s4;
	[dreg:$0x0] =	wrdreg $0x0  }
0xa8: {  	s4 =	sshll.u32 s28, $0x1;
	[dreg:$0x2] =	wrdreg s2  }
0xa9: {  	[dreg:$0x3] =	wrdreg s4  }
0xaa: {  	[dreg:$0x4] =	wrdreg $0xC0  }
0xab: {  	_ =	task [dreg:s6], $0x5FFFF  }
0xac: {  	[dreg:$0x1] =	wrdreg $0xFFFFFFFF  }
0xad: {  	[dreg:$0x0] =	wrdreg $0x60  }
0xae: {  	[dreg:$0x2] =	wrdreg s24  }
0xaf: {  	[dreg:$0x3] =	wrdreg $0x9  }
0xb0: {  	_ =	task.clear_ibuf [dreg:s6], $0x4FFFF;
	_ =	strace $0x90000046  }
0xb1: {  	s29 =	simm.s32 $0x9;
	_ =	strace $0x80000048  }
0xb2: {  	_ =	swait.ge [sflag:s29], $0x1  }
0xb3: {  	[sflag:s29] =	ssyncadd.s32 $0xFFFFFFFF  }
0xb4: {  	_ =	strace $0x90000048  }
0xb5: {  	_ =	sfence  }
0xb6: {  	s30 =	sld [smem:$0x0];
	_ =	sdelay $0x2  }
0xb7: {  	s31 =	sshll.u32 s1, $0xD;
	s1 =	sshrl.u32 s1, $0x2  }
0xb8: {  	s3 =	sand.u32 $0x4000, s31;
	s1 =	sadd.s32 s1, s30  }
0xb9: {  	s0 =	sor.u32 s3, s0;
	s1 =	sshll.u32 s1, $0x11  }
0xba: {  	s0 =	sor.u32 s1, s0  }
0xbb: {  	s0 =	sadd.s32 $0x8F2B, s0  }
0xbc: {  	[sflag:s0] =	ssyncadd.remote.s32 $0x1  }
0xbd: {  	_ =	sfence.sel $0xFFFF  }
0xbe: {  	[dreg:$0x0] =	wrdreg $0xFFFFFFFF;
	(pc) =	sbr.abs _section_cstart, $3  }
0xbf: {  	[dreg:$0x1] =	wrdreg $0xFFFFFFFF  }
0xc0: {  	_ =	task.clear_ibuf [dreg:s6], $0x2FFFF;
	_ =	strace $0x9FFFFFFF  }
0xc1: {  	(tm) =	ssettm $0x7FFFFFFF  }
tec
execute0_lowered:
.L_overlay_start_1:
0x0: {  	(tag) =	ssettag $0x1  }
0x1: {  	s0 =	rddreg [dreg:$0x0]  }
0x2: {  	s1 =	srdreg.scid;
	s3 =	stileid.u32;
	s2 =	simm.s32 $0x0  }
0x3: {  	s14 =	simm.s32 $0x3;
	s19 =	simm.s32 $0x1400;
	s20 =	simm.s32 $0x80  }
0x4: {  	s21 =	simm.s32 $0x5400;
	s22 =	simm.s32 $0x1;
	s23 =	simm.s32 $0x2  }
0x5: {  	s25 =	simm.s32 $0x0;
	s1 =	sand.u32 $0x1, s1;
	s3 =	sshll.u32 s3, $0xB  }
0x6: {  	[smem:$0x7FF] =	sst s2;
	s4 =	sshll.u32 s1, $0xA;
	s1 =	ssub.s32 $0x2, s1  }
0x7: {  	_ =	strace $0x80000047;
	s3 =	sor.u32 s4, s3;
	s6 =	sshrl.u32 s1, $0x1  }
0x8: {  	s4 =	sadd.s32 $0x15200, s0;
	s5 =	sshrl.u32 s3, $0x3;
	s30 =	ssub.s32 s1, s6  }
0x9: {  	s31 =	sshll.u32 s3, $0x4;
	s10 =	sadd.s32 s5, s0;
	s5 =	sadd.s32 $0x34600, s0  }
0xa: {  	s13 =	smax.u32 s30, $0x1;
	s6 =	sadd.s32 $0x1200, s10;
	s7 =	sadd.s32 $0x2200, s10  }
0xb: {  	s8 =	sadd.s32 $0x3200, s10;
	s9 =	sadd.s32 $0x4200, s10;
	s1 =	sadd.s32 s31, s5  }
0xc: {  	s10 =	sadd.s32 $0x5200, s10;
	s11 =	sadd.s32 $0x203000, s1;
	s12 =	sadd.s32 $0x203800, s1  }
.LBB2_1:
0xd: {  	[tilespmem:s2], [sflag:$0x3] =	stream.linear.gather [hbm4b:s6+s2], $0x400, $0x38;
	[tilespmem:$0x9400] =	vst v63  }
0xe: {  	_ =	swait.ge [sflag:s14], $0x400  }
0xf: {  	[sflag:s14] =	ssyncset.done $0x0  }
0x10: {  	s0 =	simm.s32 $0x400;
	[sflag:s14] =	ssyncadd.s32 $0xFFFFFC00  }
0x11: {  	[tilespmem:s0], [sflag:$0x3] =	stream.linear.gather [hbm4b:s7+s2], $0x400, $0x38;
	[tilespmem:$0x9400] =	vst v63  }
0x12: {  	_ =	swait.ge [sflag:s14], $0x400  }
0x13: {  	[sflag:s14] =	ssyncset.done $0x0  }
0x14: {  	s24 =	simm.s32 $0x800;
	[sflag:s14] =	ssyncadd.s32 $0xFFFFFC00  }
0x15: {  	[tilespmem:s24], [sflag:$0x3] =	stream.linear.gather [hbm4b:s8+s2], $0x400, $0x38;
	[tilespmem:$0x9400] =	vst v63  }
0x16: {  	_ =	swait.ge [sflag:s14], $0x400  }
0x17: {  	[sflag:s14] =	ssyncset.done $0x0  }
0x18: {  	s26 =	simm.s32 $0xC00;
	[sflag:s14] =	ssyncadd.s32 $0xFFFFFC00  }
0x19: {  	[tilespmem:s26], [sflag:$0x3] =	stream.linear.gather [hbm4b:s9+s2], $0x400, $0x38;
	[tilespmem:$0x9400] =	vst v63  }
0x1a: {  	_ =	swait.ge [sflag:s14], $0x400  }
0x1b: {  	[sflag:s14] =	ssyncset.done $0x0  }
0x1c: {  	s1 =	simm.s32 $0x1000;
	[sflag:s14] =	ssyncadd.s32 $0xFFFFFC00  }
0x1d: {  	[tilespmem:s1], [sflag:$0x3] =	stream.linear.gather [hbm4b:s10+s2], $0x400, $0x38;
	[tilespmem:$0x9400] =	vst v63  }
0x1e: {  	_ =	swait.ge [sflag:s14], $0x400  }
0x1f: {  	s15 =	simm.s32 $0x0;
	[sflag:s14] =	ssyncset.done $0x0  }
0x20: {  	s0 =	sand.u32 $0x300, s15;
	s1 =	sand.u32 $0x38000, s2;
	[sflag:s14] =	ssyncadd.s32 $0xFFFFFC00  }
0x21: {  	[tilespmem:s19], [sflag:$0x1] =	stream.indirect.gather [hbm4b:s4+s20], $0x80, s2, s20, $0xb8;
	[tilespmem:$0x9400] =	vst v63  }
0x22: {  	s15 =	simm.s32 $0x80;
	s0 =	sor.u32 s0, s1  }
0x23: {  	[tilespmem:s21], [sflag:$0x2] =	stream.indirect.gather [hbm4b:s4+s20], $0x80, s15, s20, $0xb8;
	[tilespmem:$0x9400] =	vst v63  }
0x24: {  	s0 =	sor.u32 s3, s0;
	_ =	swait.ge [sflag:s22], $0x4000  }
0x25: {  	s0 =	sshll.u32 s0, $0x4;
	[sflag:s22] =	ssyncset.done $0x0  }
0x26: {  	s16 =	simm.s32 $0x100;
	s0 =	sadd.s32 s5, s0;
	[sflag:s22] =	ssyncadd.s32 $0xFFFFC000  }
0x27: {  	[hbm4b:s0+s2] =	stream.linear.scatter [tilespmem:s19], [sflag:$0x3], $0x4000, $0x38;
	[tilespmem:$0x9400] =	vst v63  }
0x28: {  	s17 =	sand.u32 $0x380, s20;
	s28 =	simm.s32 $0x200;
	_ =	swait.ge [sflag:s14], $0x4000  }
0x29: {  	s30 =	simm.s32 $0x300;
	s31 =	simm.s32 $0x4000;
	[sflag:s14] =	ssyncset.done $0x0  }
0x2a: {  	s24 =	simm.s32 $0x2000;
	s1 =	sor.u32 s17, s1;
	[sflag:s14] =	ssyncadd.s32 $0xFFFFC000  }
0x2b: {  	[tilespmem:s19], [sflag:$0x1] =	stream.indirect.gather [hbm4b:s4+s20], $0x80, s16, s20, $0xb8;
	[tilespmem:$0x9400] =	vst v63  }
0x2c: {  	s29 =	sand.u32 $0x38000, s24;
	s18 =	sor.u32 s3, s1;
	_ =	swait.ge [sflag:s23], $0x4000  }
0x2d: {  	s26 =	simm.s32 $0x180;
	s0 =	sshll.u32 s18, $0x4;
	[sflag:s23] =	ssyncset.done $0x0  }
0x2e: {  	s1 =	simm.s32 $0x280;
	s0 =	sadd.s32 s5, s0;
	[sflag:s23] =	ssyncadd.s32 $0xFFFFC000  }
0x2f: {  	[hbm4b:s0+s2] =	stream.linear.scatter [tilespmem:s21], [sflag:$0x3], $0x4000, $0x38;
	[tilespmem:$0x9400] =	vst v63  }
0x30: {  	s15 =	simm.s32 $0x100;
	s0 =	simm.s32 $0x180;
	_ =	swait.ge [sflag:s14], $0x4000  }
.LBB2_2:
0x31: {  	s16 =	sand.u32 $0x38000, s31  }
0x32: {  	s15 =	sand.u32 $0x300, s15;
	[sflag:s14] =	ssyncset.done $0x0;
	s17 =	smov.u32 s1  }
0x33: {  	s18 =	sadd.s32 $0xFFFFFF80, s30;
	s15 =	sor.u32 s15, s29;
	[sflag:s14] =	ssyncadd.s32 $0xFFFFC000  }
0x34: {  	[tilespmem:s21], [sflag:$0x2] =	stream.indirect.gather [hbm4b:s4+s20], $0x80, s0, s20, $0xb8;
	[tilespmem:$0x9400] =	vst v63  }
0x35: {  	s24 =	sadd.s32 $0x100, s1;
	s0 =	sor.u32 s3, s15;
	_ =	swait.ge [sflag:s22], $0x4000  }
0x36: {  	p0 =	sne.s32 s1, $0x1280;
	s0 =	sshll.u32 s0, $0x4;
	[sflag:s22] =	ssyncset.done $0x0  }
0x37: {  	s1 =	sadd.s32 s5, s0;
	s0 =	smov.u32 s18;
	[sflag:s22] =	ssyncadd.s32 $0xFFFFC000  }
0x38: {  	[hbm4b:s1+s2] =	stream.linear.scatter [tilespmem:s19], [sflag:$0x3], $0x4000, $0x38;
	[tilespmem:$0x9400] =	vst v63  }
0x39: {  	s31 =	sadd.s32 $0x2000, s31;
	_ =	swait.ge [sflag:s14], $0x4000  }
0x3a: {  	s1 =	sand.u32 $0x380, s26;
	s26 =	smov.u32 s17;
	[sflag:s14] =	ssyncset.done $0x0  }
0x3b: {  	s1 =	sor.u32 s1, s29;
	s29 =	smov.u32 s16;
	[sflag:s14] =	ssyncadd.s32 $0xFFFFC000  }
0x3c: {  	[tilespmem:s19], [sflag:$0x1] =	stream.indirect.gather [hbm4b:s4+s20], $0x80, s28, s20, $0xb8;
	[tilespmem:$0x9400] =	vst v63  }
.Ltmp0:
0x3d: {  	s1 =	sor.u32 s3, s1;
	_ =	swait.ge [sflag:s23], $0x4000;
	(pc) =	sbr.rel @p0 .LBB2_2-.Ltmp0, $4  }
0x3e: {  	s1 =	sshll.u32 s1, $0x4;
	s28 =	smov.u32 s30;
	[sflag:s23] =	ssyncset.done $0x0  }
0x3f: {  	s30 =	sadd.s32 $0x100, s30;
	s1 =	sadd.s32 s5, s1;
	[sflag:s23] =	ssyncadd.s32 $0xFFFFC000  }
0x40: {  	[hbm4b:s1+s2] =	stream.linear.scatter [tilespmem:s21], [sflag:$0x3], $0x4000, $0x38;
	[tilespmem:$0x9400] =	vst v63  }
0x41: {  	s15 =	sadd.s32 $0xFFFFFF80, s26;
	s1 =	smov.u32 s24;
	_ =	swait.ge [sflag:s14], $0x4000  }
0x42: {  	s1 =	sand.u32 $0x300, s15;
	[sflag:s14] =	ssyncset.done $0x0  }
0x43: {  	s1 =	sor.u32 s1, s29;
	[sflag:s14] =	ssyncadd.s32 $0xFFFFC000  }
0x44: {  	[tilespmem:s21], [sflag:$0x2] =	stream.indirect.gather [hbm4b:s4+s20], $0x80, s0, s20, $0xb8;
	[tilespmem:$0x9400] =	vst v63  }
0x45: {  	s24 =	sor.u32 s3, s1;
	_ =	swait.ge [sflag:s22], $0x4000  }
0x46: {  	s0 =	sshll.u32 s24, $0x4;
	[sflag:s22] =	ssyncset.done $0x0  }
0x47: {  	s0 =	sadd.s32 s5, s0;
	[sflag:s22] =	ssyncadd.s32 $0xFFFFC000  }
0x48: {  	[hbm4b:s0+s2] =	stream.linear.scatter [tilespmem:s19], [sflag:$0x3], $0x4000, $0x38;
	[tilespmem:$0x9400] =	vst v63  }
0x49: {  	_ =	swait.ge [sflag:s14], $0x4000  }
0x4a: {  	s30 =	sand.u32 $0x380, s26;
	[sflag:s14] =	ssyncset.done $0x0  }
0x4b: {  	s0 =	sor.u32 s30, s29;
	[sflag:s14] =	ssyncadd.s32 $0xFFFFC000  }
0x4c: {  	[tilespmem:s19], [sflag:$0x1] =	stream.indirect.gather [hbm4b:s4+s20], $0x80, s28, s20, $0xb8;
	[tilespmem:$0x9400] =	vst v63  }
0x4d: {  	s0 =	sor.u32 s3, s0;
	_ =	swait.ge [sflag:s23], $0x4000  }
0x4e: {  	s0 =	sshll.u32 s0, $0x4;
	[sflag:s23] =	ssyncset.done $0x0  }
0x4f: {  	s0 =	sadd.s32 s5, s0;
	[sflag:s23] =	ssyncadd.s32 $0xFFFFC000  }
0x50: {  	[hbm4b:s0+s2] =	stream.linear.scatter [tilespmem:s21], [sflag:$0x3], $0x4000, $0x38;
	[tilespmem:$0x9400] =	vst v63  }
0x51: {  	_ =	swait.ge [sflag:s14], $0x4000  }
0x52: {  	[sflag:s14] =	ssyncset.done $0x0  }
0x53: {  	s31 =	simm.s32 $0x1380;
	[sflag:s14] =	ssyncadd.s32 $0xFFFFC000  }
0x54: {  	[tilespmem:s21], [sflag:$0x2] =	stream.indirect.gather [hbm4b:s4+s20], $0x80, s31, s20, $0xb8;
	[tilespmem:$0x9400] =	vst v63  }
0x55: {  	_ =	swait.ge [sflag:s22], $0x4000  }
0x56: {  	[sflag:s22] =	ssyncset.done $0x0  }
0x57: {  	[sflag:s22] =	ssyncadd.s32 $0xFFFFC000  }
0x58: {  	[hbm4b:s11+s2] =	stream.linear.scatter [tilespmem:s19], [sflag:$0x3], $0x4000, $0x38;
	[tilespmem:$0x9400] =	vst v63  }
0x59: {  	_ =	swait.ge [sflag:s14], $0x4000  }
0x5a: {  	[sflag:s14] =	ssyncset.done $0x0  }
0x5b: {  	[sflag:s14] =	ssyncadd.s32 $0xFFFFC000  }
0x5c: {  	s25 =	sadd.s32 $0x1, s25;
	_ =	swait.ge [sflag:s23], $0x4000  }
0x5d: {  	p0 =	sne.s32 s25, s13;
	[sflag:s23] =	ssyncset.done $0x0  }
.Ltmp1:
0x5e: {  	[sflag:s23] =	ssyncadd.s32 $0xFFFFC000;
	(pc) =	sbr.rel @p0 .LBB2_1-.Ltmp1, $4  }
0x5f: {  	[hbm4b:s12+s2] =	stream.linear.scatter [tilespmem:s21], [sflag:$0x3], $0x4000, $0x38;
	[tilespmem:$0x9400] =	vst v63  }
0x60: {  	_ =	swait.ge [sflag:s14], $0x4000  }
0x61: {  	[sflag:s14] =	ssyncset.done $0x0  }
0x62: {  	[sflag:s14] =	ssyncadd.s32 $0xFFFFC000  }
0x63: {  	_ =	sfence.sel $0x180000  }
0x64: {  	[bflag:$0x0] =	sbarrier.arrive $0xFFFF  }
0x65: {  	_ =	strace $0x90000047  }
0x66: {  	s0 =	stileid.u32;
	[bflag:$0x2] =	sbarrier.arrive $0xFFFF  }
0x67: {  	p0 =	sne.s32 s0, $0x0;
	s0 =	rddreg [dreg:$0x1]  }
0x68: {  	s0 =	sadd.s32 @!p0 $0x100000, s0  }
0x69: {  	[sflag:s0] =	ssyncadd.tile.s32 @!p0 $0x1;
	_ =	shalt  }
.Lfunc_end2:
_tile_overlayer_lowered:
.L_overlay_start_2:
0x6a: {  	(tag) =	ssettag $0x2  }
0x6b: {  	s0 =	rddreg [dreg:$0x0];
	s2 =	stileid.u32  }
0x6c: {  	s1 =	rddreg [dreg:$0x1];
	p0 =	sne.s32 s2, $0x0  }
0x6d: {  	s3 =	rddreg [dreg:$0x2];
	[bflag:$0x3] =	sbarrier.arrive $0xFFFF;
	s2 =	simm.s32 @!p0 $0x1C03  }
0x6e: {  	[timem:s3], [sflag:s2] =	dma.local @!p0 [hbm:s0], s1  }
0x6f: {  	s0 =	simm.s32 @!p0 $0x3  }
0x70: {  	_ =	swait.ge @!p0 [sflag:s0], s1  }
0x71: {  	s1 =	ssub.s32 @!p0 $0x0, s1;
	[sflag:s0] =	ssyncset.done @!p0 $0x0  }
0x72: {  	[sflag:s0] =	ssyncadd.s32 @!p0 s1  }
0x73: {  	[bflag:$0x3] =	sbarrier.arrive $0xFFFF  }
0x74: {  	_ =	shalt  }

// kernel: kernel.13.cloned.1.call-start
scs
__scs_entry_jumppad:
0x0: {  	(pc) =	sbr.rel $0x88, $3  }
0x1: {  	(tag) =	ssettag $0x0;
	lr =	simm.s32 $0x1  }
0x2: {  	[smem:$0x3F9F] =	sst lr;
	_ =	strace $0xD0000000  }
0x3: {  	_ = 	snop  }
0x4: {  	_ = 	snop  }
0x5: {  	_ = 	snop  }
0x6: {  	_ = 	snop  }
0x7: {  	_ = 	snop  }
__scs_overlays_trampoline_lowered:
0x8: {  	[smem:$0x3FAE] =	sst s0  }
0x9: {  	[smem:$0x3FAF] =	sst s1  }
0xa: {  	[smem:$0x3FB0] =	sst s2  }
0xb: {  	[smem:$0x3FB1] =	sst s3  }
0xc: {  	[smem:$0x3FB2] =	sst s4  }
0xd: {  	[smem:$0x3FB3] =	sst s5  }
0xe: {  	[smem:$0x3FB4] =	sst s6  }
0xf: {  	[smem:$0x3FB5] =	sst s7  }
0x10: {  	[smem:$0x3FB6] =	sst s8  }
0x11: {  	[smem:$0x3FB7] =	sst s9;
	s0 =	simm.s32 @!p0 $0x0  }
0x12: {  	s1 =	sld [smem:$0x3F9D];
	s0 =	simm.s32 @p0 $0x1  }
0x13: {  	[smem:$0x3FB8] =	sst s0;
	s0 =	simm.s32 @!p1 $0x0  }
0x14: {  	s2 =	sld [smem:$0x3F9C];
	s0 =	simm.s32 @p1 $0x1  }
0x15: {  	[smem:$0x3FB9] =	sst s0;
	s0 =	simm.s32 @!p2 $0x0  }
0x16: {  	s3 =	sld [smem:$0x3FDB];
	s0 =	simm.s32 @p2 $0x1  }
0x17: {  	s4 =	simm.s32 $0x1BF5;
	[smem:$0x3FBB] =	sst s0  }
0x18: {  	s0 =	sld [smem:$0x3F9E];
	_ =	swait.ge [sflag:s4], $0x0  }
0x19: {  	s7 =	sld [smem:$0x3F9F]  }
0x1a: {  	s8 =	sadd.s32 $0xFFFFE003, lr  }
0x1b: {  	s9 =	sadd.s32 $0xFFFFFEF7, lr;
	s5 =	simm.s32 $0xFFFFFFFF;
	p2 =	slt.u32 s8, $0xFFFFF086  }
0x1c: {  	p1 =	slt.u32 s9, $0xF7A;
	s5 =	simm.s32 @!p2 $0x0  }
0x1d: {  	s5 =	simm.s32 @p1 $0x1;
	p0 =	seq.s32 s7, s2  }
0x1e: {  	s7 =	smul.u32 @!p0 $0xF7A, s2;
	p2 =	seq.s32 @!p0 s5, $0x0  }
0x1f: {  	s9 =	smul.u32 $0xF7A, s1;
	s8 =	simm.s32 @!p0 $0x1BF5;
	p2 =	por !p2, p0  }
0x20: {  	[sflag:s8] =	ssyncset.s32 @!p0 $0xFFFFF086;
	s6 =	sadd.s32 @!p0 s3, s7;
	s7 =	simm.s32 @!p0 $0x108  }
0x21: {  	s3 =	sadd.s32 s3, s9;
	s6 =	sadd.s32 @!p0 $0x88, s6;
	s7 =	simm.s32 @p2 $0x1082  }
0x22: {  	[simem:s7], [sflag:s8] =	dma.local @!p0 [hbm:s6], $0xF7A  }
0x23: {  	s9 =	sor.u32 $0xD0000000, s2;
	s6 =	simm.s32 $0x108;
	_ =	swait.ge @!p0 [sflag:s8], $0x0  }
0x24: {  	s3 =	sadd.s32 $0x88, s3;
	s6 =	simm.s32 @!p1 $0x1082;
	[sflag:s4] =	ssyncset.s32 $0xFFFFF086  }
0x25: {  	[simem:s6], [sflag:s4] =	dma.local [hbm:s3], $0xF7A  }
0x26: {  	[smem:$0x3F9F] =	sst s1;
	(tag) =	ssettag s2;
	_ =	strace s9  }
0x27: {  	s1 =	sld [smem:$0x3FAF]  }
0x28: {  	s2 =	sld [smem:$0x3FB0]  }
0x29: {  	s4 =	sld [smem:$0x3FB2]  }
0x2a: {  	p0 =	seq.s32 s5, $0x0;
	s5 =	sld [smem:$0x3FB3]  }
0x2b: {  	s6 =	sld [smem:$0x3FB4]  }
0x2c: {  	s7 =	sld [smem:$0x3FB5]  }
0x2d: {  	s3 =	simm.s32 $0x108;
	s8 =	sld [smem:$0x3FB6]  }
0x2e: {  	s3 =	simm.s32 @!p0 $0x1082;
	s9 =	sld [smem:$0x3FB7]  }
0x2f: {  	lr =	sadd.s32 s0, s3;
	s0 =	sld [smem:$0x3FAE]  }
0x30: {  	s3 =	sld [smem:$0x3FB1]  }
0x31: {  	[smem:$0x3FBA] =	sst s10  }
0x32: {  	s10 =	sld [smem:$0x3FB8];
	_ =	sdelay $0x3  }
0x33: {  	p0 =	seq.s32 s10, $0x1;
	s10 =	sld [smem:$0x3FBA];
	_ =	sdelay $0x3  }
0x34: {  	[smem:$0x3FBA] =	sst s10  }
0x35: {  	s10 =	sld [smem:$0x3FB9];
	_ =	sdelay $0x3  }
0x36: {  	p1 =	seq.s32 s10, $0x1;
	s10 =	sld [smem:$0x3FBA];
	_ =	sdelay $0x3  }
0x37: {  	[smem:$0x3FBA] =	sst s10  }
0x38: {  	s10 =	sld [smem:$0x3FBB]  }
0x39: {  	_ = 	snop;
	(pc) =	sbr.ind lr, $3  }
0x3a: {  	_ = 	snop  }
0x3b: {  	_ = 	snop  }
0x3c: {  	p2 =	seq.s32 s10, $0x1;
	s10 =	sld [smem:$0x3FBA]  }
0x3d: {  	_ =	shalt  }
0x3e: {  	_ =	shalt  }
0x3f: {  	_ =	shalt  }
0x40: {  	_ =	shalt  }
0x41: {  	_ =	shalt  }
0x42: {  	_ =	shalt  }
0x43: {  	_ =	shalt  }
0x44: {  	_ =	shalt  }
0x45: {  	_ =	shalt  }
0x46: {  	_ =	shalt  }
0x47: {  	_ =	shalt  }
0x48: {  	_ =	shalt  }
0x49: {  	_ =	shalt  }
0x4a: {  	_ =	shalt  }
0x4b: {  	_ =	shalt  }
0x4c: {  	_ =	shalt  }
0x4d: {  	_ =	shalt  }
0x4e: {  	_ =	shalt  }
0x4f: {  	_ =	shalt  }
0x50: {  	_ =	shalt  }
0x51: {  	_ =	shalt  }
0x52: {  	_ =	shalt  }
0x53: {  	_ =	shalt  }
0x54: {  	_ =	shalt  }
0x55: {  	_ =	shalt  }
0x56: {  	_ =	shalt  }
0x57: {  	_ =	shalt  }
0x58: {  	_ =	shalt  }
0x59: {  	_ =	shalt  }
0x5a: {  	_ =	shalt  }
0x5b: {  	_ =	shalt  }
0x5c: {  	_ =	shalt  }
0x5d: {  	_ =	shalt  }
0x5e: {  	_ =	shalt  }
0x5f: {  	_ =	shalt  }
0x60: {  	_ =	shalt  }
0x61: {  	_ =	shalt  }
0x62: {  	_ =	shalt  }
0x63: {  	_ =	shalt  }
0x64: {  	_ =	shalt  }
0x65: {  	_ =	shalt  }
0x66: {  	_ =	shalt  }
0x67: {  	_ =	shalt  }
0x68: {  	_ =	shalt  }
0x69: {  	_ =	shalt  }
0x6a: {  	_ =	shalt  }
0x6b: {  	_ =	shalt  }
0x6c: {  	_ =	shalt  }
0x6d: {  	_ =	shalt  }
0x6e: {  	_ =	shalt  }
0x6f: {  	_ =	shalt  }
0x70: {  	_ =	shalt  }
0x71: {  	_ =	shalt  }
0x72: {  	_ =	shalt  }
0x73: {  	_ =	shalt  }
0x74: {  	_ =	shalt  }
0x75: {  	_ =	shalt  }
0x76: {  	_ =	shalt  }
0x77: {  	_ =	shalt  }
0x78: {  	_ =	shalt  }
0x79: {  	_ =	shalt  }
0x7a: {  	_ =	shalt  }
0x7b: {  	_ =	shalt  }
0x7c: {  	_ =	shalt  }
0x7d: {  	_ =	shalt  }
0x7e: {  	_ =	shalt  }
0x7f: {  	_ =	shalt  }
0x80: {  	_ =	shalt  }
0x81: {  	_ =	shalt  }
0x82: {  	_ =	shalt  }
0x83: {  	_ =	shalt  }
0x84: {  	_ =	shalt  }
0x85: {  	_ =	shalt  }
0x86: {  	_ =	shalt  }
0x87: {  	_ =	shalt  }
.Lfunc_end0:
.L_simem_size_0:
called_computation.1_lowered:
.L_overlay_start_0:
0x88: {  	s2 =	sld [smem:$0x3FD9]  }
0x89: {  	s3 =	sld [smem:$0x3FFE];
	_ =	sdelay $0x1  }
0x8a: {  	s1 =	srdreg.scid  }
0x8b: {  	s0 =	sand.u32 $0x1, s1  }
0x8c: {  	s17 =	sshll.u32 s0, $0xA;
	s2 =	sadd.s32 s3, s2  }
0x8d: {  	s2 =	sadd.s32 s2, s17  }
0x8e: {  	[smem:$0x3FC6] =	sst s2  }
0x8f: {  	_ = 	snop  }
0x90: {  	(tm) =	ssettm $0x1  }
0x91: {  	s18 =	sld [smem:$0x3FFB];
	_ =	sdelay $0x3  }
0x92: {  	_ =	strace s18  }
0x93: {  	s2 =	sld [smem:$0x3FFC];
	_ =	sdelay $0x3  }
0x94: {  	_ =	strace s2  }
0x95: {  	s2 =	sld [smem:$0x3FFD];
	_ =	sdelay $0x3  }
0x96: {  	_ =	strace s2  }
0x97: {  	_ =	strace $0x8FFFFFFF  }
0x98: {  	s19 =	sld [smem:$0x3FDB];
	_ =	sdelay $0x1  }
0x99: {  	s20 =	simm.s32 $_scs_section_size  }
0x9a: {  	s4 =	simm.s32 $_size__tile_overlayer_lowered;
	s5 =	simm.s32 $_tile_overlayer_lowered  }
0x9b: {  	s6 =	simm.s32 $0x1BFF;
	s21 =	sshll.u32 s5, $0x1;
	s3 =	sadd.s32 s20, s19  }
0x9c: {  	s22 =	simm.s32 $0x0;
	s4 =	sshll.u32 s4, $0x1;
	s5 =	sadd.s32 s21, s3  }
0x9d: {  	[timem:s22], [sflag:s6] =	dma.local [hbm:s5], s4  }
0x9e: {  	_ =	swait.ge [sflag:s6], s4  }
0x9f: {  	s4 =	ssub.s32 $0x0, s4;
	[sflag:s6] =	ssyncset.done $0x0  }
0xa0: {  	[sflag:s6] =	ssyncadd.s32 s4;
	_ =	sdelay $0x1  }
0xa1: {  	s23 =	simm.s32 $0x1B8B  }
0xa2: {  	_ =	swait.ge [sflag:s23], $0x1  }
0xa3: {  	[sflag:s23] =	ssyncset.done $0x0  }
0xa4: {  	[sflag:s23] =	ssyncadd.s32 $0xFFFFFFFF  }
0xa5: {  	s4 =	sld [smem:$0x0]  }
0xa6: {  	s5 =	sand.u32 $0xFFFFFFFE, s1  }
0xa7: {  	p0 =	sne.s32 s1, s5  }
0xa8: {  	s5 =	sshll.u32 @p0 s5, $0xE  }
0xa9: {  	s5 =	sadd.s32 @p0 $0x11B8D, s5;
	s6 =	sshll.u32 @p0 s4, $0x11  }
0xaa: {  	s5 =	sor.u32 @p0 s6, s5  }
0xab: {  	[sflag:s5] =	ssyncadd.remote.s32 @p0 $0x1;
	_ =	sdelay $0x1  }
0xac: {  	s5 =	simm.s32 @p0 $0x1B8D  }
0xad: {  	_ =	swait.eq @p0 [sflag:s5], $0x1  }
0xae: {  	[sflag:s5] =	ssyncadd.s32 @p0 $0xFFFFFFFF  }
0xaf: {  	s6 =	sshll.u32 @!p0 s1, $0xE  }
0xb0: {  	s6 =	sor.u32 @!p0 $0x4000, s6;
	s5 =	simm.s32 @!p0 $0x1B8D  }
0xb1: {  	s4 =	sshll.u32 @!p0 s4, $0x11;
	s6 =	sadd.s32 @!p0 $0x11B8D, s6;
	_ =	swait.eq @!p0 [sflag:s5], $0x1  }
0xb2: {  	s4 =	sor.u32 @!p0 s4, s6;
	[sflag:s5] =	ssyncadd.s32 @!p0 $0xFFFFFFFF  }
0xb3: {  	s25 =	simm.s32 $0x1B8E;
	s24 =	sld [smem:$0x3FFE];
	[sflag:s4] =	ssyncadd.remote.s32 @!p0 $0x1  }
0xb4: {  	s26 =	simm.s32 $execute0_lowered;
	[smem:$0x3FD2] =	sst s25  }
0xb5: {  	s5 =	sshll.u32 s26, $0x1;
	_ =	strace $0x80000049;
	[dreg:$0x1] =	wrdreg $0xFFFFFFFF  }
0xb6: {  	s28 =	simm.s32 $_size_execute0_lowered;
	s3 =	sadd.s32 s3, s5;
	[dreg:$0x0] =	wrdreg $0x0  }
0xb7: {  	s5 =	sshll.u32 s28, $0x1;
	[dreg:$0x2] =	wrdreg s3  }
0xb8: {  	[dreg:$0x3] =	wrdreg s5  }
0xb9: {  	[dreg:$0x4] =	wrdreg $0xC0  }
0xba: {  	_ =	task [dreg:s22], $0x5FFFF  }
0xbb: {  	[dreg:$0x1] =	wrdreg $0xFFFFFFFF  }
0xbc: {  	[dreg:$0x0] =	wrdreg $0x60  }
0xbd: {  	[dreg:$0x2] =	wrdreg s24  }
0xbe: {  	[dreg:$0x3] =	wrdreg $0xA  }
0xbf: {  	_ =	task.clear_ibuf [dreg:s22], $0x4FFFF;
	_ =	strace $0x90000049  }
0xc0: {  	s29 =	simm.s32 $0xA;
	_ =	strace $0x8000004B  }
0xc1: {  	_ =	swait.ge [sflag:s29], $0x1  }
0xc2: {  	[sflag:s29] =	ssyncadd.s32 $0xFFFFFFFF  }
0xc3: {  	_ =	strace $0x9000004B  }
0xc4: {  	_ =	sfence  }
0xc5: {  	s30 =	sld [smem:$0x0];
	_ =	sdelay $0x2  }
0xc6: {  	s31 =	sshll.u32 s1, $0xD;
	s1 =	sshrl.u32 s1, $0x2  }
0xc7: {  	s4 =	sand.u32 $0x4000, s31;
	s1 =	sadd.s32 s1, s30  }
0xc8: {  	s0 =	sor.u32 s4, s0;
	s1 =	sshll.u32 s1, $0x11  }
0xc9: {  	s0 =	sor.u32 s1, s0  }
0xca: {  	s0 =	sadd.s32 $0x8F2B, s0  }
0xcb: {  	[sflag:s0] =	ssyncadd.remote.s32 $0x1  }
0xcc: {  	_ =	sfence.sel $0xFFFF  }
0xcd: {  	[dreg:$0x0] =	wrdreg $0xFFFFFFFF;
	(pc) =	sbr.abs _section_cstart, $3  }
0xce: {  	[dreg:$0x1] =	wrdreg $0xFFFFFFFF  }
0xcf: {  	_ =	task.clear_ibuf [dreg:s22], $0x2FFFF;
	_ =	strace $0x9FFFFFFF  }
0xd0: {  	(tm) =	ssettm $0x7FFFFFFF  }
0xd1: {  	_ =	shalt  }
tec
execute0_lowered:
.L_overlay_start_1:
0x0: {  	(tag) =	ssettag $0x1  }
0x1: {  	s0 =	rddreg [dreg:$0x0]  }
0x2: {  	s1 =	srdreg.scid;
	s3 =	stileid.u32;
	s2 =	simm.s32 $0x0  }
0x3: {  	s14 =	simm.s32 $0x3;
	s19 =	simm.s32 $0x1400;
	s20 =	simm.s32 $0x80  }
0x4: {  	s21 =	simm.s32 $0x5400;
	s22 =	simm.s32 $0x1;
	s23 =	simm.s32 $0x2  }
0x5: {  	s25 =	simm.s32 $0x0;
	s1 =	sand.u32 $0x1, s1;
	s3 =	sshll.u32 s3, $0xB  }
0x6: {  	[smem:$0x7FF] =	sst s2;
	s4 =	sshll.u32 s1, $0xA;
	s1 =	ssub.s32 $0x2, s1  }
0x7: {  	_ =	strace $0x8000004A;
	s3 =	sor.u32 s4, s3;
	s6 =	sshrl.u32 s1, $0x1  }
0x8: {  	s4 =	sadd.s32 $0x15200, s0;
	s5 =	sshrl.u32 s3, $0x3;
	s30 =	ssub.s32 s1, s6  }
0x9: {  	s31 =	sshll.u32 s3, $0x4;
	s10 =	sadd.s32 s5, s0;
	s5 =	sadd.s32 $0x2B4600, s0  }
0xa: {  	s13 =	smax.u32 s30, $0x1;
	s6 =	sadd.s32 $0x6200, s10;
	s7 =	sadd.s32 $0x7200, s10  }
0xb: {  	s8 =	sadd.s32 $0x8200, s10;
	s9 =	sadd.s32 $0x9200, s10;
	s1 =	sadd.s32 s31, s5  }
0xc: {  	s10 =	sadd.s32 $0xA200, s10;
	s11 =	sadd.s32 $0x203000, s1;
	s12 =	sadd.s32 $0x203800, s1  }
.LBB2_1:
0xd: {  	[tilespmem:s2], [sflag:$0x3] =	stream.linear.gather [hbm4b:s6+s2], $0x400, $0x38;
	[tilespmem:$0x9400] =	vst v63  }
0xe: {  	_ =	swait.ge [sflag:s14], $0x400  }
0xf: {  	[sflag:s14] =	ssyncset.done $0x0  }
0x10: {  	s0 =	simm.s32 $0x400;
	[sflag:s14] =	ssyncadd.s32 $0xFFFFFC00  }
0x11: {  	[tilespmem:s0], [sflag:$0x3] =	stream.linear.gather [hbm4b:s7+s2], $0x400, $0x38;
	[tilespmem:$0x9400] =	vst v63  }
0x12: {  	_ =	swait.ge [sflag:s14], $0x400  }
0x13: {  	[sflag:s14] =	ssyncset.done $0x0  }
0x14: {  	s24 =	simm.s32 $0x800;
	[sflag:s14] =	ssyncadd.s32 $0xFFFFFC00  }
0x15: {  	[tilespmem:s24], [sflag:$0x3] =	stream.linear.gather [hbm4b:s8+s2], $0x400, $0x38;
	[tilespmem:$0x9400] =	vst v63  }
0x16: {  	_ =	swait.ge [sflag:s14], $0x400  }
0x17: {  	[sflag:s14] =	ssyncset.done $0x0  }
0x18: {  	s26 =	simm.s32 $0xC00;
	[sflag:s14] =	ssyncadd.s32 $0xFFFFFC00  }
0x19: {  	[tilespmem:s26], [sflag:$0x3] =	stream.linear.gather [hbm4b:s9+s2], $0x400, $0x38;
	[tilespmem:$0x9400] =	vst v63  }
0x1a: {  	_ =	swait.ge [sflag:s14], $0x400  }
0x1b: {  	[sflag:s14] =	ssyncset.done $0x0  }
0x1c: {  	s1 =	simm.s32 $0x1000;
	[sflag:s14] =	ssyncadd.s32 $0xFFFFFC00  }
0x1d: {  	[tilespmem:s1], [sflag:$0x3] =	stream.linear.gather [hbm4b:s10+s2], $0x400, $0x38;
	[tilespmem:$0x9400] =	vst v63  }
0x1e: {  	_ =	swait.ge [sflag:s14], $0x400  }
0x1f: {  	s15 =	simm.s32 $0x0;
	[sflag:s14] =	ssyncset.done $0x0  }
0x20: {  	s0 =	sand.u32 $0x300, s15;
	s1 =	sand.u32 $0x38000, s2;
	[sflag:s14] =	ssyncadd.s32 $0xFFFFFC00  }
0x21: {  	[tilespmem:s19], [sflag:$0x1] =	stream.indirect.gather [hbm4b:s4+s20], $0x80, s2, s20, $0xb8;
	[tilespmem:$0x9400] =	vst v63  }
0x22: {  	s15 =	simm.s32 $0x80;
	s0 =	sor.u32 s0, s1  }
0x23: {  	[tilespmem:s21], [sflag:$0x2] =	stream.indirect.gather [hbm4b:s4+s20], $0x80, s15, s20, $0xb8;
	[tilespmem:$0x9400] =	vst v63  }
0x24: {  	s0 =	sor.u32 s3, s0;
	_ =	swait.ge [sflag:s22], $0x4000  }
0x25: {  	s0 =	sshll.u32 s0, $0x4;
	[sflag:s22] =	ssyncset.done $0x0  }
0x26: {  	s16 =	simm.s32 $0x100;
	s0 =	sadd.s32 s5, s0;
	[sflag:s22] =	ssyncadd.s32 $0xFFFFC000  }
0x27: {  	[hbm4b:s0+s2] =	stream.linear.scatter [tilespmem:s19], [sflag:$0x3], $0x4000, $0x38;
	[tilespmem:$0x9400] =	vst v63  }
0x28: {  	s17 =	sand.u32 $0x380, s20;
	s28 =	simm.s32 $0x200;
	_ =	swait.ge [sflag:s14], $0x4000  }
0x29: {  	s30 =	simm.s32 $0x300;
	s31 =	simm.s32 $0x4000;
	[sflag:s14] =	ssyncset.done $0x0  }
0x2a: {  	s24 =	simm.s32 $0x2000;
	s1 =	sor.u32 s17, s1;
	[sflag:s14] =	ssyncadd.s32 $0xFFFFC000  }
0x2b: {  	[tilespmem:s19], [sflag:$0x1] =	stream.indirect.gather [hbm4b:s4+s20], $0x80, s16, s20, $0xb8;
	[tilespmem:$0x9400] =	vst v63  }
0x2c: {  	s29 =	sand.u32 $0x38000, s24;
	s18 =	sor.u32 s3, s1;
	_ =	swait.ge [sflag:s23], $0x4000  }
0x2d: {  	s26 =	simm.s32 $0x180;
	s0 =	sshll.u32 s18, $0x4;
	[sflag:s23] =	ssyncset.done $0x0  }
0x2e: {  	s1 =	simm.s32 $0x280;
	s0 =	sadd.s32 s5, s0;
	[sflag:s23] =	ssyncadd.s32 $0xFFFFC000  }
0x2f: {  	[hbm4b:s0+s2] =	stream.linear.scatter [tilespmem:s21], [sflag:$0x3], $0x4000, $0x38;
	[tilespmem:$0x9400] =	vst v63  }
0x30: {  	s15 =	simm.s32 $0x100;
	s0 =	simm.s32 $0x180;
	_ =	swait.ge [sflag:s14], $0x4000  }
.LBB2_2:
0x31: {  	s16 =	sand.u32 $0x38000, s31  }
0x32: {  	s15 =	sand.u32 $0x300, s15;
	[sflag:s14] =	ssyncset.done $0x0;
	s17 =	smov.u32 s1  }
0x33: {  	s18 =	sadd.s32 $0xFFFFFF80, s30;
	s15 =	sor.u32 s15, s29;
	[sflag:s14] =	ssyncadd.s32 $0xFFFFC000  }
0x34: {  	[tilespmem:s21], [sflag:$0x2] =	stream.indirect.gather [hbm4b:s4+s20], $0x80, s0, s20, $0xb8;
	[tilespmem:$0x9400] =	vst v63  }
0x35: {  	s24 =	sadd.s32 $0x100, s1;
	s0 =	sor.u32 s3, s15;
	_ =	swait.ge [sflag:s22], $0x4000  }
0x36: {  	p0 =	sne.s32 s1, $0x1280;
	s0 =	sshll.u32 s0, $0x4;
	[sflag:s22] =	ssyncset.done $0x0  }
0x37: {  	s1 =	sadd.s32 s5, s0;
	s0 =	smov.u32 s18;
	[sflag:s22] =	ssyncadd.s32 $0xFFFFC000  }
0x38: {  	[hbm4b:s1+s2] =	stream.linear.scatter [tilespmem:s19], [sflag:$0x3], $0x4000, $0x38;
	[tilespmem:$0x9400] =	vst v63  }
0x39: {  	s31 =	sadd.s32 $0x2000, s31;
	_ =	swait.ge [sflag:s14], $0x4000  }
0x3a: {  	s1 =	sand.u32 $0x380, s26;
	s26 =	smov.u32 s17;
	[sflag:s14] =	ssyncset.done $0x0  }
0x3b: {  	s1 =	sor.u32 s1, s29;
	s29 =	smov.u32 s16;
	[sflag:s14] =	ssyncadd.s32 $0xFFFFC000  }
0x3c: {  	[tilespmem:s19], [sflag:$0x1] =	stream.indirect.gather [hbm4b:s4+s20], $0x80, s28, s20, $0xb8;
	[tilespmem:$0x9400] =	vst v63  }
.Ltmp0:
0x3d: {  	s1 =	sor.u32 s3, s1;
	_ =	swait.ge [sflag:s23], $0x4000;
	(pc) =	sbr.rel @p0 .LBB2_2-.Ltmp0, $4  }
0x3e: {  	s1 =	sshll.u32 s1, $0x4;
	s28 =	smov.u32 s30;
	[sflag:s23] =	ssyncset.done $0x0  }
0x3f: {  	s30 =	sadd.s32 $0x100, s30;
	s1 =	sadd.s32 s5, s1;
	[sflag:s23] =	ssyncadd.s32 $0xFFFFC000  }
0x40: {  	[hbm4b:s1+s2] =	stream.linear.scatter [tilespmem:s21], [sflag:$0x3], $0x4000, $0x38;
	[tilespmem:$0x9400] =	vst v63  }
0x41: {  	s15 =	sadd.s32 $0xFFFFFF80, s26;
	s1 =	smov.u32 s24;
	_ =	swait.ge [sflag:s14], $0x4000  }
0x42: {  	s1 =	sand.u32 $0x300, s15;
	[sflag:s14] =	ssyncset.done $0x0  }
0x43: {  	s1 =	sor.u32 s1, s29;
	[sflag:s14] =	ssyncadd.s32 $0xFFFFC000  }
0x44: {  	[tilespmem:s21], [sflag:$0x2] =	stream.indirect.gather [hbm4b:s4+s20], $0x80, s0, s20, $0xb8;
	[tilespmem:$0x9400] =	vst v63  }
0x45: {  	s24 =	sor.u32 s3, s1;
	_ =	swait.ge [sflag:s22], $0x4000  }
0x46: {  	s0 =	sshll.u32 s24, $0x4;
	[sflag:s22] =	ssyncset.done $0x0  }
0x47: {  	s0 =	sadd.s32 s5, s0;
	[sflag:s22] =	ssyncadd.s32 $0xFFFFC000  }
0x48: {  	[hbm4b:s0+s2] =	stream.linear.scatter [tilespmem:s19], [sflag:$0x3], $0x4000, $0x38;
	[tilespmem:$0x9400] =	vst v63  }
0x49: {  	_ =	swait.ge [sflag:s14], $0x4000  }
0x4a: {  	s30 =	sand.u32 $0x380, s26;
	[sflag:s14] =	ssyncset.done $0x0  }
0x4b: {  	s0 =	sor.u32 s30, s29;
	[sflag:s14] =	ssyncadd.s32 $0xFFFFC000  }
0x4c: {  	[tilespmem:s19], [sflag:$0x1] =	stream.indirect.gather [hbm4b:s4+s20], $0x80, s28, s20, $0xb8;
	[tilespmem:$0x9400] =	vst v63  }
0x4d: {  	s0 =	sor.u32 s3, s0;
	_ =	swait.ge [sflag:s23], $0x4000  }
0x4e: {  	s0 =	sshll.u32 s0, $0x4;
	[sflag:s23] =	ssyncset.done $0x0  }
0x4f: {  	s0 =	sadd.s32 s5, s0;
	[sflag:s23] =	ssyncadd.s32 $0xFFFFC000  }
0x50: {  	[hbm4b:s0+s2] =	stream.linear.scatter [tilespmem:s21], [sflag:$0x3], $0x4000, $0x38;
	[tilespmem:$0x9400] =	vst v63  }
0x51: {  	_ =	swait.ge [sflag:s14], $0x4000  }
0x52: {  	[sflag:s14] =	ssyncset.done $0x0  }
0x53: {  	s31 =	simm.s32 $0x1380;
	[sflag:s14] =	ssyncadd.s32 $0xFFFFC000  }
0x54: {  	[tilespmem:s21], [sflag:$0x2] =	stream.indirect.gather [hbm4b:s4+s20], $0x80, s31, s20, $0xb8;
	[tilespmem:$0x9400] =	vst v63  }
0x55: {  	_ =	swait.ge [sflag:s22], $0x4000  }
0x56: {  	[sflag:s22] =	ssyncset.done $0x0  }
0x57: {  	[sflag:s22] =	ssyncadd.s32 $0xFFFFC000  }
0x58: {  	[hbm4b:s11+s2] =	stream.linear.scatter [tilespmem:s19], [sflag:$0x3], $0x4000, $0x38;
	[tilespmem:$0x9400] =	vst v63  }
0x59: {  	_ =	swait.ge [sflag:s14], $0x4000  }
0x5a: {  	[sflag:s14] =	ssyncset.done $0x0  }
0x5b: {  	[sflag:s14] =	ssyncadd.s32 $0xFFFFC000  }
0x5c: {  	s25 =	sadd.s32 $0x1, s25;
	_ =	swait.ge [sflag:s23], $0x4000  }
0x5d: {  	p0 =	sne.s32 s25, s13;
	[sflag:s23] =	ssyncset.done $0x0  }
.Ltmp1:
0x5e: {  	[sflag:s23] =	ssyncadd.s32 $0xFFFFC000;
	(pc) =	sbr.rel @p0 .LBB2_1-.Ltmp1, $4  }
0x5f: {  	[hbm4b:s12+s2] =	stream.linear.scatter [tilespmem:s21], [sflag:$0x3], $0x4000, $0x38;
	[tilespmem:$0x9400] =	vst v63  }
0x60: {  	_ =	swait.ge [sflag:s14], $0x4000  }
0x61: {  	[sflag:s14] =	ssyncset.done $0x0  }
0x62: {  	[sflag:s14] =	ssyncadd.s32 $0xFFFFC000  }
0x63: {  	_ =	sfence.sel $0x180000  }
0x64: {  	[bflag:$0x0] =	sbarrier.arrive $0xFFFF  }
0x65: {  	_ =	strace $0x9000004A  }
0x66: {  	s0 =	stileid.u32;
	[bflag:$0x2] =	sbarrier.arrive $0xFFFF  }
0x67: {  	p0 =	sne.s32 s0, $0x0;
	s0 =	rddreg [dreg:$0x1]  }
0x68: {  	s0 =	sadd.s32 @!p0 $0x100000, s0  }
0x69: {  	[sflag:s0] =	ssyncadd.tile.s32 @!p0 $0x1;
	_ =	shalt  }
.Lfunc_end2:
_tile_overlayer_lowered:
.L_overlay_start_2:
0x6a: {  	(tag) =	ssettag $0x2  }
0x6b: {  	s0 =	rddreg [dreg:$0x0];
	s2 =	stileid.u32  }
0x6c: {  	s1 =	rddreg [dreg:$0x1];
	p0 =	sne.s32 s2, $0x0  }
0x6d: {  	s3 =	rddreg [dreg:$0x2];
	[bflag:$0x3] =	sbarrier.arrive $0xFFFF;
	s2 =	simm.s32 @!p0 $0x1C03  }
0x6e: {  	[timem:s3], [sflag:s2] =	dma.local @!p0 [hbm:s0], s1  }
0x6f: {  	s0 =	simm.s32 @!p0 $0x3  }
0x70: {  	_ =	swait.ge @!p0 [sflag:s0], s1  }
0x71: {  	s1 =	ssub.s32 @!p0 $0x0, s1;
	[sflag:s0] =	ssyncset.done @!p0 $0x0  }
0x72: {  	[sflag:s0] =	ssyncadd.s32 @!p0 s1  }
0x73: {  	[bflag:$0x3] =	sbarrier.arrive $0xFFFF  }
0x74: {  	_ =	shalt  }

// kernel: kernel.16.cloned.1.call-start
scs
__scs_entry_jumppad:
0x0: {  	(pc) =	sbr.rel $0x88, $3  }
0x1: {  	(tag) =	ssettag $0x0;
	lr =	simm.s32 $0x1  }
0x2: {  	[smem:$0x3F9F] =	sst lr;
	_ =	strace $0xD0000000  }
0x3: {  	_ = 	snop  }
0x4: {  	_ = 	snop  }
0x5: {  	_ = 	snop  }
0x6: {  	_ = 	snop  }
0x7: {  	_ = 	snop  }
__scs_overlays_trampoline_lowered:
0x8: {  	[smem:$0x3FAE] =	sst s0  }
0x9: {  	[smem:$0x3FAF] =	sst s1  }
0xa: {  	[smem:$0x3FB0] =	sst s2  }
0xb: {  	[smem:$0x3FB1] =	sst s3  }
0xc: {  	[smem:$0x3FB2] =	sst s4  }
0xd: {  	[smem:$0x3FB3] =	sst s5  }
0xe: {  	[smem:$0x3FB4] =	sst s6  }
0xf: {  	[smem:$0x3FB5] =	sst s7  }
0x10: {  	[smem:$0x3FB6] =	sst s8  }
0x11: {  	[smem:$0x3FB7] =	sst s9;
	s0 =	simm.s32 @!p0 $0x0  }
0x12: {  	s1 =	sld [smem:$0x3F9D];
	s0 =	simm.s32 @p0 $0x1  }
0x13: {  	[smem:$0x3FB8] =	sst s0;
	s0 =	simm.s32 @!p1 $0x0  }
0x14: {  	s2 =	sld [smem:$0x3F9C];
	s0 =	simm.s32 @p1 $0x1  }
0x15: {  	[smem:$0x3FB9] =	sst s0;
	s0 =	simm.s32 @!p2 $0x0  }
0x16: {  	s3 =	sld [smem:$0x3FDB];
	s0 =	simm.s32 @p2 $0x1  }
0x17: {  	s4 =	simm.s32 $0x1BF5;
	[smem:$0x3FBB] =	sst s0  }
0x18: {  	s0 =	sld [smem:$0x3F9E];
	_ =	swait.ge [sflag:s4], $0x0  }
0x19: {  	s7 =	sld [smem:$0x3F9F]  }
0x1a: {  	s8 =	sadd.s32 $0xFFFFE003, lr  }
0x1b: {  	s9 =	sadd.s32 $0xFFFFFEF7, lr;
	s5 =	simm.s32 $0xFFFFFFFF;
	p2 =	slt.u32 s8, $0xFFFFF086  }
0x1c: {  	p1 =	slt.u32 s9, $0xF7A;
	s5 =	simm.s32 @!p2 $0x0  }
0x1d: {  	s5 =	simm.s32 @p1 $0x1;
	p0 =	seq.s32 s7, s2  }
0x1e: {  	s7 =	smul.u32 @!p0 $0xF7A, s2;
	p2 =	seq.s32 @!p0 s5, $0x0  }
0x1f: {  	s9 =	smul.u32 $0xF7A, s1;
	s8 =	simm.s32 @!p0 $0x1BF5;
	p2 =	por !p2, p0  }
0x20: {  	[sflag:s8] =	ssyncset.s32 @!p0 $0xFFFFF086;
	s6 =	sadd.s32 @!p0 s3, s7;
	s7 =	simm.s32 @!p0 $0x108  }
0x21: {  	s3 =	sadd.s32 s3, s9;
	s6 =	sadd.s32 @!p0 $0x88, s6;
	s7 =	simm.s32 @p2 $0x1082  }
0x22: {  	[simem:s7], [sflag:s8] =	dma.local @!p0 [hbm:s6], $0xF7A  }
0x23: {  	s9 =	sor.u32 $0xD0000000, s2;
	s6 =	simm.s32 $0x108;
	_ =	swait.ge @!p0 [sflag:s8], $0x0  }
0x24: {  	s3 =	sadd.s32 $0x88, s3;
	s6 =	simm.s32 @!p1 $0x1082;
	[sflag:s4] =	ssyncset.s32 $0xFFFFF086  }
0x25: {  	[simem:s6], [sflag:s4] =	dma.local [hbm:s3], $0xF7A  }
0x26: {  	[smem:$0x3F9F] =	sst s1;
	(tag) =	ssettag s2;
	_ =	strace s9  }
0x27: {  	s1 =	sld [smem:$0x3FAF]  }
0x28: {  	s2 =	sld [smem:$0x3FB0]  }
0x29: {  	s4 =	sld [smem:$0x3FB2]  }
0x2a: {  	p0 =	seq.s32 s5, $0x0;
	s5 =	sld [smem:$0x3FB3]  }
0x2b: {  	s6 =	sld [smem:$0x3FB4]  }
0x2c: {  	s7 =	sld [smem:$0x3FB5]  }
0x2d: {  	s3 =	simm.s32 $0x108;
	s8 =	sld [smem:$0x3FB6]  }
0x2e: {  	s3 =	simm.s32 @!p0 $0x1082;
	s9 =	sld [smem:$0x3FB7]  }
0x2f: {  	lr =	sadd.s32 s0, s3;
	s0 =	sld [smem:$0x3FAE]  }
0x30: {  	s3 =	sld [smem:$0x3FB1]  }
0x31: {  	[smem:$0x3FBA] =	sst s10  }
0x32: {  	s10 =	sld [smem:$0x3FB8];
	_ =	sdelay $0x3  }
0x33: {  	p0 =	seq.s32 s10, $0x1;
	s10 =	sld [smem:$0x3FBA];
	_ =	sdelay $0x3  }
0x34: {  	[smem:$0x3FBA] =	sst s10  }
0x35: {  	s10 =	sld [smem:$0x3FB9];
	_ =	sdelay $0x3  }
0x36: {  	p1 =	seq.s32 s10, $0x1;
	s10 =	sld [smem:$0x3FBA];
	_ =	sdelay $0x3  }
0x37: {  	[smem:$0x3FBA] =	sst s10  }
0x38: {  	s10 =	sld [smem:$0x3FBB]  }
0x39: {  	_ = 	snop;
	(pc) =	sbr.ind lr, $3  }
0x3a: {  	_ = 	snop  }
0x3b: {  	_ = 	snop  }
0x3c: {  	p2 =	seq.s32 s10, $0x1;
	s10 =	sld [smem:$0x3FBA]  }
0x3d: {  	_ =	shalt  }
0x3e: {  	_ =	shalt  }
0x3f: {  	_ =	shalt  }
0x40: {  	_ =	shalt  }
0x41: {  	_ =	shalt  }
0x42: {  	_ =	shalt  }
0x43: {  	_ =	shalt  }
0x44: {  	_ =	shalt  }
0x45: {  	_ =	shalt  }
0x46: {  	_ =	shalt  }
0x47: {  	_ =	shalt  }
0x48: {  	_ =	shalt  }
0x49: {  	_ =	shalt  }
0x4a: {  	_ =	shalt  }
0x4b: {  	_ =	shalt  }
0x4c: {  	_ =	shalt  }
0x4d: {  	_ =	shalt  }
0x4e: {  	_ =	shalt  }
0x4f: {  	_ =	shalt  }
0x50: {  	_ =	shalt  }
0x51: {  	_ =	shalt  }
0x52: {  	_ =	shalt  }
0x53: {  	_ =	shalt  }
0x54: {  	_ =	shalt  }
0x55: {  	_ =	shalt  }
0x56: {  	_ =	shalt  }
0x57: {  	_ =	shalt  }
0x58: {  	_ =	shalt  }
0x59: {  	_ =	shalt  }
0x5a: {  	_ =	shalt  }
0x5b: {  	_ =	shalt  }
0x5c: {  	_ =	shalt  }
0x5d: {  	_ =	shalt  }
0x5e: {  	_ =	shalt  }
0x5f: {  	_ =	shalt  }
0x60: {  	_ =	shalt  }
0x61: {  	_ =	shalt  }
0x62: {  	_ =	shalt  }
0x63: {  	_ =	shalt  }
0x64: {  	_ =	shalt  }
0x65: {  	_ =	shalt  }
0x66: {  	_ =	shalt  }
0x67: {  	_ =	shalt  }
0x68: {  	_ =	shalt  }
0x69: {  	_ =	shalt  }
0x6a: {  	_ =	shalt  }
0x6b: {  	_ =	shalt  }
0x6c: {  	_ =	shalt  }
0x6d: {  	_ =	shalt  }
0x6e: {  	_ =	shalt  }
0x6f: {  	_ =	shalt  }
0x70: {  	_ =	shalt  }
0x71: {  	_ =	shalt  }
0x72: {  	_ =	shalt  }
0x73: {  	_ =	shalt  }
0x74: {  	_ =	shalt  }
0x75: {  	_ =	shalt  }
0x76: {  	_ =	shalt  }
0x77: {  	_ =	shalt  }
0x78: {  	_ =	shalt  }
0x79: {  	_ =	shalt  }
0x7a: {  	_ =	shalt  }
0x7b: {  	_ =	shalt  }
0x7c: {  	_ =	shalt  }
0x7d: {  	_ =	shalt  }
0x7e: {  	_ =	shalt  }
0x7f: {  	_ =	shalt  }
0x80: {  	_ =	shalt  }
0x81: {  	_ =	shalt  }
0x82: {  	_ =	shalt  }
0x83: {  	_ =	shalt  }
0x84: {  	_ =	shalt  }
0x85: {  	_ =	shalt  }
0x86: {  	_ =	shalt  }
0x87: {  	_ =	shalt  }
.Lfunc_end0:
.L_simem_size_0:
called_computation.2_lowered:
.L_overlay_start_0:
0x88: {  	s2 =	sld [smem:$0x3FD9]  }
0x89: {  	s3 =	sld [smem:$0x3FFE];
	_ =	sdelay $0x1  }
0x8a: {  	s1 =	srdreg.scid  }
0x8b: {  	s0 =	sand.u32 $0x1, s1  }
0x8c: {  	s17 =	sshll.u32 s0, $0xA;
	s2 =	sadd.s32 s3, s2  }
0x8d: {  	s2 =	sadd.s32 s2, s17  }
0x8e: {  	[smem:$0x3FC6] =	sst s2  }
0x8f: {  	_ = 	snop  }
0x90: {  	(tm) =	ssettm $0x1  }
0x91: {  	s18 =	sld [smem:$0x3FFB];
	_ =	sdelay $0x3  }
0x92: {  	_ =	strace s18  }
0x93: {  	s2 =	sld [smem:$0x3FFC];
	_ =	sdelay $0x3  }
0x94: {  	_ =	strace s2  }
0x95: {  	s2 =	sld [smem:$0x3FFD];
	_ =	sdelay $0x3  }
0x96: {  	_ =	strace s2  }
0x97: {  	_ =	strace $0x8FFFFFFF  }
0x98: {  	s19 =	sld [smem:$0x3FDB];
	_ =	sdelay $0x1  }
0x99: {  	s20 =	simm.s32 $_scs_section_size  }
0x9a: {  	s4 =	simm.s32 $_size__tile_overlayer_lowered;
	s5 =	simm.s32 $_tile_overlayer_lowered  }
0x9b: {  	s6 =	simm.s32 $0x1BFF;
	s21 =	sshll.u32 s5, $0x1;
	s3 =	sadd.s32 s20, s19  }
0x9c: {  	s22 =	simm.s32 $0x0;
	s4 =	sshll.u32 s4, $0x1;
	s5 =	sadd.s32 s21, s3  }
0x9d: {  	[timem:s22], [sflag:s6] =	dma.local [hbm:s5], s4  }
0x9e: {  	_ =	swait.ge [sflag:s6], s4  }
0x9f: {  	s4 =	ssub.s32 $0x0, s4;
	[sflag:s6] =	ssyncset.done $0x0  }
0xa0: {  	[sflag:s6] =	ssyncadd.s32 s4;
	_ =	sdelay $0x1  }
0xa1: {  	s23 =	simm.s32 $0x1B8B  }
0xa2: {  	_ =	swait.ge [sflag:s23], $0x1  }
0xa3: {  	[sflag:s23] =	ssyncset.done $0x0  }
0xa4: {  	[sflag:s23] =	ssyncadd.s32 $0xFFFFFFFF  }
0xa5: {  	s4 =	sld [smem:$0x0]  }
0xa6: {  	s5 =	sand.u32 $0xFFFFFFFE, s1  }
0xa7: {  	p0 =	sne.s32 s1, s5  }
0xa8: {  	s5 =	sshll.u32 @p0 s5, $0xE  }
0xa9: {  	s5 =	sadd.s32 @p0 $0x11B8D, s5;
	s6 =	sshll.u32 @p0 s4, $0x11  }
0xaa: {  	s5 =	sor.u32 @p0 s6, s5  }
0xab: {  	[sflag:s5] =	ssyncadd.remote.s32 @p0 $0x1;
	_ =	sdelay $0x1  }
0xac: {  	s5 =	simm.s32 @p0 $0x1B8D  }
0xad: {  	_ =	swait.eq @p0 [sflag:s5], $0x1  }
0xae: {  	[sflag:s5] =	ssyncadd.s32 @p0 $0xFFFFFFFF  }
0xaf: {  	s6 =	sshll.u32 @!p0 s1, $0xE  }
0xb0: {  	s6 =	sor.u32 @!p0 $0x4000, s6;
	s5 =	simm.s32 @!p0 $0x1B8D  }
0xb1: {  	s4 =	sshll.u32 @!p0 s4, $0x11;
	s6 =	sadd.s32 @!p0 $0x11B8D, s6;
	_ =	swait.eq @!p0 [sflag:s5], $0x1  }
0xb2: {  	s4 =	sor.u32 @!p0 s4, s6;
	[sflag:s5] =	ssyncadd.s32 @!p0 $0xFFFFFFFF  }
0xb3: {  	s25 =	simm.s32 $0x1B8E;
	s24 =	sld [smem:$0x3FFE];
	[sflag:s4] =	ssyncadd.remote.s32 @!p0 $0x1  }
0xb4: {  	s26 =	simm.s32 $execute0_lowered;
	[smem:$0x3FD2] =	sst s25  }
0xb5: {  	s5 =	sshll.u32 s26, $0x1;
	_ =	strace $0x8000004C;
	[dreg:$0x1] =	wrdreg $0xFFFFFFFF  }
0xb6: {  	s28 =	simm.s32 $_size_execute0_lowered;
	s3 =	sadd.s32 s3, s5;
	[dreg:$0x0] =	wrdreg $0x0  }
0xb7: {  	s5 =	sshll.u32 s28, $0x1;
	[dreg:$0x2] =	wrdreg s3  }
0xb8: {  	[dreg:$0x3] =	wrdreg s5  }
0xb9: {  	[dreg:$0x4] =	wrdreg $0xC0  }
0xba: {  	_ =	task [dreg:s22], $0x5FFFF  }
0xbb: {  	[dreg:$0x1] =	wrdreg $0xFFFFFFFF  }
0xbc: {  	[dreg:$0x0] =	wrdreg $0x60  }
0xbd: {  	[dreg:$0x2] =	wrdreg s24  }
0xbe: {  	[dreg:$0x3] =	wrdreg $0xB  }
0xbf: {  	_ =	task.clear_ibuf [dreg:s22], $0x4FFFF;
	_ =	strace $0x9000004C  }
0xc0: {  	s29 =	simm.s32 $0xB;
	_ =	strace $0x8000004E  }
0xc1: {  	_ =	swait.ge [sflag:s29], $0x1  }
0xc2: {  	[sflag:s29] =	ssyncadd.s32 $0xFFFFFFFF  }
0xc3: {  	_ =	strace $0x9000004E  }
0xc4: {  	_ =	sfence  }
0xc5: {  	s30 =	sld [smem:$0x0];
	_ =	sdelay $0x2  }
0xc6: {  	s31 =	sshll.u32 s1, $0xD;
	s1 =	sshrl.u32 s1, $0x2  }
0xc7: {  	s4 =	sand.u32 $0x4000, s31;
	s1 =	sadd.s32 s1, s30  }
0xc8: {  	s0 =	sor.u32 s4, s0;
	s1 =	sshll.u32 s1, $0x11  }
0xc9: {  	s0 =	sor.u32 s1, s0  }
0xca: {  	s0 =	sadd.s32 $0x8F2B, s0  }
0xcb: {  	[sflag:s0] =	ssyncadd.remote.s32 $0x1  }
0xcc: {  	_ =	sfence.sel $0xFFFF  }
0xcd: {  	[dreg:$0x0] =	wrdreg $0xFFFFFFFF;
	(pc) =	sbr.abs _section_cstart, $3  }
0xce: {  	[dreg:$0x1] =	wrdreg $0xFFFFFFFF  }
0xcf: {  	_ =	task.clear_ibuf [dreg:s22], $0x2FFFF;
	_ =	strace $0x9FFFFFFF  }
0xd0: {  	(tm) =	ssettm $0x7FFFFFFF  }
0xd1: {  	_ =	shalt  }
tec
execute0_lowered:
.L_overlay_start_1:
0x0: {  	(tag) =	ssettag $0x1  }
0x1: {  	s0 =	rddreg [dreg:$0x0]  }
0x2: {  	s1 =	srdreg.scid;
	s3 =	stileid.u32;
	s2 =	simm.s32 $0x0  }
0x3: {  	s14 =	simm.s32 $0x3;
	s19 =	simm.s32 $0x1400;
	s20 =	simm.s32 $0x80  }
0x4: {  	s21 =	simm.s32 $0x5400;
	s22 =	simm.s32 $0x1;
	s23 =	simm.s32 $0x2  }
0x5: {  	s25 =	simm.s32 $0x0;
	s1 =	sand.u32 $0x1, s1;
	s3 =	sshll.u32 s3, $0xB  }
0x6: {  	[smem:$0x7FF] =	sst s2;
	s4 =	sshll.u32 s1, $0xA;
	s1 =	ssub.s32 $0x2, s1  }
0x7: {  	_ =	strace $0x8000004D;
	s3 =	sor.u32 s4, s3;
	s6 =	sshrl.u32 s1, $0x1  }
0x8: {  	s4 =	sadd.s32 $0x15200, s0;
	s5 =	sshrl.u32 s3, $0x3;
	s30 =	ssub.s32 s1, s6  }
0x9: {  	s31 =	sshll.u32 s3, $0x4;
	s10 =	sadd.s32 s5, s0;
	s5 =	sadd.s32 $0x534600, s0  }
0xa: {  	s13 =	smax.u32 s30, $0x1;
	s6 =	sadd.s32 $0xB200, s10;
	s7 =	sadd.s32 $0xC200, s10  }
0xb: {  	s8 =	sadd.s32 $0xD200, s10;
	s9 =	sadd.s32 $0xE200, s10;
	s1 =	sadd.s32 s31, s5  }
0xc: {  	s10 =	sadd.s32 $0xF200, s10;
	s11 =	sadd.s32 $0x203000, s1;
	s12 =	sadd.s32 $0x203800, s1  }
.LBB2_1:
0xd: {  	[tilespmem:s2], [sflag:$0x3] =	stream.linear.gather [hbm4b:s6+s2], $0x400, $0x38;
	[tilespmem:$0x9400] =	vst v63  }
0xe: {  	_ =	swait.ge [sflag:s14], $0x400  }
0xf: {  	[sflag:s14] =	ssyncset.done $0x0  }
0x10: {  	s0 =	simm.s32 $0x400;
	[sflag:s14] =	ssyncadd.s32 $0xFFFFFC00  }
0x11: {  	[tilespmem:s0], [sflag:$0x3] =	stream.linear.gather [hbm4b:s7+s2], $0x400, $0x38;
	[tilespmem:$0x9400] =	vst v63  }
0x12: {  	_ =	swait.ge [sflag:s14], $0x400  }
0x13: {  	[sflag:s14] =	ssyncset.done $0x0  }
0x14: {  	s24 =	simm.s32 $0x800;
	[sflag:s14] =	ssyncadd.s32 $0xFFFFFC00  }
0x15: {  	[tilespmem:s24], [sflag:$0x3] =	stream.linear.gather [hbm4b:s8+s2], $0x400, $0x38;
	[tilespmem:$0x9400] =	vst v63  }
0x16: {  	_ =	swait.ge [sflag:s14], $0x400  }
0x17: {  	[sflag:s14] =	ssyncset.done $0x0  }
0x18: {  	s26 =	simm.s32 $0xC00;
	[sflag:s14] =	ssyncadd.s32 $0xFFFFFC00  }
0x19: {  	[tilespmem:s26], [sflag:$0x3] =	stream.linear.gather [hbm4b:s9+s2], $0x400, $0x38;
	[tilespmem:$0x9400] =	vst v63  }
0x1a: {  	_ =	swait.ge [sflag:s14], $0x400  }
0x1b: {  	[sflag:s14] =	ssyncset.done $0x0  }
0x1c: {  	s1 =	simm.s32 $0x1000;
	[sflag:s14] =	ssyncadd.s32 $0xFFFFFC00  }
0x1d: {  	[tilespmem:s1], [sflag:$0x3] =	stream.linear.gather [hbm4b:s10+s2], $0x400, $0x38;
	[tilespmem:$0x9400] =	vst v63  }
0x1e: {  	_ =	swait.ge [sflag:s14], $0x400  }
0x1f: {  	s15 =	simm.s32 $0x0;
	[sflag:s14] =	ssyncset.done $0x0  }
0x20: {  	s0 =	sand.u32 $0x300, s15;
	s1 =	sand.u32 $0x38000, s2;
	[sflag:s14] =	ssyncadd.s32 $0xFFFFFC00  }
0x21: {  	[tilespmem:s19], [sflag:$0x1] =	stream.indirect.gather [hbm4b:s4+s20], $0x80, s2, s20, $0xb8;
	[tilespmem:$0x9400] =	vst v63  }
0x22: {  	s15 =	simm.s32 $0x80;
	s0 =	sor.u32 s0, s1  }
0x23: {  	[tilespmem:s21], [sflag:$0x2] =	stream.indirect.gather [hbm4b:s4+s20], $0x80, s15, s20, $0xb8;
	[tilespmem:$0x9400] =	vst v63  }
0x24: {  	s0 =	sor.u32 s3, s0;
	_ =	swait.ge [sflag:s22], $0x4000  }
0x25: {  	s0 =	sshll.u32 s0, $0x4;
	[sflag:s22] =	ssyncset.done $0x0  }
0x26: {  	s16 =	simm.s32 $0x100;
	s0 =	sadd.s32 s5, s0;
	[sflag:s22] =	ssyncadd.s32 $0xFFFFC000  }
0x27: {  	[hbm4b:s0+s2] =	stream.linear.scatter [tilespmem:s19], [sflag:$0x3], $0x4000, $0x38;
	[tilespmem:$0x9400] =	vst v63  }
0x28: {  	s17 =	sand.u32 $0x380, s20;
	s28 =	simm.s32 $0x200;
	_ =	swait.ge [sflag:s14], $0x4000  }
0x29: {  	s30 =	simm.s32 $0x300;
	s31 =	simm.s32 $0x4000;
	[sflag:s14] =	ssyncset.done $0x0  }
0x2a: {  	s24 =	simm.s32 $0x2000;
	s1 =	sor.u32 s17, s1;
	[sflag:s14] =	ssyncadd.s32 $0xFFFFC000  }
0x2b: {  	[tilespmem:s19], [sflag:$0x1] =	stream.indirect.gather [hbm4b:s4+s20], $0x80, s16, s20, $0xb8;
	[tilespmem:$0x9400] =	vst v63  }
0x2c: {  	s29 =	sand.u32 $0x38000, s24;
	s18 =	sor.u32 s3, s1;
	_ =	swait.ge [sflag:s23], $0x4000  }
0x2d: {  	s26 =	simm.s32 $0x180;
	s0 =	sshll.u32 s18, $0x4;
	[sflag:s23] =	ssyncset.done $0x0  }
0x2e: {  	s1 =	simm.s32 $0x280;
	s0 =	sadd.s32 s5, s0;
	[sflag:s23] =	ssyncadd.s32 $0xFFFFC000  }
0x2f: {  	[hbm4b:s0+s2] =	stream.linear.scatter [tilespmem:s21], [sflag:$0x3], $0x4000, $0x38;
	[tilespmem:$0x9400] =	vst v63  }
0x30: {  	s15 =	simm.s32 $0x100;
	s0 =	simm.s32 $0x180;
	_ =	swait.ge [sflag:s14], $0x4000  }
.LBB2_2:
0x31: {  	s16 =	sand.u32 $0x38000, s31  }
0x32: {  	s15 =	sand.u32 $0x300, s15;
	[sflag:s14] =	ssyncset.done $0x0;
	s17 =	smov.u32 s1  }
0x33: {  	s18 =	sadd.s32 $0xFFFFFF80, s30;
	s15 =	sor.u32 s15, s29;
	[sflag:s14] =	ssyncadd.s32 $0xFFFFC000  }
0x34: {  	[tilespmem:s21], [sflag:$0x2] =	stream.indirect.gather [hbm4b:s4+s20], $0x80, s0, s20, $0xb8;
	[tilespmem:$0x9400] =	vst v63  }
0x35: {  	s24 =	sadd.s32 $0x100, s1;
	s0 =	sor.u32 s3, s15;
	_ =	swait.ge [sflag:s22], $0x4000  }
0x36: {  	p0 =	sne.s32 s1, $0x1280;
	s0 =	sshll.u32 s0, $0x4;
	[sflag:s22] =	ssyncset.done $0x0  }
0x37: {  	s1 =	sadd.s32 s5, s0;
	s0 =	smov.u32 s18;
	[sflag:s22] =	ssyncadd.s32 $0xFFFFC000  }
0x38: {  	[hbm4b:s1+s2] =	stream.linear.scatter [tilespmem:s19], [sflag:$0x3], $0x4000, $0x38;
	[tilespmem:$0x9400] =	vst v63  }
0x39: {  	s31 =	sadd.s32 $0x2000, s31;
	_ =	swait.ge [sflag:s14], $0x4000  }
0x3a: {  	s1 =	sand.u32 $0x380, s26;
	s26 =	smov.u32 s17;
	[sflag:s14] =	ssyncset.done $0x0  }
0x3b: {  	s1 =	sor.u32 s1, s29;
	s29 =	smov.u32 s16;
	[sflag:s14] =	ssyncadd.s32 $0xFFFFC000  }
0x3c: {  	[tilespmem:s19], [sflag:$0x1] =	stream.indirect.gather [hbm4b:s4+s20], $0x80, s28, s20, $0xb8;
	[tilespmem:$0x9400] =	vst v63  }
.Ltmp0:
0x3d: {  	s1 =	sor.u32 s3, s1;
	_ =	swait.ge [sflag:s23], $0x4000;
	(pc) =	sbr.rel @p0 .LBB2_2-.Ltmp0, $4  }
0x3e: {  	s1 =	sshll.u32 s1, $0x4;
	s28 =	smov.u32 s30;
	[sflag:s23] =	ssyncset.done $0x0  }
0x3f: {  	s30 =	sadd.s32 $0x100, s30;
	s1 =	sadd.s32 s5, s1;
	[sflag:s23] =	ssyncadd.s32 $0xFFFFC000  }
0x40: {  	[hbm4b:s1+s2] =	stream.linear.scatter [tilespmem:s21], [sflag:$0x3], $0x4000, $0x38;
	[tilespmem:$0x9400] =	vst v63  }
0x41: {  	s15 =	sadd.s32 $0xFFFFFF80, s26;
	s1 =	smov.u32 s24;
	_ =	swait.ge [sflag:s14], $0x4000  }
0x42: {  	s1 =	sand.u32 $0x300, s15;
	[sflag:s14] =	ssyncset.done $0x0  }
0x43: {  	s1 =	sor.u32 s1, s29;
	[sflag:s14] =	ssyncadd.s32 $0xFFFFC000  }
0x44: {  	[tilespmem:s21], [sflag:$0x2] =	stream.indirect.gather [hbm4b:s4+s20], $0x80, s0, s20, $0xb8;
	[tilespmem:$0x9400] =	vst v63  }
0x45: {  	s24 =	sor.u32 s3, s1;
	_ =	swait.ge [sflag:s22], $0x4000  }
0x46: {  	s0 =	sshll.u32 s24, $0x4;
	[sflag:s22] =	ssyncset.done $0x0  }
0x47: {  	s0 =	sadd.s32 s5, s0;
	[sflag:s22] =	ssyncadd.s32 $0xFFFFC000  }
0x48: {  	[hbm4b:s0+s2] =	stream.linear.scatter [tilespmem:s19], [sflag:$0x3], $0x4000, $0x38;
	[tilespmem:$0x9400] =	vst v63  }
0x49: {  	_ =	swait.ge [sflag:s14], $0x4000  }
0x4a: {  	s30 =	sand.u32 $0x380, s26;
	[sflag:s14] =	ssyncset.done $0x0  }
0x4b: {  	s0 =	sor.u32 s30, s29;
	[sflag:s14] =	ssyncadd.s32 $0xFFFFC000  }
0x4c: {  	[tilespmem:s19], [sflag:$0x1] =	stream.indirect.gather [hbm4b:s4+s20], $0x80, s28, s20, $0xb8;
	[tilespmem:$0x9400] =	vst v63  }
0x4d: {  	s0 =	sor.u32 s3, s0;
	_ =	swait.ge [sflag:s23], $0x4000  }
0x4e: {  	s0 =	sshll.u32 s0, $0x4;
	[sflag:s23] =	ssyncset.done $0x0  }
0x4f: {  	s0 =	sadd.s32 s5, s0;
	[sflag:s23] =	ssyncadd.s32 $0xFFFFC000  }
0x50: {  	[hbm4b:s0+s2] =	stream.linear.scatter [tilespmem:s21], [sflag:$0x3], $0x4000, $0x38;
	[tilespmem:$0x9400] =	vst v63  }
0x51: {  	_ =	swait.ge [sflag:s14], $0x4000  }
0x52: {  	[sflag:s14] =	ssyncset.done $0x0  }
0x53: {  	s31 =	simm.s32 $0x1380;
	[sflag:s14] =	ssyncadd.s32 $0xFFFFC000  }
0x54: {  	[tilespmem:s21], [sflag:$0x2] =	stream.indirect.gather [hbm4b:s4+s20], $0x80, s31, s20, $0xb8;
	[tilespmem:$0x9400] =	vst v63  }
0x55: {  	_ =	swait.ge [sflag:s22], $0x4000  }
0x56: {  	[sflag:s22] =	ssyncset.done $0x0  }
0x57: {  	[sflag:s22] =	ssyncadd.s32 $0xFFFFC000  }
0x58: {  	[hbm4b:s11+s2] =	stream.linear.scatter [tilespmem:s19], [sflag:$0x3], $0x4000, $0x38;
	[tilespmem:$0x9400] =	vst v63  }
0x59: {  	_ =	swait.ge [sflag:s14], $0x4000  }
0x5a: {  	[sflag:s14] =	ssyncset.done $0x0  }
0x5b: {  	[sflag:s14] =	ssyncadd.s32 $0xFFFFC000  }
0x5c: {  	s25 =	sadd.s32 $0x1, s25;
	_ =	swait.ge [sflag:s23], $0x4000  }
0x5d: {  	p0 =	sne.s32 s25, s13;
	[sflag:s23] =	ssyncset.done $0x0  }
.Ltmp1:
0x5e: {  	[sflag:s23] =	ssyncadd.s32 $0xFFFFC000;
	(pc) =	sbr.rel @p0 .LBB2_1-.Ltmp1, $4  }
0x5f: {  	[hbm4b:s12+s2] =	stream.linear.scatter [tilespmem:s21], [sflag:$0x3], $0x4000, $0x38;
	[tilespmem:$0x9400] =	vst v63  }
0x60: {  	_ =	swait.ge [sflag:s14], $0x4000  }
0x61: {  	[sflag:s14] =	ssyncset.done $0x0  }
0x62: {  	[sflag:s14] =	ssyncadd.s32 $0xFFFFC000  }
0x63: {  	_ =	sfence.sel $0x180000  }
0x64: {  	[bflag:$0x0] =	sbarrier.arrive $0xFFFF  }
0x65: {  	_ =	strace $0x9000004D  }
0x66: {  	s0 =	stileid.u32;
	[bflag:$0x2] =	sbarrier.arrive $0xFFFF  }
0x67: {  	p0 =	sne.s32 s0, $0x0;
	s0 =	rddreg [dreg:$0x1]  }
0x68: {  	s0 =	sadd.s32 @!p0 $0x100000, s0  }
0x69: {  	[sflag:s0] =	ssyncadd.tile.s32 @!p0 $0x1;
	_ =	shalt  }
.Lfunc_end2:
_tile_overlayer_lowered:
.L_overlay_start_2:
0x6a: {  	(tag) =	ssettag $0x2  }
0x6b: {  	s0 =	rddreg [dreg:$0x0];
	s2 =	stileid.u32  }
0x6c: {  	s1 =	rddreg [dreg:$0x1];
	p0 =	sne.s32 s2, $0x0  }
0x6d: {  	s3 =	rddreg [dreg:$0x2];
	[bflag:$0x3] =	sbarrier.arrive $0xFFFF;
	s2 =	simm.s32 @!p0 $0x1C03  }
0x6e: {  	[timem:s3], [sflag:s2] =	dma.local @!p0 [hbm:s0], s1  }
0x6f: {  	s0 =	simm.s32 @!p0 $0x3  }
0x70: {  	_ =	swait.ge @!p0 [sflag:s0], s1  }
0x71: {  	s1 =	ssub.s32 @!p0 $0x0, s1;
	[sflag:s0] =	ssyncset.done @!p0 $0x0  }
0x72: {  	[sflag:s0] =	ssyncadd.s32 @!p0 s1  }
0x73: {  	[bflag:$0x3] =	sbarrier.arrive $0xFFFF  }
0x74: {  	_ =	shalt  }

// kernel: kernel.19.cloned.1.call-start
scs
__scs_entry_jumppad:
0x0: {  	(pc) =	sbr.rel $0x88, $3  }
0x1: {  	(tag) =	ssettag $0x0;
	lr =	simm.s32 $0x1  }
0x2: {  	[smem:$0x3F9F] =	sst lr;
	_ =	strace $0xD0000000  }
0x3: {  	_ = 	snop  }
0x4: {  	_ = 	snop  }
0x5: {  	_ = 	snop  }
0x6: {  	_ = 	snop  }
0x7: {  	_ = 	snop  }
__scs_overlays_trampoline_lowered:
0x8: {  	[smem:$0x3FAE] =	sst s0  }
0x9: {  	[smem:$0x3FAF] =	sst s1  }
0xa: {  	[smem:$0x3FB0] =	sst s2  }
0xb: {  	[smem:$0x3FB1] =	sst s3  }
0xc: {  	[smem:$0x3FB2] =	sst s4  }
0xd: {  	[smem:$0x3FB3] =	sst s5  }
0xe: {  	[smem:$0x3FB4] =	sst s6  }
0xf: {  	[smem:$0x3FB5] =	sst s7  }
0x10: {  	[smem:$0x3FB6] =	sst s8  }
0x11: {  	[smem:$0x3FB7] =	sst s9;
	s0 =	simm.s32 @!p0 $0x0  }
0x12: {  	s1 =	sld [smem:$0x3F9D];
	s0 =	simm.s32 @p0 $0x1  }
0x13: {  	[smem:$0x3FB8] =	sst s0;
	s0 =	simm.s32 @!p1 $0x0  }
0x14: {  	s2 =	sld [smem:$0x3F9C];
	s0 =	simm.s32 @p1 $0x1  }
0x15: {  	[smem:$0x3FB9] =	sst s0;
	s0 =	simm.s32 @!p2 $0x0  }
0x16: {  	s3 =	sld [smem:$0x3FDB];
	s0 =	simm.s32 @p2 $0x1  }
0x17: {  	s4 =	simm.s32 $0x1BF5;
	[smem:$0x3FBB] =	sst s0  }
0x18: {  	s0 =	sld [smem:$0x3F9E];
	_ =	swait.ge [sflag:s4], $0x0  }
0x19: {  	s7 =	sld [smem:$0x3F9F]  }
0x1a: {  	s8 =	sadd.s32 $0xFFFFE003, lr  }
0x1b: {  	s9 =	sadd.s32 $0xFFFFFEF7, lr;
	s5 =	simm.s32 $0xFFFFFFFF;
	p2 =	slt.u32 s8, $0xFFFFF086  }
0x1c: {  	p1 =	slt.u32 s9, $0xF7A;
	s5 =	simm.s32 @!p2 $0x0  }
0x1d: {  	s5 =	simm.s32 @p1 $0x1;
	p0 =	seq.s32 s7, s2  }
0x1e: {  	s7 =	smul.u32 @!p0 $0xF7A, s2;
	p2 =	seq.s32 @!p0 s5, $0x0  }
0x1f: {  	s9 =	smul.u32 $0xF7A, s1;
	s8 =	simm.s32 @!p0 $0x1BF5;
	p2 =	por !p2, p0  }
0x20: {  	[sflag:s8] =	ssyncset.s32 @!p0 $0xFFFFF086;
	s6 =	sadd.s32 @!p0 s3, s7;
	s7 =	simm.s32 @!p0 $0x108  }
0x21: {  	s3 =	sadd.s32 s3, s9;
	s6 =	sadd.s32 @!p0 $0x88, s6;
	s7 =	simm.s32 @p2 $0x1082  }
0x22: {  	[simem:s7], [sflag:s8] =	dma.local @!p0 [hbm:s6], $0xF7A  }
0x23: {  	s9 =	sor.u32 $0xD0000000, s2;
	s6 =	simm.s32 $0x108;
	_ =	swait.ge @!p0 [sflag:s8], $0x0  }
0x24: {  	s3 =	sadd.s32 $0x88, s3;
	s6 =	simm.s32 @!p1 $0x1082;
	[sflag:s4] =	ssyncset.s32 $0xFFFFF086  }
0x25: {  	[simem:s6], [sflag:s4] =	dma.local [hbm:s3], $0xF7A  }
0x26: {  	[smem:$0x3F9F] =	sst s1;
	(tag) =	ssettag s2;
	_ =	strace s9  }
0x27: {  	s1 =	sld [smem:$0x3FAF]  }
0x28: {  	s2 =	sld [smem:$0x3FB0]  }
0x29: {  	s4 =	sld [smem:$0x3FB2]  }
0x2a: {  	p0 =	seq.s32 s5, $0x0;
	s5 =	sld [smem:$0x3FB3]  }
0x2b: {  	s6 =	sld [smem:$0x3FB4]  }
0x2c: {  	s7 =	sld [smem:$0x3FB5]  }
0x2d: {  	s3 =	simm.s32 $0x108;
	s8 =	sld [smem:$0x3FB6]  }
0x2e: {  	s3 =	simm.s32 @!p0 $0x1082;
	s9 =	sld [smem:$0x3FB7]  }
0x2f: {  	lr =	sadd.s32 s0, s3;
	s0 =	sld [smem:$0x3FAE]  }
0x30: {  	s3 =	sld [smem:$0x3FB1]  }
0x31: {  	[smem:$0x3FBA] =	sst s10  }
0x32: {  	s10 =	sld [smem:$0x3FB8];
	_ =	sdelay $0x3  }
0x33: {  	p0 =	seq.s32 s10, $0x1;
	s10 =	sld [smem:$0x3FBA];
	_ =	sdelay $0x3  }
0x34: {  	[smem:$0x3FBA] =	sst s10  }
0x35: {  	s10 =	sld [smem:$0x3FB9];
	_ =	sdelay $0x3  }
0x36: {  	p1 =	seq.s32 s10, $0x1;
	s10 =	sld [smem:$0x3FBA];
	_ =	sdelay $0x3  }
0x37: {  	[smem:$0x3FBA] =	sst s10  }
0x38: {  	s10 =	sld [smem:$0x3FBB]  }
0x39: {  	_ = 	snop;
	(pc) =	sbr.ind lr, $3  }
0x3a: {  	_ = 	snop  }
0x3b: {  	_ = 	snop  }
0x3c: {  	p2 =	seq.s32 s10, $0x1;
	s10 =	sld [smem:$0x3FBA]  }
0x3d: {  	_ =	shalt  }
0x3e: {  	_ =	shalt  }
0x3f: {  	_ =	shalt  }
0x40: {  	_ =	shalt  }
0x41: {  	_ =	shalt  }
0x42: {  	_ =	shalt  }
0x43: {  	_ =	shalt  }
0x44: {  	_ =	shalt  }
0x45: {  	_ =	shalt  }
0x46: {  	_ =	shalt  }
0x47: {  	_ =	shalt  }
0x48: {  	_ =	shalt  }
0x49: {  	_ =	shalt  }
0x4a: {  	_ =	shalt  }
0x4b: {  	_ =	shalt  }
0x4c: {  	_ =	shalt  }
0x4d: {  	_ =	shalt  }
0x4e: {  	_ =	shalt  }
0x4f: {  	_ =	shalt  }
0x50: {  	_ =	shalt  }
0x51: {  	_ =	shalt  }
0x52: {  	_ =	shalt  }
0x53: {  	_ =	shalt  }
0x54: {  	_ =	shalt  }
0x55: {  	_ =	shalt  }
0x56: {  	_ =	shalt  }
0x57: {  	_ =	shalt  }
0x58: {  	_ =	shalt  }
0x59: {  	_ =	shalt  }
0x5a: {  	_ =	shalt  }
0x5b: {  	_ =	shalt  }
0x5c: {  	_ =	shalt  }
0x5d: {  	_ =	shalt  }
0x5e: {  	_ =	shalt  }
0x5f: {  	_ =	shalt  }
0x60: {  	_ =	shalt  }
0x61: {  	_ =	shalt  }
0x62: {  	_ =	shalt  }
0x63: {  	_ =	shalt  }
0x64: {  	_ =	shalt  }
0x65: {  	_ =	shalt  }
0x66: {  	_ =	shalt  }
0x67: {  	_ =	shalt  }
0x68: {  	_ =	shalt  }
0x69: {  	_ =	shalt  }
0x6a: {  	_ =	shalt  }
0x6b: {  	_ =	shalt  }
0x6c: {  	_ =	shalt  }
0x6d: {  	_ =	shalt  }
0x6e: {  	_ =	shalt  }
0x6f: {  	_ =	shalt  }
0x70: {  	_ =	shalt  }
0x71: {  	_ =	shalt  }
0x72: {  	_ =	shalt  }
0x73: {  	_ =	shalt  }
0x74: {  	_ =	shalt  }
0x75: {  	_ =	shalt  }
0x76: {  	_ =	shalt  }
0x77: {  	_ =	shalt  }
0x78: {  	_ =	shalt  }
0x79: {  	_ =	shalt  }
0x7a: {  	_ =	shalt  }
0x7b: {  	_ =	shalt  }
0x7c: {  	_ =	shalt  }
0x7d: {  	_ =	shalt  }
0x7e: {  	_ =	shalt  }
0x7f: {  	_ =	shalt  }
0x80: {  	_ =	shalt  }
0x81: {  	_ =	shalt  }
0x82: {  	_ =	shalt  }
0x83: {  	_ =	shalt  }
0x84: {  	_ =	shalt  }
0x85: {  	_ =	shalt  }
0x86: {  	_ =	shalt  }
0x87: {  	_ =	shalt  }
.Lfunc_end0:
.L_simem_size_0:
called_computation.3_lowered:
.L_overlay_start_0:
0x88: {  	s2 =	sld [smem:$0x3FD9]  }
0x89: {  	s3 =	sld [smem:$0x3FFE];
	_ =	sdelay $0x1  }
0x8a: {  	s1 =	srdreg.scid  }
0x8b: {  	s0 =	sand.u32 $0x1, s1  }
0x8c: {  	s17 =	sshll.u32 s0, $0xA;
	s2 =	sadd.s32 s3, s2  }
0x8d: {  	s2 =	sadd.s32 s2, s17  }
0x8e: {  	[smem:$0x3FC6] =	sst s2  }
0x8f: {  	_ = 	snop  }
0x90: {  	(tm) =	ssettm $0x1  }
0x91: {  	s18 =	sld [smem:$0x3FFB];
	_ =	sdelay $0x3  }
0x92: {  	_ =	strace s18  }
0x93: {  	s2 =	sld [smem:$0x3FFC];
	_ =	sdelay $0x3  }
0x94: {  	_ =	strace s2  }
0x95: {  	s2 =	sld [smem:$0x3FFD];
	_ =	sdelay $0x3  }
0x96: {  	_ =	strace s2  }
0x97: {  	_ =	strace $0x8FFFFFFF  }
0x98: {  	s19 =	sld [smem:$0x3FDB];
	_ =	sdelay $0x1  }
0x99: {  	s20 =	simm.s32 $_scs_section_size  }
0x9a: {  	s4 =	simm.s32 $_size__tile_overlayer_lowered;
	s5 =	simm.s32 $_tile_overlayer_lowered  }
0x9b: {  	s6 =	simm.s32 $0x1BFF;
	s21 =	sshll.u32 s5, $0x1;
	s3 =	sadd.s32 s20, s19  }
0x9c: {  	s22 =	simm.s32 $0x0;
	s4 =	sshll.u32 s4, $0x1;
	s5 =	sadd.s32 s21, s3  }
0x9d: {  	[timem:s22], [sflag:s6] =	dma.local [hbm:s5], s4  }
0x9e: {  	_ =	swait.ge [sflag:s6], s4  }
0x9f: {  	s4 =	ssub.s32 $0x0, s4;
	[sflag:s6] =	ssyncset.done $0x0  }
0xa0: {  	[sflag:s6] =	ssyncadd.s32 s4;
	_ =	sdelay $0x1  }
0xa1: {  	s23 =	simm.s32 $0x1B8B  }
0xa2: {  	_ =	swait.ge [sflag:s23], $0x1  }
0xa3: {  	[sflag:s23] =	ssyncset.done $0x0  }
0xa4: {  	[sflag:s23] =	ssyncadd.s32 $0xFFFFFFFF  }
0xa5: {  	s4 =	sld [smem:$0x0]  }
0xa6: {  	s5 =	sand.u32 $0xFFFFFFFE, s1  }
0xa7: {  	p0 =	sne.s32 s1, s5  }
0xa8: {  	s5 =	sshll.u32 @p0 s5, $0xE  }
0xa9: {  	s5 =	sadd.s32 @p0 $0x11B8D, s5;
	s6 =	sshll.u32 @p0 s4, $0x11  }
0xaa: {  	s5 =	sor.u32 @p0 s6, s5  }
0xab: {  	[sflag:s5] =	ssyncadd.remote.s32 @p0 $0x1;
	_ =	sdelay $0x1  }
0xac: {  	s5 =	simm.s32 @p0 $0x1B8D  }
0xad: {  	_ =	swait.eq @p0 [sflag:s5], $0x1  }
0xae: {  	[sflag:s5] =	ssyncadd.s32 @p0 $0xFFFFFFFF  }
0xaf: {  	s6 =	sshll.u32 @!p0 s1, $0xE  }
0xb0: {  	s6 =	sor.u32 @!p0 $0x4000, s6;
	s5 =	simm.s32 @!p0 $0x1B8D  }
0xb1: {  	s4 =	sshll.u32 @!p0 s4, $0x11;
	s6 =	sadd.s32 @!p0 $0x11B8D, s6;
	_ =	swait.eq @!p0 [sflag:s5], $0x1  }
0xb2: {  	s4 =	sor.u32 @!p0 s4, s6;
	[sflag:s5] =	ssyncadd.s32 @!p0 $0xFFFFFFFF  }
0xb3: {  	s25 =	simm.s32 $0x1B8E;
	s24 =	sld [smem:$0x3FFE];
	[sflag:s4] =	ssyncadd.remote.s32 @!p0 $0x1  }
0xb4: {  	s26 =	simm.s32 $execute0_lowered;
	[smem:$0x3FD2] =	sst s25  }
0xb5: {  	s5 =	sshll.u32 s26, $0x1;
	_ =	strace $0x8000004F;
	[dreg:$0x1] =	wrdreg $0xFFFFFFFF  }
0xb6: {  	s28 =	simm.s32 $_size_execute0_lowered;
	s3 =	sadd.s32 s3, s5;
	[dreg:$0x0] =	wrdreg $0x0  }
0xb7: {  	s5 =	sshll.u32 s28, $0x1;
	[dreg:$0x2] =	wrdreg s3  }
0xb8: {  	[dreg:$0x3] =	wrdreg s5  }
0xb9: {  	[dreg:$0x4] =	wrdreg $0xC0  }
0xba: {  	_ =	task [dreg:s22], $0x5FFFF  }
0xbb: {  	[dreg:$0x1] =	wrdreg $0xFFFFFFFF  }
0xbc: {  	[dreg:$0x0] =	wrdreg $0x60  }
0xbd: {  	[dreg:$0x2] =	wrdreg s24  }
0xbe: {  	[dreg:$0x3] =	wrdreg $0xC  }
0xbf: {  	_ =	task.clear_ibuf [dreg:s22], $0x4FFFF;
	_ =	strace $0x9000004F  }
0xc0: {  	s29 =	simm.s32 $0xC;
	_ =	strace $0x80000051  }
0xc1: {  	_ =	swait.ge [sflag:s29], $0x1  }
0xc2: {  	[sflag:s29] =	ssyncadd.s32 $0xFFFFFFFF  }
0xc3: {  	_ =	strace $0x90000051  }
0xc4: {  	_ =	sfence  }
0xc5: {  	s30 =	sld [smem:$0x0];
	_ =	sdelay $0x2  }
0xc6: {  	s31 =	sshll.u32 s1, $0xD;
	s1 =	sshrl.u32 s1, $0x2  }
0xc7: {  	s4 =	sand.u32 $0x4000, s31;
	s1 =	sadd.s32 s1, s30  }
0xc8: {  	s0 =	sor.u32 s4, s0;
	s1 =	sshll.u32 s1, $0x11  }
0xc9: {  	s0 =	sor.u32 s1, s0  }
0xca: {  	s0 =	sadd.s32 $0x8F2B, s0  }
0xcb: {  	[sflag:s0] =	ssyncadd.remote.s32 $0x1  }
0xcc: {  	_ =	sfence.sel $0xFFFF  }
0xcd: {  	[dreg:$0x0] =	wrdreg $0xFFFFFFFF;
	(pc) =	sbr.abs _section_cstart, $3  }
0xce: {  	[dreg:$0x1] =	wrdreg $0xFFFFFFFF  }
0xcf: {  	_ =	task.clear_ibuf [dreg:s22], $0x2FFFF;
	_ =	strace $0x9FFFFFFF  }
0xd0: {  	(tm) =	ssettm $0x7FFFFFFF  }
0xd1: {  	_ =	shalt  }
tec
execute0_lowered:
.L_overlay_start_1:
0x0: {  	(tag) =	ssettag $0x1  }
0x1: {  	s0 =	rddreg [dreg:$0x0]  }
0x2: {  	s1 =	srdreg.scid;
	s3 =	stileid.u32;
	s2 =	simm.s32 $0x0  }
0x3: {  	s14 =	simm.s32 $0x3;
	s19 =	simm.s32 $0x1400;
	s20 =	simm.s32 $0x80  }
0x4: {  	s21 =	simm.s32 $0x5400;
	s22 =	simm.s32 $0x1;
	s23 =	simm.s32 $0x2  }
0x5: {  	s25 =	simm.s32 $0x0;
	s1 =	sand.u32 $0x1, s1;
	s3 =	sshll.u32 s3, $0xB  }
0x6: {  	[smem:$0x7FF] =	sst s2;
	s4 =	sshll.u32 s1, $0xA;
	s1 =	ssub.s32 $0x2, s1  }
0x7: {  	_ =	strace $0x80000050;
	s3 =	sor.u32 s4, s3;
	s6 =	sshrl.u32 s1, $0x1  }
0x8: {  	s4 =	sadd.s32 $0x15200, s0;
	s5 =	sshrl.u32 s3, $0x3;
	s30 =	ssub.s32 s1, s6  }
0x9: {  	s31 =	sshll.u32 s3, $0x4;
	s10 =	sadd.s32 s5, s0;
	s5 =	sadd.s32 $0x7B4600, s0  }
0xa: {  	s13 =	smax.u32 s30, $0x1;
	s6 =	sadd.s32 $0x10200, s10;
	s7 =	sadd.s32 $0x11200, s10  }
0xb: {  	s8 =	sadd.s32 $0x12200, s10;
	s9 =	sadd.s32 $0x13200, s10;
	s1 =	sadd.s32 s31, s5  }
0xc: {  	s10 =	sadd.s32 $0x14200, s10;
	s11 =	sadd.s32 $0x203000, s1;
	s12 =	sadd.s32 $0x203800, s1  }
.LBB2_1:
0xd: {  	[tilespmem:s2], [sflag:$0x3] =	stream.linear.gather [hbm4b:s6+s2], $0x400, $0x38;
	[tilespmem:$0x9400] =	vst v63  }
0xe: {  	_ =	swait.ge [sflag:s14], $0x400  }
0xf: {  	[sflag:s14] =	ssyncset.done $0x0  }
0x10: {  	s0 =	simm.s32 $0x400;
	[sflag:s14] =	ssyncadd.s32 $0xFFFFFC00  }
0x11: {  	[tilespmem:s0], [sflag:$0x3] =	stream.linear.gather [hbm4b:s7+s2], $0x400, $0x38;
	[tilespmem:$0x9400] =	vst v63  }
0x12: {  	_ =	swait.ge [sflag:s14], $0x400  }
0x13: {  	[sflag:s14] =	ssyncset.done $0x0  }
0x14: {  	s24 =	simm.s32 $0x800;
	[sflag:s14] =	ssyncadd.s32 $0xFFFFFC00  }
0x15: {  	[tilespmem:s24], [sflag:$0x3] =	stream.linear.gather [hbm4b:s8+s2], $0x400, $0x38;
	[tilespmem:$0x9400] =	vst v63  }
0x16: {  	_ =	swait.ge [sflag:s14], $0x400  }
0x17: {  	[sflag:s14] =	ssyncset.done $0x0  }
0x18: {  	s26 =	simm.s32 $0xC00;
	[sflag:s14] =	ssyncadd.s32 $0xFFFFFC00  }
0x19: {  	[tilespmem:s26], [sflag:$0x3] =	stream.linear.gather [hbm4b:s9+s2], $0x400, $0x38;
	[tilespmem:$0x9400] =	vst v63  }
0x1a: {  	_ =	swait.ge [sflag:s14], $0x400  }
0x1b: {  	[sflag:s14] =	ssyncset.done $0x0  }
0x1c: {  	s1 =	simm.s32 $0x1000;
	[sflag:s14] =	ssyncadd.s32 $0xFFFFFC00  }
0x1d: {  	[tilespmem:s1], [sflag:$0x3] =	stream.linear.gather [hbm4b:s10+s2], $0x400, $0x38;
	[tilespmem:$0x9400] =	vst v63  }
0x1e: {  	_ =	swait.ge [sflag:s14], $0x400  }
0x1f: {  	s15 =	simm.s32 $0x0;
	[sflag:s14] =	ssyncset.done $0x0  }
0x20: {  	s0 =	sand.u32 $0x300, s15;
	s1 =	sand.u32 $0x38000, s2;
	[sflag:s14] =	ssyncadd.s32 $0xFFFFFC00  }
0x21: {  	[tilespmem:s19], [sflag:$0x1] =	stream.indirect.gather [hbm4b:s4+s20], $0x80, s2, s20, $0xb8;
	[tilespmem:$0x9400] =	vst v63  }
0x22: {  	s15 =	simm.s32 $0x80;
	s0 =	sor.u32 s0, s1  }
0x23: {  	[tilespmem:s21], [sflag:$0x2] =	stream.indirect.gather [hbm4b:s4+s20], $0x80, s15, s20, $0xb8;
	[tilespmem:$0x9400] =	vst v63  }
0x24: {  	s0 =	sor.u32 s3, s0;
	_ =	swait.ge [sflag:s22], $0x4000  }
0x25: {  	s0 =	sshll.u32 s0, $0x4;
	[sflag:s22] =	ssyncset.done $0x0  }
0x26: {  	s16 =	simm.s32 $0x100;
	s0 =	sadd.s32 s5, s0;
	[sflag:s22] =	ssyncadd.s32 $0xFFFFC000  }
0x27: {  	[hbm4b:s0+s2] =	stream.linear.scatter [tilespmem:s19], [sflag:$0x3], $0x4000, $0x38;
	[tilespmem:$0x9400] =	vst v63  }
0x28: {  	s17 =	sand.u32 $0x380, s20;
	s28 =	simm.s32 $0x200;
	_ =	swait.ge [sflag:s14], $0x4000  }
0x29: {  	s30 =	simm.s32 $0x300;
	s31 =	simm.s32 $0x4000;
	[sflag:s14] =	ssyncset.done $0x0  }
0x2a: {  	s24 =	simm.s32 $0x2000;
	s1 =	sor.u32 s17, s1;
	[sflag:s14] =	ssyncadd.s32 $0xFFFFC000  }
0x2b: {  	[tilespmem:s19], [sflag:$0x1] =	stream.indirect.gather [hbm4b:s4+s20], $0x80, s16, s20, $0xb8;
	[tilespmem:$0x9400] =	vst v63  }
0x2c: {  	s29 =	sand.u32 $0x38000, s24;
	s18 =	sor.u32 s3, s1;
	_ =	swait.ge [sflag:s23], $0x4000  }
0x2d: {  	s26 =	simm.s32 $0x180;
	s0 =	sshll.u32 s18, $0x4;
	[sflag:s23] =	ssyncset.done $0x0  }
0x2e: {  	s1 =	simm.s32 $0x280;
	s0 =	sadd.s32 s5, s0;
	[sflag:s23] =	ssyncadd.s32 $0xFFFFC000  }
0x2f: {  	[hbm4b:s0+s2] =	stream.linear.scatter [tilespmem:s21], [sflag:$0x3], $0x4000, $0x38;
	[tilespmem:$0x9400] =	vst v63  }
0x30: {  	s15 =	simm.s32 $0x100;
	s0 =	simm.s32 $0x180;
	_ =	swait.ge [sflag:s14], $0x4000  }
.LBB2_2:
0x31: {  	s16 =	sand.u32 $0x38000, s31  }
0x32: {  	s15 =	sand.u32 $0x300, s15;
	[sflag:s14] =	ssyncset.done $0x0;
	s17 =	smov.u32 s1  }
0x33: {  	s18 =	sadd.s32 $0xFFFFFF80, s30;
	s15 =	sor.u32 s15, s29;
	[sflag:s14] =	ssyncadd.s32 $0xFFFFC000  }
0x34: {  	[tilespmem:s21], [sflag:$0x2] =	stream.indirect.gather [hbm4b:s4+s20], $0x80, s0, s20, $0xb8;
	[tilespmem:$0x9400] =	vst v63  }
0x35: {  	s24 =	sadd.s32 $0x100, s1;
	s0 =	sor.u32 s3, s15;
	_ =	swait.ge [sflag:s22], $0x4000  }
0x36: {  	p0 =	sne.s32 s1, $0x1280;
	s0 =	sshll.u32 s0, $0x4;
	[sflag:s22] =	ssyncset.done $0x0  }
0x37: {  	s1 =	sadd.s32 s5, s0;
	s0 =	smov.u32 s18;
	[sflag:s22] =	ssyncadd.s32 $0xFFFFC000  }
0x38: {  	[hbm4b:s1+s2] =	stream.linear.scatter [tilespmem:s19], [sflag:$0x3], $0x4000, $0x38;
	[tilespmem:$0x9400] =	vst v63  }
0x39: {  	s31 =	sadd.s32 $0x2000, s31;
	_ =	swait.ge [sflag:s14], $0x4000  }
0x3a: {  	s1 =	sand.u32 $0x380, s26;
	s26 =	smov.u32 s17;
	[sflag:s14] =	ssyncset.done $0x0  }
0x3b: {  	s1 =	sor.u32 s1, s29;
	s29 =	smov.u32 s16;
	[sflag:s14] =	ssyncadd.s32 $0xFFFFC000  }
0x3c: {  	[tilespmem:s19], [sflag:$0x1] =	stream.indirect.gather [hbm4b:s4+s20], $0x80, s28, s20, $0xb8;
	[tilespmem:$0x9400] =	vst v63  }
.Ltmp0:
0x3d: {  	s1 =	sor.u32 s3, s1;
	_ =	swait.ge [sflag:s23], $0x4000;
	(pc) =	sbr.rel @p0 .LBB2_2-.Ltmp0, $4  }
0x3e: {  	s1 =	sshll.u32 s1, $0x4;
	s28 =	smov.u32 s30;
	[sflag:s23] =	ssyncset.done $0x0  }
0x3f: {  	s30 =	sadd.s32 $0x100, s30;
	s1 =	sadd.s32 s5, s1;
	[sflag:s23] =	ssyncadd.s32 $0xFFFFC000  }
0x40: {  	[hbm4b:s1+s2] =	stream.linear.scatter [tilespmem:s21], [sflag:$0x3], $0x4000, $0x38;
	[tilespmem:$0x9400] =	vst v63  }
0x41: {  	s15 =	sadd.s32 $0xFFFFFF80, s26;
	s1 =	smov.u32 s24;
	_ =	swait.ge [sflag:s14], $0x4000  }
0x42: {  	s1 =	sand.u32 $0x300, s15;
	[sflag:s14] =	ssyncset.done $0x0  }
0x43: {  	s1 =	sor.u32 s1, s29;
	[sflag:s14] =	ssyncadd.s32 $0xFFFFC000  }
0x44: {  	[tilespmem:s21], [sflag:$0x2] =	stream.indirect.gather [hbm4b:s4+s20], $0x80, s0, s20, $0xb8;
	[tilespmem:$0x9400] =	vst v63  }
0x45: {  	s24 =	sor.u32 s3, s1;
	_ =	swait.ge [sflag:s22], $0x4000  }
0x46: {  	s0 =	sshll.u32 s24, $0x4;
	[sflag:s22] =	ssyncset.done $0x0  }
0x47: {  	s0 =	sadd.s32 s5, s0;
	[sflag:s22] =	ssyncadd.s32 $0xFFFFC000  }
0x48: {  	[hbm4b:s0+s2] =	stream.linear.scatter [tilespmem:s19], [sflag:$0x3], $0x4000, $0x38;
	[tilespmem:$0x9400] =	vst v63  }
0x49: {  	_ =	swait.ge [sflag:s14], $0x4000  }
0x4a: {  	s30 =	sand.u32 $0x380, s26;
	[sflag:s14] =	ssyncset.done $0x0  }
0x4b: {  	s0 =	sor.u32 s30, s29;
	[sflag:s14] =	ssyncadd.s32 $0xFFFFC000  }
0x4c: {  	[tilespmem:s19], [sflag:$0x1] =	stream.indirect.gather [hbm4b:s4+s20], $0x80, s28, s20, $0xb8;
	[tilespmem:$0x9400] =	vst v63  }
0x4d: {  	s0 =	sor.u32 s3, s0;
	_ =	swait.ge [sflag:s23], $0x4000  }
0x4e: {  	s0 =	sshll.u32 s0, $0x4;
	[sflag:s23] =	ssyncset.done $0x0  }
0x4f: {  	s0 =	sadd.s32 s5, s0;
	[sflag:s23] =	ssyncadd.s32 $0xFFFFC000  }
0x50: {  	[hbm4b:s0+s2] =	stream.linear.scatter [tilespmem:s21], [sflag:$0x3], $0x4000, $0x38;
	[tilespmem:$0x9400] =	vst v63  }
0x51: {  	_ =	swait.ge [sflag:s14], $0x4000  }
0x52: {  	[sflag:s14] =	ssyncset.done $0x0  }
0x53: {  	s31 =	simm.s32 $0x1380;
	[sflag:s14] =	ssyncadd.s32 $0xFFFFC000  }
0x54: {  	[tilespmem:s21], [sflag:$0x2] =	stream.indirect.gather [hbm4b:s4+s20], $0x80, s31, s20, $0xb8;
	[tilespmem:$0x9400] =	vst v63  }
0x55: {  	_ =	swait.ge [sflag:s22], $0x4000  }
0x56: {  	[sflag:s22] =	ssyncset.done $0x0  }
0x57: {  	[sflag:s22] =	ssyncadd.s32 $0xFFFFC000  }
0x58: {  	[hbm4b:s11+s2] =	stream.linear.scatter [tilespmem:s19], [sflag:$0x3], $0x4000, $0x38;
	[tilespmem:$0x9400] =	vst v63  }
0x59: {  	_ =	swait.ge [sflag:s14], $0x4000  }
0x5a: {  	[sflag:s14] =	ssyncset.done $0x0  }
0x5b: {  	[sflag:s14] =	ssyncadd.s32 $0xFFFFC000  }
0x5c: {  	s25 =	sadd.s32 $0x1, s25;
	_ =	swait.ge [sflag:s23], $0x4000  }
0x5d: {  	p0 =	sne.s32 s25, s13;
	[sflag:s23] =	ssyncset.done $0x0  }
.Ltmp1:
0x5e: {  	[sflag:s23] =	ssyncadd.s32 $0xFFFFC000;
	(pc) =	sbr.rel @p0 .LBB2_1-.Ltmp1, $4  }
0x5f: {  	[hbm4b:s12+s2] =	stream.linear.scatter [tilespmem:s21], [sflag:$0x3], $0x4000, $0x38;
	[tilespmem:$0x9400] =	vst v63  }
0x60: {  	_ =	swait.ge [sflag:s14], $0x4000  }
0x61: {  	[sflag:s14] =	ssyncset.done $0x0  }
0x62: {  	[sflag:s14] =	ssyncadd.s32 $0xFFFFC000  }
0x63: {  	_ =	sfence.sel $0x180000  }
0x64: {  	[bflag:$0x0] =	sbarrier.arrive $0xFFFF  }
0x65: {  	_ =	strace $0x90000050  }
0x66: {  	s0 =	stileid.u32;
	[bflag:$0x2] =	sbarrier.arrive $0xFFFF  }
0x67: {  	p0 =	sne.s32 s0, $0x0;
	s0 =	rddreg [dreg:$0x1]  }
0x68: {  	s0 =	sadd.s32 @!p0 $0x100000, s0  }
0x69: {  	[sflag:s0] =	ssyncadd.tile.s32 @!p0 $0x1;
	_ =	shalt  }
.Lfunc_end2:
_tile_overlayer_lowered:
.L_overlay_start_2:
0x6a: {  	(tag) =	ssettag $0x2  }
0x6b: {  	s0 =	rddreg [dreg:$0x0];
	s2 =	stileid.u32  }
0x6c: {  	s1 =	rddreg [dreg:$0x1];
	p0 =	sne.s32 s2, $0x0  }
0x6d: {  	s3 =	rddreg [dreg:$0x2];
	[bflag:$0x3] =	sbarrier.arrive $0xFFFF;
	s2 =	simm.s32 @!p0 $0x1C03  }
0x6e: {  	[timem:s3], [sflag:s2] =	dma.local @!p0 [hbm:s0], s1  }
0x6f: {  	s0 =	simm.s32 @!p0 $0x3  }
0x70: {  	_ =	swait.ge @!p0 [sflag:s0], s1  }
0x71: {  	s1 =	ssub.s32 @!p0 $0x0, s1;
	[sflag:s0] =	ssyncset.done @!p0 $0x0  }
0x72: {  	[sflag:s0] =	ssyncadd.s32 @!p0 s1  }
0x73: {  	[bflag:$0x3] =	sbarrier.arrive $0xFFFF  }
0x74: {  	_ =	shalt  }

</sc_bundles>
